<compile_context>
chip_gen: v7x
topology: tpu7x:2x2x1
jax: 0.10.2.dev20260603
libtpu: 0.0.44.dev20260713+nightly
codegen_flags: <defaults>
</compile_context>

<pallas_src>
import jax
import jax.numpy as jnp
from jax import lax
from jax.experimental import pallas as pl
from jax.experimental.pallas import tpu as pltpu
from jax.experimental.pallas import tpu_sc as plsc

NC, NS, L = 2, 16, 16
NW = NC * NS
BATCH, SEQ = 4096, 200
ROWS_PER_W = BATCH // NW
RBLK = 16
NBLK = ROWS_PER_W // RBLK
NMAP = 7
TBL = 4096


def _sc_body(tok_hbm, m5, m6, m7, m8, m9, m10, m11, out_hbm,
             tables_v, tok0, tok1, out0, out1,
             tok_sem0, tok_sem1, out_sem0, out_sem1):
    wid = lax.axis_index("s") * NC + lax.axis_index("c")
    row0 = wid * ROWS_PER_W

    tok_bufs = (tok0, tok1)
    out_bufs = (out0, out1)
    tok_sems = (tok_sem0, tok_sem1)
    out_sems = (out_sem0, out_sem1)

    tok_copies = [None] * NBLK
    out_copies = [None] * NBLK

    tok_copies[0] = pltpu.async_copy(
        tok_hbm.at[pl.ds(row0, RBLK), :], tok_bufs[0], tok_sems[0])

    table_copies = [
        pltpu.async_copy(m, tables_v.at[pl.ds(k * TBL, TBL)], out_sems[1])
        for k, m in enumerate((m5, m6, m7, m8, m9, m10, m11))
    ]
    for c in table_copies:
        c.wait()

    for blk in range(NBLK):
        p = blk % 2
        tok_v = tok_bufs[p]
        out_v = out_bufs[p]
        r_off = row0 + blk * RBLK

        tok_copies[blk].wait()
        if blk + 1 < NBLK:
            nxt = (blk + 1) % 2
            tok_copies[blk + 1] = pltpu.async_copy(
                tok_hbm.at[pl.ds(row0 + (blk + 1) * RBLK, RBLK), :],
                tok_bufs[nxt], tok_sems[nxt])
        if blk >= 2:
            out_copies[blk - 2].wait()

        @plsc.parallel_loop(0, RBLK, 1)
        def _gather(r):
            @plsc.parallel_loop(0, SEQ - L, L, unroll=4)
            def _cols(c):
                toks = tok_v[r, pl.ds(c, L)]
                for k in range(NMAP):
                    vals = plsc.load_gather(tables_v, [toks + (k * TBL)])
                    out_v[k, r, pl.ds(c, L)] = vals

            toks = tok_v[r, pl.ds(SEQ - L, L)]
            for k in range(NMAP):
                vals = plsc.load_gather(tables_v, [toks + (k * TBL)])
                out_v[k, r, pl.ds(SEQ - L, L)] = vals

        out_copies[blk] = pltpu.async_copy(
            out_v, out_hbm.at[:, pl.ds(r_off, RBLK), :], out_sems[p])

    for blk in (NBLK - 2, NBLK - 1):
        out_copies[blk].wait()


def kernel(tokens12, map12to5, map12to6, map12to7, map12to8, map12to9,
           map12to10, map12to11):
    mesh = plsc.VectorSubcoreMesh(core_axis_name="c", subcore_axis_name="s",
                                  num_cores=NC, num_subcores=NS)
    out = pl.kernel(
        _sc_body,
        out_type=jax.ShapeDtypeStruct((NMAP, BATCH, SEQ), jnp.float32),
        mesh=mesh,
        scratch_types=[
            pltpu.VMEM((NMAP * TBL,), jnp.float32),
            pltpu.VMEM((RBLK, SEQ), jnp.int32),
            pltpu.VMEM((RBLK, SEQ), jnp.int32),
            pltpu.VMEM((NMAP, RBLK, SEQ), jnp.float32),
            pltpu.VMEM((NMAP, RBLK, SEQ), jnp.float32),
            pltpu.SemaphoreType.DMA,
            pltpu.SemaphoreType.DMA,
            pltpu.SemaphoreType.DMA,
            pltpu.SemaphoreType.DMA,
        ],
        compiler_params=pltpu.CompilerParams(needs_layout_passes=False),
    )(tokens12, map12to5, map12to6, map12to7, map12to8, map12to9, map12to10,
      map12to11)
    return out

# --- scband reference (transcript-rebuilt; emitter-appended) ---
"""Pipeline reference for scband-multi-fold-lang-83545703842321 (READ-ONLY COPY).

The authoritative reference and input builder live on the scoring server;
editing this copy changes nothing except your own understanding.
"""

import jax, jax.numpy as jnp
import numpy as np


def setup_inputs(seed: int = 0) -> dict:
    key = jax.random.key(seed)
    ks = jax.random.split(key, 8)
    # 12-bit VQ token ids, shape [batch, seq] per RECSYS pool
    tokens12 = jax.random.randint(ks[0], (4096, 200), 0, 4096, dtype=jnp.int32)
    inp = {"tokens12": tokens12}
    # Buffers: map12toX maps each of the 4096 12-bit codes to an X-bit code in [0, 2^X).
    # Stored as float32 so gradient flow through the gather is well-defined in the bwd variant.
    for i, b in enumerate(range(5, 12)):
        size = 2 ** b
        inp[f"map12to{b}"] = jax.random.randint(ks[i + 1], (4096,), 0, size, dtype=jnp.int32).astype(jnp.float32)
    return inp


def reference(tokens12, map12to5, map12to6, map12to7, map12to8, map12to9, map12to10, map12to11):
    # Multi-fold language lookup: translate 12-bit fold tokens into every
    # lower-bit codebook vocabulary via buffered mapping tables (pure gather).
    maps = [map12to5, map12to6, map12to7, map12to8, map12to9, map12to10, map12to11]
    outs = [jnp.take(m, tokens12, axis=0) for m in maps]
    return jnp.stack(outs, axis=0)

if __name__ == "__main__":
    import jax
    _d = setup_inputs()
    print(jax.jit(kernel)(*tuple(_d.values())))

</pallas_src>

<mosaic_0001>
#map = affine_map<(d0, d1) -> (0, 0)>
#map1 = affine_map<(d0, d1) -> (0)>
#map2 = affine_map<(d0, d1) -> (0, 0, 0)>
module attributes {stable_mosaic.version = 14 : i64} {
  func.func @_sc_body(%arg0: i32, %arg1: i32, %arg2: memref<4096x200xi32, #tpu.memory_space<hbm>>, %arg3: memref<4096xf32, #tpu.memory_space<hbm>>, %arg4: memref<4096xf32, #tpu.memory_space<hbm>>, %arg5: memref<4096xf32, #tpu.memory_space<hbm>>, %arg6: memref<4096xf32, #tpu.memory_space<hbm>>, %arg7: memref<4096xf32, #tpu.memory_space<hbm>>, %arg8: memref<4096xf32, #tpu.memory_space<hbm>>, %arg9: memref<4096xf32, #tpu.memory_space<hbm>>, %arg10: memref<7x4096x200xf32, #tpu.memory_space<hbm>>, %arg11: memref<28672xf32, #tpu.memory_space<vmem>>, %arg12: memref<16x200xi32, #tpu.memory_space<vmem>>, %arg13: memref<16x200xi32, #tpu.memory_space<vmem>>, %arg14: memref<7x16x200xf32, #tpu.memory_space<vmem>>, %arg15: memref<7x16x200xf32, #tpu.memory_space<vmem>>, %arg16: memref<!tpu.dma_semaphore, #tpu.memory_space<semaphore_mem>>, %arg17: memref<!tpu.dma_semaphore, #tpu.memory_space<semaphore_mem>>, %arg18: memref<!tpu.dma_semaphore, #tpu.memory_space<semaphore_mem>>, %arg19: memref<!tpu.dma_semaphore, #tpu.memory_space<semaphore_mem>>) attributes {dimension_semantics = [#tpu.dimension_semantics<core_parallel>, #tpu.dimension_semantics<subcore_parallel>], iteration_bounds = array<i64: 2, 16>, scalar_prefetch = 0 : i64, scratch_operands = 9 : i64, tpu.core_type = #tpu.core_type<sc_vector_subcore>, window_params = [{transform_indices = #map}, {transform_indices = #map1}, {transform_indices = #map1}, {transform_indices = #map1}, {transform_indices = #map1}, {transform_indices = #map1}, {transform_indices = #map1}, {transform_indices = #map1}, {transform_indices = #map2}]} {
    %mul3A = arith.constant 2 : i32
    %mul3A_0 = arith.muli %arg1, %mul3A : i32
    %add3A = arith.addi %mul3A_0, %arg0 : i32
    %mul3A_1 = arith.constant 128 : i32
    %mul3A_2 = arith.muli %add3A, %mul3A_1 : i32
    %dma_start3A = arith.constant 0 : i32
    %dma_start3A_3 = tpu.memref_slice %arg2[%mul3A_2, %dma_start3A] : memref<4096x200xi32, #tpu.memory_space<hbm>> -> memref<16x200xi32, #tpu.memory_space<hbm>>
    %dma_start3A_4 = arith.constant 0 : i32
    %dma_start3A_5 = tpu.memref_slice %arg2[%mul3A_2, %dma_start3A_4] : memref<4096x200xi32, #tpu.memory_space<hbm>> -> memref<16x200xi32, #tpu.memory_space<hbm>>
    tpu.enqueue_dma source(%dma_start3A_5 : memref<16x200xi32, #tpu.memory_space<hbm>>) target(%arg12 : memref<16x200xi32, #tpu.memory_space<vmem>>) target_semaphore(%arg16 : memref<!tpu.dma_semaphore, #tpu.memory_space<semaphore_mem>>)
    %dma_start3A_6 = arith.constant 0 : i32
    %dma_start3A_7 = tpu.memref_slice %arg11[%dma_start3A_6] : memref<28672xf32, #tpu.memory_space<vmem>> -> memref<4096xf32, #tpu.memory_space<vmem>>
    %dma_start3A_8 = arith.constant 0 : i32
    %dma_start3A_9 = tpu.memref_slice %arg11[%dma_start3A_8] : memref<28672xf32, #tpu.memory_space<vmem>> -> memref<4096xf32, #tpu.memory_space<vmem>>
    tpu.enqueue_dma source(%arg3 : memref<4096xf32, #tpu.memory_space<hbm>>) target(%dma_start3A_9 : memref<4096xf32, #tpu.memory_space<vmem>>) target_semaphore(%arg19 : memref<!tpu.dma_semaphore, #tpu.memory_space<semaphore_mem>>)
    %dma_start3A_10 = arith.constant 4096 : i32
    %dma_start3A_11 = tpu.memref_slice %arg11[%dma_start3A_10] : memref<28672xf32, #tpu.memory_space<vmem>> -> memref<4096xf32, #tpu.memory_space<vmem>>
    %dma_start3A_12 = arith.constant 4096 : i32
    %dma_start3A_13 = tpu.memref_slice %arg11[%dma_start3A_12] : memref<28672xf32, #tpu.memory_space<vmem>> -> memref<4096xf32, #tpu.memory_space<vmem>>
    tpu.enqueue_dma source(%arg4 : memref<4096xf32, #tpu.memory_space<hbm>>) target(%dma_start3A_13 : memref<4096xf32, #tpu.memory_space<vmem>>) target_semaphore(%arg19 : memref<!tpu.dma_semaphore, #tpu.memory_space<semaphore_mem>>)
    %dma_start3A_14 = arith.constant 8192 : i32
    %dma_start3A_15 = tpu.memref_slice %arg11[%dma_start3A_14] : memref<28672xf32, #tpu.memory_space<vmem>> -> memref<4096xf32, #tpu.memory_space<vmem>>
    %dma_start3A_16 = arith.constant 8192 : i32
    %dma_start3A_17 = tpu.memref_slice %arg11[%dma_start3A_16] : memref<28672xf32, #tpu.memory_space<vmem>> -> memref<4096xf32, #tpu.memory_space<vmem>>
    tpu.enqueue_dma source(%arg5 : memref<4096xf32, #tpu.memory_space<hbm>>) target(%dma_start3A_17 : memref<4096xf32, #tpu.memory_space<vmem>>) target_semaphore(%arg19 : memref<!tpu.dma_semaphore, #tpu.memory_space<semaphore_mem>>)
    %dma_start3A_18 = arith.constant 12288 : i32
    %dma_start3A_19 = tpu.memref_slice %arg11[%dma_start3A_18] : memref<28672xf32, #tpu.memory_space<vmem>> -> memref<4096xf32, #tpu.memory_space<vmem>>
    %dma_start3A_20 = arith.constant 12288 : i32
    %dma_start3A_21 = tpu.memref_slice %arg11[%dma_start3A_20] : memref<28672xf32, #tpu.memory_space<vmem>> -> memref<4096xf32, #tpu.memory_space<vmem>>
    tpu.enqueue_dma source(%arg6 : memref<4096xf32, #tpu.memory_space<hbm>>) target(%dma_start3A_21 : memref<4096xf32, #tpu.memory_space<vmem>>) target_semaphore(%arg19 : memref<!tpu.dma_semaphore, #tpu.memory_space<semaphore_mem>>)
    %dma_start3A_22 = arith.constant 16384 : i32
    %dma_start3A_23 = tpu.memref_slice %arg11[%dma_start3A_22] : memref<28672xf32, #tpu.memory_space<vmem>> -> memref<4096xf32, #tpu.memory_space<vmem>>
    %dma_start3A_24 = arith.constant 16384 : i32
    %dma_start3A_25 = tpu.memref_slice %arg11[%dma_start3A_24] : memref<28672xf32, #tpu.memory_space<vmem>> -> memref<4096xf32, #tpu.memory_space<vmem>>
    tpu.enqueue_dma source(%arg7 : memref<4096xf32, #tpu.memory_space<hbm>>) target(%dma_start3A_25 : memref<4096xf32, #tpu.memory_space<vmem>>) target_semaphore(%arg19 : memref<!tpu.dma_semaphore, #tpu.memory_space<semaphore_mem>>)
    %dma_start3A_26 = arith.constant 20480 : i32
    %dma_start3A_27 = tpu.memref_slice %arg11[%dma_start3A_26] : memref<28672xf32, #tpu.memory_space<vmem>> -> memref<4096xf32, #tpu.memory_space<vmem>>
    %dma_start3A_28 = arith.constant 20480 : i32
    %dma_start3A_29 = tpu.memref_slice %arg11[%dma_start3A_28] : memref<28672xf32, #tpu.memory_space<vmem>> -> memref<4096xf32, #tpu.memory_space<vmem>>
    tpu.enqueue_dma source(%arg8 : memref<4096xf32, #tpu.memory_space<hbm>>) target(%dma_start3A_29 : memref<4096xf32, #tpu.memory_space<vmem>>) target_semaphore(%arg19 : memref<!tpu.dma_semaphore, #tpu.memory_space<semaphore_mem>>)
    %dma_start3A_30 = arith.constant 24576 : i32
    %dma_start3A_31 = tpu.memref_slice %arg11[%dma_start3A_30] : memref<28672xf32, #tpu.memory_space<vmem>> -> memref<4096xf32, #tpu.memory_space<vmem>>
    %dma_start3A_32 = arith.constant 24576 : i32
    %dma_start3A_33 = tpu.memref_slice %arg11[%dma_start3A_32] : memref<28672xf32, #tpu.memory_space<vmem>> -> memref<4096xf32, #tpu.memory_space<vmem>>
    tpu.enqueue_dma source(%arg9 : memref<4096xf32, #tpu.memory_space<hbm>>) target(%dma_start3A_33 : memref<4096xf32, #tpu.memory_space<vmem>>) target_semaphore(%arg19 : memref<!tpu.dma_semaphore, #tpu.memory_space<semaphore_mem>>)
    %dma_wait3A = arith.constant 0 : i32
    %dma_wait3A_34 = tpu.memref_slice %arg11[%dma_wait3A] : memref<28672xf32, #tpu.memory_space<vmem>> -> memref<4096xf32, #tpu.memory_space<vmem>>
    %dma_wait3A_35 = arith.constant 0 : i32
    %dma_wait3A_36 = tpu.memref_slice %arg11[%dma_wait3A_35] : memref<28672xf32, #tpu.memory_space<vmem>> -> memref<4096xf32, #tpu.memory_space<vmem>>
    tpu.wait_dma2 semaphore(%arg19 : memref<!tpu.dma_semaphore, #tpu.memory_space<semaphore_mem>>) src(%arg3 : memref<4096xf32, #tpu.memory_space<hbm>>) dst(%dma_wait3A_36 : memref<4096xf32, #tpu.memory_space<vmem>>)
    %dma_wait3A_37 = arith.constant 4096 : i32
    %dma_wait3A_38 = tpu.memref_slice %arg11[%dma_wait3A_37] : memref<28672xf32, #tpu.memory_space<vmem>> -> memref<4096xf32, #tpu.memory_space<vmem>>
    %dma_wait3A_39 = arith.constant 4096 : i32
    %dma_wait3A_40 = tpu.memref_slice %arg11[%dma_wait3A_39] : memref<28672xf32, #tpu.memory_space<vmem>> -> memref<4096xf32, #tpu.memory_space<vmem>>
    tpu.wait_dma2 semaphore(%arg19 : memref<!tpu.dma_semaphore, #tpu.memory_space<semaphore_mem>>) src(%arg4 : memref<4096xf32, #tpu.memory_space<hbm>>) dst(%dma_wait3A_40 : memref<4096xf32, #tpu.memory_space<vmem>>)
    %dma_wait3A_41 = arith.constant 8192 : i32
    %dma_wait3A_42 = tpu.memref_slice %arg11[%dma_wait3A_41] : memref<28672xf32, #tpu.memory_space<vmem>> -> memref<4096xf32, #tpu.memory_space<vmem>>
    %dma_wait3A_43 = arith.constant 8192 : i32
    %dma_wait3A_44 = tpu.memref_slice %arg11[%dma_wait3A_43] : memref<28672xf32, #tpu.memory_space<vmem>> -> memref<4096xf32, #tpu.memory_space<vmem>>
    tpu.wait_dma2 semaphore(%arg19 : memref<!tpu.dma_semaphore, #tpu.memory_space<semaphore_mem>>) src(%arg5 : memref<4096xf32, #tpu.memory_space<hbm>>) dst(%dma_wait3A_44 : memref<4096xf32, #tpu.memory_space<vmem>>)
    %dma_wait3A_45 = arith.constant 12288 : i32
    %dma_wait3A_46 = tpu.memref_slice %arg11[%dma_wait3A_45] : memref<28672xf32, #tpu.memory_space<vmem>> -> memref<4096xf32, #tpu.memory_space<vmem>>
    %dma_wait3A_47 = arith.constant 12288 : i32
    %dma_wait3A_48 = tpu.memref_slice %arg11[%dma_wait3A_47] : memref<28672xf32, #tpu.memory_space<vmem>> -> memref<4096xf32, #tpu.memory_space<vmem>>
    tpu.wait_dma2 semaphore(%arg19 : memref<!tpu.dma_semaphore, #tpu.memory_space<semaphore_mem>>) src(%arg6 : memref<4096xf32, #tpu.memory_space<hbm>>) dst(%dma_wait3A_48 : memref<4096xf32, #tpu.memory_space<vmem>>)
    %dma_wait3A_49 = arith.constant 16384 : i32
    %dma_wait3A_50 = tpu.memref_slice %arg11[%dma_wait3A_49] : memref<28672xf32, #tpu.memory_space<vmem>> -> memref<4096xf32, #tpu.memory_space<vmem>>
    %dma_wait3A_51 = arith.constant 16384 : i32
    %dma_wait3A_52 = tpu.memref_slice %arg11[%dma_wait3A_51] : memref<28672xf32, #tpu.memory_space<vmem>> -> memref<4096xf32, #tpu.memory_space<vmem>>
    tpu.wait_dma2 semaphore(%arg19 : memref<!tpu.dma_semaphore, #tpu.memory_space<semaphore_mem>>) src(%arg7 : memref<4096xf32, #tpu.memory_space<hbm>>) dst(%dma_wait3A_52 : memref<4096xf32, #tpu.memory_space<vmem>>)
    %dma_wait3A_53 = arith.constant 20480 : i32
    %dma_wait3A_54 = tpu.memref_slice %arg11[%dma_wait3A_53] : memref<28672xf32, #tpu.memory_space<vmem>> -> memref<4096xf32, #tpu.memory_space<vmem>>
    %dma_wait3A_55 = arith.constant 20480 : i32
    %dma_wait3A_56 = tpu.memref_slice %arg11[%dma_wait3A_55] : memref<28672xf32, #tpu.memory_space<vmem>> -> memref<4096xf32, #tpu.memory_space<vmem>>
    tpu.wait_dma2 semaphore(%arg19 : memref<!tpu.dma_semaphore, #tpu.memory_space<semaphore_mem>>) src(%arg8 : memref<4096xf32, #tpu.memory_space<hbm>>) dst(%dma_wait3A_56 : memref<4096xf32, #tpu.memory_space<vmem>>)
    %dma_wait3A_57 = arith.constant 24576 : i32
    %dma_wait3A_58 = tpu.memref_slice %arg11[%dma_wait3A_57] : memref<28672xf32, #tpu.memory_space<vmem>> -> memref<4096xf32, #tpu.memory_space<vmem>>
    %dma_wait3A_59 = arith.constant 24576 : i32
    %dma_wait3A_60 = tpu.memref_slice %arg11[%dma_wait3A_59] : memref<28672xf32, #tpu.memory_space<vmem>> -> memref<4096xf32, #tpu.memory_space<vmem>>
    tpu.wait_dma2 semaphore(%arg19 : memref<!tpu.dma_semaphore, #tpu.memory_space<semaphore_mem>>) src(%arg9 : memref<4096xf32, #tpu.memory_space<hbm>>) dst(%dma_wait3A_60 : memref<4096xf32, #tpu.memory_space<vmem>>)
    %add3A_61 = arith.constant 0 : i32
    %add3A_62 = arith.addi %mul3A_2, %add3A_61 : i32
    %dma_wait3A_63 = arith.constant 0 : i32
    %dma_wait3A_64 = tpu.memref_slice %arg2[%mul3A_2, %dma_wait3A_63] : memref<4096x200xi32, #tpu.memory_space<hbm>> -> memref<16x200xi32, #tpu.memory_space<hbm>>
    %dma_wait3A_65 = arith.constant 0 : i32
    %dma_wait3A_66 = tpu.memref_slice %arg2[%mul3A_2, %dma_wait3A_65] : memref<4096x200xi32, #tpu.memory_space<hbm>> -> memref<16x200xi32, #tpu.memory_space<hbm>>
    tpu.wait_dma2 semaphore(%arg16 : memref<!tpu.dma_semaphore, #tpu.memory_space<semaphore_mem>>) src(%dma_wait3A_66 : memref<16x200xi32, #tpu.memory_space<hbm>>) dst(%arg12 : memref<16x200xi32, #tpu.memory_space<vmem>>)
    %add3A_67 = arith.constant 16 : i32
    %add3A_68 = arith.addi %mul3A_2, %add3A_67 : i32
    %dma_start3A_69 = arith.constant 0 : i32
    %dma_start3A_70 = tpu.memref_slice %arg2[%add3A_68, %dma_start3A_69] : memref<4096x200xi32, #tpu.memory_space<hbm>> -> memref<16x200xi32, #tpu.memory_space<hbm>>
    %dma_start3A_71 = arith.constant 0 : i32
    %dma_start3A_72 = tpu.memref_slice %arg2[%add3A_68, %dma_start3A_71] : memref<4096x200xi32, #tpu.memory_space<hbm>> -> memref<16x200xi32, #tpu.memory_space<hbm>>
    tpu.enqueue_dma source(%dma_start3A_72 : memref<16x200xi32, #tpu.memory_space<hbm>>) target(%arg13 : memref<16x200xi32, #tpu.memory_space<vmem>>) target_semaphore(%arg17 : memref<!tpu.dma_semaphore, #tpu.memory_space<semaphore_mem>>)
    %parallel_loop3A = arith.constant 0 : i32
    %parallel_loop3A_73 = arith.constant 16 : i32
    %parallel_loop3A_74 = arith.constant 1 : i32
    scf.for %parallel_loop3A_270 = %parallel_loop3A to %parallel_loop3A_73 step %parallel_loop3A_74  : i32 {
      %parallel_loop3A_271 = arith.constant 0 : i32
      %parallel_loop3A_272 = arith.constant 184 : i32
      %parallel_loop3A_273 = arith.constant 16 : i32
      scf.for %parallel_loop3A_340 = %parallel_loop3A_271 to %parallel_loop3A_272 step %parallel_loop3A_273  : i32 {
        %parallel_loop3A_341 = arith.index_cast %parallel_loop3A_270 : i32 to index
        %parallel_loop3A_342 = arith.index_cast %parallel_loop3A_340 : i32 to index
        %parallel_loop3A_343 = tpu.vector_load %arg12[%parallel_loop3A_341, %parallel_loop3A_342] {strides = array<i32>} : memref<16x200xi32, #tpu.memory_space<vmem>>, vector<16xi32>,
        %parallel_loop3A_344 = arith.constant 0 : i32
        %parallel_loop3A_345 = vector.broadcast %parallel_loop3A_344 : i32 to vector<16xi32>
        %parallel_loop3A_346 = arith.addi %parallel_loop3A_343, %parallel_loop3A_345 : vector<16xi32>
        %parallel_loop3A_347 = tpu.vector_load_idx %arg11[%parallel_loop3A_346] : memref<28672xf32, #tpu.memory_space<vmem>>[vector<16xi32>], vector<16xf32>,
        %parallel_loop3A_348 = arith.constant 0 : i32
        %parallel_loop3A_349 = arith.index_cast %parallel_loop3A_348 : i32 to index
        %parallel_loop3A_350 = arith.index_cast %parallel_loop3A_270 : i32 to index
        %parallel_loop3A_351 = arith.index_cast %parallel_loop3A_340 : i32 to index
        %parallel_loop3A_352 = tpu.vector_load %arg14[%parallel_loop3A_349, %parallel_loop3A_350, %parallel_loop3A_351] {strides = array<i32>} : memref<7x16x200xf32, #tpu.memory_space<vmem>>, vector<16xf32>,
        tpu.vector_store %arg14[%parallel_loop3A_349, %parallel_loop3A_350, %parallel_loop3A_351], %parallel_loop3A_347 {strides = array<i32>} : memref<7x16x200xf32, #tpu.memory_space<vmem>>, vector<16xf32>,
        %parallel_loop3A_353 = arith.constant 4096 : i32
        %parallel_loop3A_354 = vector.broadcast %parallel_loop3A_353 : i32 to vector<16xi32>
        %parallel_loop3A_355 = arith.addi %parallel_loop3A_343, %parallel_loop3A_354 : vector<16xi32>
        %parallel_loop3A_356 = tpu.vector_load_idx %arg11[%parallel_loop3A_355] : memref<28672xf32, #tpu.memory_space<vmem>>[vector<16xi32>], vector<16xf32>,
        %parallel_loop3A_357 = arith.constant 1 : i32
        %parallel_loop3A_358 = arith.index_cast %parallel_loop3A_357 : i32 to index
        %parallel_loop3A_359 = arith.index_cast %parallel_loop3A_270 : i32 to index
        %parallel_loop3A_360 = arith.index_cast %parallel_loop3A_340 : i32 to index
        %parallel_loop3A_361 = tpu.vector_load %arg14[%parallel_loop3A_358, %parallel_loop3A_359, %parallel_loop3A_360] {strides = array<i32>} : memref<7x16x200xf32, #tpu.memory_space<vmem>>, vector<16xf32>,
        tpu.vector_store %arg14[%parallel_loop3A_358, %parallel_loop3A_359, %parallel_loop3A_360], %parallel_loop3A_356 {strides = array<i32>} : memref<7x16x200xf32, #tpu.memory_space<vmem>>, vector<16xf32>,
        %parallel_loop3A_362 = arith.constant 8192 : i32
        %parallel_loop3A_363 = vector.broadcast %parallel_loop3A_362 : i32 to vector<16xi32>
        %parallel_loop3A_364 = arith.addi %parallel_loop3A_343, %parallel_loop3A_363 : vector<16xi32>
        %parallel_loop3A_365 = tpu.vector_load_idx %arg11[%parallel_loop3A_364] : memref<28672xf32, #tpu.memory_space<vmem>>[vector<16xi32>], vector<16xf32>,
        %parallel_loop3A_366 = arith.constant 2 : i32
        %parallel_loop3A_367 = arith.index_cast %parallel_loop3A_366 : i32 to index
        %parallel_loop3A_368 = arith.index_cast %parallel_loop3A_270 : i32 to index
        %parallel_loop3A_369 = arith.index_cast %parallel_loop3A_340 : i32 to index
        %parallel_loop3A_370 = tpu.vector_load %arg14[%parallel_loop3A_367, %parallel_loop3A_368, %parallel_loop3A_369] {strides = array<i32>} : memref<7x16x200xf32, #tpu.memory_space<vmem>>, vector<16xf32>,
        tpu.vector_store %arg14[%parallel_loop3A_367, %parallel_loop3A_368, %parallel_loop3A_369], %parallel_loop3A_365 {strides = array<i32>} : memref<7x16x200xf32, #tpu.memory_space<vmem>>, vector<16xf32>,
        %parallel_loop3A_371 = arith.constant 12288 : i32
        %parallel_loop3A_372 = vector.broadcast %parallel_loop3A_371 : i32 to vector<16xi32>
        %parallel_loop3A_373 = arith.addi %parallel_loop3A_343, %parallel_loop3A_372 : vector<16xi32>
        %parallel_loop3A_374 = tpu.vector_load_idx %arg11[%parallel_loop3A_373] : memref<28672xf32, #tpu.memory_space<vmem>>[vector<16xi32>], vector<16xf32>,
        %parallel_loop3A_375 = arith.constant 3 : i32
        %parallel_loop3A_376 = arith.index_cast %parallel_loop3A_375 : i32 to index
        %parallel_loop3A_377 = arith.index_cast %parallel_loop3A_270 : i32 to index
        %parallel_loop3A_378 = arith.index_cast %parallel_loop3A_340 : i32 to index
        %parallel_loop3A_379 = tpu.vector_load %arg14[%parallel_loop3A_376, %parallel_loop3A_377, %parallel_loop3A_378] {strides = array<i32>} : memref<7x16x200xf32, #tpu.memory_space<vmem>>, vector<16xf32>,
        tpu.vector_store %arg14[%parallel_loop3A_376, %parallel_loop3A_377, %parallel_loop3A_378], %parallel_loop3A_374 {strides = array<i32>} : memref<7x16x200xf32, #tpu.memory_space<vmem>>, vector<16xf32>,
        %parallel_loop3A_380 = arith.constant 16384 : i32
        %parallel_loop3A_381 = vector.broadcast %parallel_loop3A_380 : i32 to vector<16xi32>
        %parallel_loop3A_382 = arith.addi %parallel_loop3A_343, %parallel_loop3A_381 : vector<16xi32>
        %parallel_loop3A_383 = tpu.vector_load_idx %arg11[%parallel_loop3A_382] : memref<28672xf32, #tpu.memory_space<vmem>>[vector<16xi32>], vector<16xf32>,
        %parallel_loop3A_384 = arith.constant 4 : i32
        %parallel_loop3A_385 = arith.index_cast %parallel_loop3A_384 : i32 to index
        %parallel_loop3A_386 = arith.index_cast %parallel_loop3A_270 : i32 to index
        %parallel_loop3A_387 = arith.index_cast %parallel_loop3A_340 : i32 to index
        %parallel_loop3A_388 = tpu.vector_load %arg14[%parallel_loop3A_385, %parallel_loop3A_386, %parallel_loop3A_387] {strides = array<i32>} : memref<7x16x200xf32, #tpu.memory_space<vmem>>, vector<16xf32>,
        tpu.vector_store %arg14[%parallel_loop3A_385, %parallel_loop3A_386, %parallel_loop3A_387], %parallel_loop3A_383 {strides = array<i32>} : memref<7x16x200xf32, #tpu.memory_space<vmem>>, vector<16xf32>,
        %parallel_loop3A_389 = arith.constant 20480 : i32
        %parallel_loop3A_390 = vector.broadcast %parallel_loop3A_389 : i32 to vector<16xi32>
        %parallel_loop3A_391 = arith.addi %parallel_loop3A_343, %parallel_loop3A_390 : vector<16xi32>
        %parallel_loop3A_392 = tpu.vector_load_idx %arg11[%parallel_loop3A_391] : memref<28672xf32, #tpu.memory_space<vmem>>[vector<16xi32>], vector<16xf32>,
        %parallel_loop3A_393 = arith.constant 5 : i32
        %parallel_loop3A_394 = arith.index_cast %parallel_loop3A_393 : i32 to index
        %parallel_loop3A_395 = arith.index_cast %parallel_loop3A_270 : i32 to index
        %parallel_loop3A_396 = arith.index_cast %parallel_loop3A_340 : i32 to index
        %parallel_loop3A_397 = tpu.vector_load %arg14[%parallel_loop3A_394, %parallel_loop3A_395, %parallel_loop3A_396] {strides = array<i32>} : memref<7x16x200xf32, #tpu.memory_space<vmem>>, vector<16xf32>,
        tpu.vector_store %arg14[%parallel_loop3A_394, %parallel_loop3A_395, %parallel_loop3A_396], %parallel_loop3A_392 {strides = array<i32>} : memref<7x16x200xf32, #tpu.memory_space<vmem>>, vector<16xf32>,
        %parallel_loop3A_398 = arith.constant 24576 : i32
        %parallel_loop3A_399 = vector.broadcast %parallel_loop3A_398 : i32 to vector<16xi32>
        %parallel_loop3A_400 = arith.addi %parallel_loop3A_343, %parallel_loop3A_399 : vector<16xi32>
        %parallel_loop3A_401 = tpu.vector_load_idx %arg11[%parallel_loop3A_400] : memref<28672xf32, #tpu.memory_space<vmem>>[vector<16xi32>], vector<16xf32>,
        %parallel_loop3A_402 = arith.constant 6 : i32
        %parallel_loop3A_403 = arith.index_cast %parallel_loop3A_402 : i32 to index
        %parallel_loop3A_404 = arith.index_cast %parallel_loop3A_270 : i32 to index
        %parallel_loop3A_405 = arith.index_cast %parallel_loop3A_340 : i32 to index
        %parallel_loop3A_406 = tpu.vector_load %arg14[%parallel_loop3A_403, %parallel_loop3A_404, %parallel_loop3A_405] {strides = array<i32>} : memref<7x16x200xf32, #tpu.memory_space<vmem>>, vector<16xf32>,
        tpu.vector_store %arg14[%parallel_loop3A_403, %parallel_loop3A_404, %parallel_loop3A_405], %parallel_loop3A_401 {strides = array<i32>} : memref<7x16x200xf32, #tpu.memory_space<vmem>>, vector<16xf32>,
      } {sc.loop_unroll_factor = 4 : i64, sc.parallel_access}
      %parallel_loop3A_274 = arith.index_cast %parallel_loop3A_270 : i32 to index
      %parallel_loop3A_275 = arith.constant 184 : index
      %parallel_loop3A_276 = tpu.vector_load %arg12[%parallel_loop3A_274, %parallel_loop3A_275] {strides = array<i32>} : memref<16x200xi32, #tpu.memory_space<vmem>>, vector<16xi32>,
      %parallel_loop3A_277 = arith.constant 0 : i32
      %parallel_loop3A_278 = vector.broadcast %parallel_loop3A_277 : i32 to vector<16xi32>
      %parallel_loop3A_279 = arith.addi %parallel_loop3A_276, %parallel_loop3A_278 : vector<16xi32>
      %parallel_loop3A_280 = tpu.vector_load_idx %arg11[%parallel_loop3A_279] : memref<28672xf32, #tpu.memory_space<vmem>>[vector<16xi32>], vector<16xf32>,
      %parallel_loop3A_281 = arith.constant 0 : i32
      %parallel_loop3A_282 = arith.index_cast %parallel_loop3A_281 : i32 to index
      %parallel_loop3A_283 = arith.index_cast %parallel_loop3A_270 : i32 to index
      %parallel_loop3A_284 = arith.constant 184 : index
      %parallel_loop3A_285 = tpu.vector_load %arg14[%parallel_loop3A_282, %parallel_loop3A_283, %parallel_loop3A_284] {strides = array<i32>} : memref<7x16x200xf32, #tpu.memory_space<vmem>>, vector<16xf32>,
      tpu.vector_store %arg14[%parallel_loop3A_282, %parallel_loop3A_283, %parallel_loop3A_284], %parallel_loop3A_280 {strides = array<i32>} : memref<7x16x200xf32, #tpu.memory_space<vmem>>, vector<16xf32>,
      %parallel_loop3A_286 = arith.constant 4096 : i32
      %parallel_loop3A_287 = vector.broadcast %parallel_loop3A_286 : i32 to vector<16xi32>
      %parallel_loop3A_288 = arith.addi %parallel_loop3A_276, %parallel_loop3A_287 : vector<16xi32>
      %parallel_loop3A_289 = tpu.vector_load_idx %arg11[%parallel_loop3A_288] : memref<28672xf32, #tpu.memory_space<vmem>>[vector<16xi32>], vector<16xf32>,
      %parallel_loop3A_290 = arith.constant 1 : i32
      %parallel_loop3A_291 = arith.index_cast %parallel_loop3A_290 : i32 to index
      %parallel_loop3A_292 = arith.index_cast %parallel_loop3A_270 : i32 to index
      %parallel_loop3A_293 = arith.constant 184 : index
      %parallel_loop3A_294 = tpu.vector_load %arg14[%parallel_loop3A_291, %parallel_loop3A_292, %parallel_loop3A_293] {strides = array<i32>} : memref<7x16x200xf32, #tpu.memory_space<vmem>>, vector<16xf32>,
      tpu.vector_store %arg14[%parallel_loop3A_291, %parallel_loop3A_292, %parallel_loop3A_293], %parallel_loop3A_289 {strides = array<i32>} : memref<7x16x200xf32, #tpu.memory_space<vmem>>, vector<16xf32>,
      %parallel_loop3A_295 = arith.constant 8192 : i32
      %parallel_loop3A_296 = vector.broadcast %parallel_loop3A_295 : i32 to vector<16xi32>
      %parallel_loop3A_297 = arith.addi %parallel_loop3A_276, %parallel_loop3A_296 : vector<16xi32>
      %parallel_loop3A_298 = tpu.vector_load_idx %arg11[%parallel_loop3A_297] : memref<28672xf32, #tpu.memory_space<vmem>>[vector<16xi32>], vector<16xf32>,
      %parallel_loop3A_299 = arith.constant 2 : i32
      %parallel_loop3A_300 = arith.index_cast %parallel_loop3A_299 : i32 to index
      %parallel_loop3A_301 = arith.index_cast %parallel_loop3A_270 : i32 to index
      %parallel_loop3A_302 = arith.constant 184 : index
      %parallel_loop3A_303 = tpu.vector_load %arg14[%parallel_loop3A_300, %parallel_loop3A_301, %parallel_loop3A_302] {strides = array<i32>} : memref<7x16x200xf32, #tpu.memory_space<vmem>>, vector<16xf32>,
      tpu.vector_store %arg14[%parallel_loop3A_300, %parallel_loop3A_301, %parallel_loop3A_302], %parallel_loop3A_298 {strides = array<i32>} : memref<7x16x200xf32, #tpu.memory_space<vmem>>, vector<16xf32>,
      %parallel_loop3A_304 = arith.constant 12288 : i32
      %parallel_loop3A_305 = vector.broadcast %parallel_loop3A_304 : i32 to vector<16xi32>
      %parallel_loop3A_306 = arith.addi %parallel_loop3A_276, %parallel_loop3A_305 : vector<16xi32>
      %parallel_loop3A_307 = tpu.vector_load_idx %arg11[%parallel_loop3A_306] : memref<28672xf32, #tpu.memory_space<vmem>>[vector<16xi32>], vector<16xf32>,
      %parallel_loop3A_308 = arith.constant 3 : i32
      %parallel_loop3A_309 = arith.index_cast %parallel_loop3A_308 : i32 to index
      %parallel_loop3A_310 = arith.index_cast %parallel_loop3A_270 : i32 to index
      %parallel_loop3A_311 = arith.constant 184 : index
      %parallel_loop3A_312 = tpu.vector_load %arg14[%parallel_loop3A_309, %parallel_loop3A_310, %parallel_loop3A_311] {strides = array<i32>} : memref<7x16x200xf32, #tpu.memory_space<vmem>>, vector<16xf32>,
      tpu.vector_store %arg14[%parallel_loop3A_309, %parallel_loop3A_310, %parallel_loop3A_311], %parallel_loop3A_307 {strides = array<i32>} : memref<7x16x200xf32, #tpu.memory_space<vmem>>, vector<16xf32>,
      %parallel_loop3A_313 = arith.constant 16384 : i32
      %parallel_loop3A_314 = vector.broadcast %parallel_loop3A_313 : i32 to vector<16xi32>
      %parallel_loop3A_315 = arith.addi %parallel_loop3A_276, %parallel_loop3A_314 : vector<16xi32>
      %parallel_loop3A_316 = tpu.vector_load_idx %arg11[%parallel_loop3A_315] : memref<28672xf32, #tpu.memory_space<vmem>>[vector<16xi32>], vector<16xf32>,
      %parallel_loop3A_317 = arith.constant 4 : i32
      %parallel_loop3A_318 = arith.index_cast %parallel_loop3A_317 : i32 to index
      %parallel_loop3A_319 = arith.index_cast %parallel_loop3A_270 : i32 to index
      %parallel_loop3A_320 = arith.constant 184 : index
      %parallel_loop3A_321 = tpu.vector_load %arg14[%parallel_loop3A_318, %parallel_loop3A_319, %parallel_loop3A_320] {strides = array<i32>} : memref<7x16x200xf32, #tpu.memory_space<vmem>>, vector<16xf32>,
      tpu.vector_store %arg14[%parallel_loop3A_318, %parallel_loop3A_319, %parallel_loop3A_320], %parallel_loop3A_316 {strides = array<i32>} : memref<7x16x200xf32, #tpu.memory_space<vmem>>, vector<16xf32>,
      %parallel_loop3A_322 = arith.constant 20480 : i32
      %parallel_loop3A_323 = vector.broadcast %parallel_loop3A_322 : i32 to vector<16xi32>
      %parallel_loop3A_324 = arith.addi %parallel_loop3A_276, %parallel_loop3A_323 : vector<16xi32>
      %parallel_loop3A_325 = tpu.vector_load_idx %arg11[%parallel_loop3A_324] : memref<28672xf32, #tpu.memory_space<vmem>>[vector<16xi32>], vector<16xf32>,
      %parallel_loop3A_326 = arith.constant 5 : i32
      %parallel_loop3A_327 = arith.index_cast %parallel_loop3A_326 : i32 to index
      %parallel_loop3A_328 = arith.index_cast %parallel_loop3A_270 : i32 to index
      %parallel_loop3A_329 = arith.constant 184 : index
      %parallel_loop3A_330 = tpu.vector_load %arg14[%parallel_loop3A_327, %parallel_loop3A_328, %parallel_loop3A_329] {strides = array<i32>} : memref<7x16x200xf32, #tpu.memory_space<vmem>>, vector<16xf32>,
      tpu.vector_store %arg14[%parallel_loop3A_327, %parallel_loop3A_328, %parallel_loop3A_329], %parallel_loop3A_325 {strides = array<i32>} : memref<7x16x200xf32, #tpu.memory_space<vmem>>, vector<16xf32>,
      %parallel_loop3A_331 = arith.constant 24576 : i32
      %parallel_loop3A_332 = vector.broadcast %parallel_loop3A_331 : i32 to vector<16xi32>
      %parallel_loop3A_333 = arith.addi %parallel_loop3A_276, %parallel_loop3A_332 : vector<16xi32>
      %parallel_loop3A_334 = tpu.vector_load_idx %arg11[%parallel_loop3A_333] : memref<28672xf32, #tpu.memory_space<vmem>>[vector<16xi32>], vector<16xf32>,
      %parallel_loop3A_335 = arith.constant 6 : i32
      %parallel_loop3A_336 = arith.index_cast %parallel_loop3A_335 : i32 to index
      %parallel_loop3A_337 = arith.index_cast %parallel_loop3A_270 : i32 to index
      %parallel_loop3A_338 = arith.constant 184 : index
      %parallel_loop3A_339 = tpu.vector_load %arg14[%parallel_loop3A_336, %parallel_loop3A_337, %parallel_loop3A_338] {strides = array<i32>} : memref<7x16x200xf32, #tpu.memory_space<vmem>>, vector<16xf32>,
      tpu.vector_store %arg14[%parallel_loop3A_336, %parallel_loop3A_337, %parallel_loop3A_338], %parallel_loop3A_334 {strides = array<i32>} : memref<7x16x200xf32, #tpu.memory_space<vmem>>, vector<16xf32>,
    } {sc.loop_unroll_factor = 1 : i64, sc.parallel_access}
    %dma_start3A_75 = arith.constant 0 : i32
    %dma_start3A_76 = arith.constant 0 : i32
    %dma_start3A_77 = tpu.memref_slice %arg10[%dma_start3A_75, %add3A_62, %dma_start3A_76] : memref<7x4096x200xf32, #tpu.memory_space<hbm>> -> memref<7x16x200xf32, #tpu.memory_space<hbm>>
    %dma_start3A_78 = arith.constant 0 : i32
    %dma_start3A_79 = arith.constant 0 : i32
    %dma_start3A_80 = tpu.memref_slice %arg10[%dma_start3A_78, %add3A_62, %dma_start3A_79] : memref<7x4096x200xf32, #tpu.memory_space<hbm>> -> memref<7x16x200xf32, #tpu.memory_space<hbm>>
    tpu.enqueue_dma source(%arg14 : memref<7x16x200xf32, #tpu.memory_space<vmem>>) target(%dma_start3A_80 : memref<7x16x200xf32, #tpu.memory_space<hbm>>) target_semaphore(%arg18 : memref<!tpu.dma_semaphore, #tpu.memory_space<semaphore_mem>>)
    %add3A_81 = arith.constant 16 : i32
    %add3A_82 = arith.addi %mul3A_2, %add3A_81 : i32
    %dma_wait3A_83 = arith.constant 0 : i32
    %dma_wait3A_84 = tpu.memref_slice %arg2[%add3A_68, %dma_wait3A_83] : memref<4096x200xi32, #tpu.memory_space<hbm>> -> memref<16x200xi32, #tpu.memory_space<hbm>>
    %dma_wait3A_85 = arith.constant 0 : i32
    %dma_wait3A_86 = tpu.memref_slice %arg2[%add3A_68, %dma_wait3A_85] : memref<4096x200xi32, #tpu.memory_space<hbm>> -> memref<16x200xi32, #tpu.memory_space<hbm>>
    tpu.wait_dma2 semaphore(%arg17 : memref<!tpu.dma_semaphore, #tpu.memory_space<semaphore_mem>>) src(%dma_wait3A_86 : memref<16x200xi32, #tpu.memory_space<hbm>>) dst(%arg13 : memref<16x200xi32, #tpu.memory_space<vmem>>)
    %add3A_87 = arith.constant 32 : i32
    %add3A_88 = arith.addi %mul3A_2, %add3A_87 : i32
    %dma_start3A_89 = arith.constant 0 : i32
    %dma_start3A_90 = tpu.memref_slice %arg2[%add3A_88, %dma_start3A_89] : memref<4096x200xi32, #tpu.memory_space<hbm>> -> memref<16x200xi32, #tpu.memory_space<hbm>>
    %dma_start3A_91 = arith.constant 0 : i32
    %dma_start3A_92 = tpu.memref_slice %arg2[%add3A_88, %dma_start3A_91] : memref<4096x200xi32, #tpu.memory_space<hbm>> -> memref<16x200xi32, #tpu.memory_space<hbm>>
    tpu.enqueue_dma source(%dma_start3A_92 : memref<16x200xi32, #tpu.memory_space<hbm>>) target(%arg12 : memref<16x200xi32, #tpu.memory_space<vmem>>) target_semaphore(%arg16 : memref<!tpu.dma_semaphore, #tpu.memory_space<semaphore_mem>>)
    %parallel_loop3A_93 = arith.constant 0 : i32
    %parallel_loop3A_94 = arith.constant 16 : i32
    %parallel_loop3A_95 = arith.constant 1 : i32
    scf.for %parallel_loop3A_270 = %parallel_loop3A_93 to %parallel_loop3A_94 step %parallel_loop3A_95  : i32 {
      %parallel_loop3A_271 = arith.constant 0 : i32
      %parallel_loop3A_272 = arith.constant 184 : i32
      %parallel_loop3A_273 = arith.constant 16 : i32
      scf.for %parallel_loop3A_340 = %parallel_loop3A_271 to %parallel_loop3A_272 step %parallel_loop3A_273  : i32 {
        %parallel_loop3A_341 = arith.index_cast %parallel_loop3A_270 : i32 to index
        %parallel_loop3A_342 = arith.index_cast %parallel_loop3A_340 : i32 to index
        %parallel_loop3A_343 = tpu.vector_load %arg13[%parallel_loop3A_341, %parallel_loop3A_342] {strides = array<i32>} : memref<16x200xi32, #tpu.memory_space<vmem>>, vector<16xi32>,
        %parallel_loop3A_344 = arith.constant 0 : i32
        %parallel_loop3A_345 = vector.broadcast %parallel_loop3A_344 : i32 to vector<16xi32>
        %parallel_loop3A_346 = arith.addi %parallel_loop3A_343, %parallel_loop3A_345 : vector<16xi32>
        %parallel_loop3A_347 = tpu.vector_load_idx %arg11[%parallel_loop3A_346] : memref<28672xf32, #tpu.memory_space<vmem>>[vector<16xi32>], vector<16xf32>,
        %parallel_loop3A_348 = arith.constant 0 : i32
        %parallel_loop3A_349 = arith.index_cast %parallel_loop3A_348 : i32 to index
        %parallel_loop3A_350 = arith.index_cast %parallel_loop3A_270 : i32 to index
        %parallel_loop3A_351 = arith.index_cast %parallel_loop3A_340 : i32 to index
        %parallel_loop3A_352 = tpu.vector_load %arg15[%parallel_loop3A_349, %parallel_loop3A_350, %parallel_loop3A_351] {strides = array<i32>} : memref<7x16x200xf32, #tpu.memory_space<vmem>>, vector<16xf32>,
        tpu.vector_store %arg15[%parallel_loop3A_349, %parallel_loop3A_350, %parallel_loop3A_351], %parallel_loop3A_347 {strides = array<i32>} : memref<7x16x200xf32, #tpu.memory_space<vmem>>, vector<16xf32>,
        %parallel_loop3A_353 = arith.constant 4096 : i32
        %parallel_loop3A_354 = vector.broadcast %parallel_loop3A_353 : i32 to vector<16xi32>
        %parallel_loop3A_355 = arith.addi %parallel_loop3A_343, %parallel_loop3A_354 : vector<16xi32>
        %parallel_loop3A_356 = tpu.vector_load_idx %arg11[%parallel_loop3A_355] : memref<28672xf32, #tpu.memory_space<vmem>>[vector<16xi32>], vector<16xf32>,
        %parallel_loop3A_357 = arith.constant 1 : i32
        %parallel_loop3A_358 = arith.index_cast %parallel_loop3A_357 : i32 to index
        %parallel_loop3A_359 = arith.index_cast %parallel_loop3A_270 : i32 to index
        %parallel_loop3A_360 = arith.index_cast %parallel_loop3A_340 : i32 to index
        %parallel_loop3A_361 = tpu.vector_load %arg15[%parallel_loop3A_358, %parallel_loop3A_359, %parallel_loop3A_360] {strides = array<i32>} : memref<7x16x200xf32, #tpu.memory_space<vmem>>, vector<16xf32>,
        tpu.vector_store %arg15[%parallel_loop3A_358, %parallel_loop3A_359, %parallel_loop3A_360], %parallel_loop3A_356 {strides = array<i32>} : memref<7x16x200xf32, #tpu.memory_space<vmem>>, vector<16xf32>,
        %parallel_loop3A_362 = arith.constant 8192 : i32
        %parallel_loop3A_363 = vector.broadcast %parallel_loop3A_362 : i32 to vector<16xi32>
        %parallel_loop3A_364 = arith.addi %parallel_loop3A_343, %parallel_loop3A_363 : vector<16xi32>
        %parallel_loop3A_365 = tpu.vector_load_idx %arg11[%parallel_loop3A_364] : memref<28672xf32, #tpu.memory_space<vmem>>[vector<16xi32>], vector<16xf32>,
        %parallel_loop3A_366 = arith.constant 2 : i32
        %parallel_loop3A_367 = arith.index_cast %parallel_loop3A_366 : i32 to index
        %parallel_loop3A_368 = arith.index_cast %parallel_loop3A_270 : i32 to index
        %parallel_loop3A_369 = arith.index_cast %parallel_loop3A_340 : i32 to index
        %parallel_loop3A_370 = tpu.vector_load %arg15[%parallel_loop3A_367, %parallel_loop3A_368, %parallel_loop3A_369] {strides = array<i32>} : memref<7x16x200xf32, #tpu.memory_space<vmem>>, vector<16xf32>,
        tpu.vector_store %arg15[%parallel_loop3A_367, %parallel_loop3A_368, %parallel_loop3A_369], %parallel_loop3A_365 {strides = array<i32>} : memref<7x16x200xf32, #tpu.memory_space<vmem>>, vector<16xf32>,
        %parallel_loop3A_371 = arith.constant 12288 : i32
        %parallel_loop3A_372 = vector.broadcast %parallel_loop3A_371 : i32 to vector<16xi32>
        %parallel_loop3A_373 = arith.addi %parallel_loop3A_343, %parallel_loop3A_372 : vector<16xi32>
        %parallel_loop3A_374 = tpu.vector_load_idx %arg11[%parallel_loop3A_373] : memref<28672xf32, #tpu.memory_space<vmem>>[vector<16xi32>], vector<16xf32>,
        %parallel_loop3A_375 = arith.constant 3 : i32
        %parallel_loop3A_376 = arith.index_cast %parallel_loop3A_375 : i32 to index
        %parallel_loop3A_377 = arith.index_cast %parallel_loop3A_270 : i32 to index
        %parallel_loop3A_378 = arith.index_cast %parallel_loop3A_340 : i32 to index
        %parallel_loop3A_379 = tpu.vector_load %arg15[%parallel_loop3A_376, %parallel_loop3A_377, %parallel_loop3A_378] {strides = array<i32>} : memref<7x16x200xf32, #tpu.memory_space<vmem>>, vector<16xf32>,
        tpu.vector_store %arg15[%parallel_loop3A_376, %parallel_loop3A_377, %parallel_loop3A_378], %parallel_loop3A_374 {strides = array<i32>} : memref<7x16x200xf32, #tpu.memory_space<vmem>>, vector<16xf32>,
        %parallel_loop3A_380 = arith.constant 16384 : i32
        %parallel_loop3A_381 = vector.broadcast %parallel_loop3A_380 : i32 to vector<16xi32>
        %parallel_loop3A_382 = arith.addi %parallel_loop3A_343, %parallel_loop3A_381 : vector<16xi32>
        %parallel_loop3A_383 = tpu.vector_load_idx %arg11[%parallel_loop3A_382] : memref<28672xf32, #tpu.memory_space<vmem>>[vector<16xi32>], vector<16xf32>,
        %parallel_loop3A_384 = arith.constant 4 : i32
        %parallel_loop3A_385 = arith.index_cast %parallel_loop3A_384 : i32 to index
        %parallel_loop3A_386 = arith.index_cast %parallel_loop3A_270 : i32 to index
        %parallel_loop3A_387 = arith.index_cast %parallel_loop3A_340 : i32 to index
        %parallel_loop3A_388 = tpu.vector_load %arg15[%parallel_loop3A_385, %parallel_loop3A_386, %parallel_loop3A_387] {strides = array<i32>} : memref<7x16x200xf32, #tpu.memory_space<vmem>>, vector<16xf32>,
        tpu.vector_store %arg15[%parallel_loop3A_385, %parallel_loop3A_386, %parallel_loop3A_387], %parallel_loop3A_383 {strides = array<i32>} : memref<7x16x200xf32, #tpu.memory_space<vmem>>, vector<16xf32>,
        %parallel_loop3A_389 = arith.constant 20480 : i32
        %parallel_loop3A_390 = vector.broadcast %parallel_loop3A_389 : i32 to vector<16xi32>
        %parallel_loop3A_391 = arith.addi %parallel_loop3A_343, %parallel_loop3A_390 : vector<16xi32>
        %parallel_loop3A_392 = tpu.vector_load_idx %arg11[%parallel_loop3A_391] : memref<28672xf32, #tpu.memory_space<vmem>>[vector<16xi32>], vector<16xf32>,
        %parallel_loop3A_393 = arith.constant 5 : i32
        %parallel_loop3A_394 = arith.index_cast %parallel_loop3A_393 : i32 to index
        %parallel_loop3A_395 = arith.index_cast %parallel_loop3A_270 : i32 to index
        %parallel_loop3A_396 = arith.index_cast %parallel_loop3A_340 : i32 to index
        %parallel_loop3A_397 = tpu.vector_load %arg15[%parallel_loop3A_394, %parallel_loop3A_395, %parallel_loop3A_396] {strides = array<i32>} : memref<7x16x200xf32, #tpu.memory_space<vmem>>, vector<16xf32>,
        tpu.vector_store %arg15[%parallel_loop3A_394, %parallel_loop3A_395, %parallel_loop3A_396], %parallel_loop3A_392 {strides = array<i32>} : memref<7x16x200xf32, #tpu.memory_space<vmem>>, vector<16xf32>,
        %parallel_loop3A_398 = arith.constant 24576 : i32
        %parallel_loop3A_399 = vector.broadcast %parallel_loop3A_398 : i32 to vector<16xi32>
        %parallel_loop3A_400 = arith.addi %parallel_loop3A_343, %parallel_loop3A_399 : vector<16xi32>
        %parallel_loop3A_401 = tpu.vector_load_idx %arg11[%parallel_loop3A_400] : memref<28672xf32, #tpu.memory_space<vmem>>[vector<16xi32>], vector<16xf32>,
        %parallel_loop3A_402 = arith.constant 6 : i32
        %parallel_loop3A_403 = arith.index_cast %parallel_loop3A_402 : i32 to index
        %parallel_loop3A_404 = arith.index_cast %parallel_loop3A_270 : i32 to index
        %parallel_loop3A_405 = arith.index_cast %parallel_loop3A_340 : i32 to index
        %parallel_loop3A_406 = tpu.vector_load %arg15[%parallel_loop3A_403, %parallel_loop3A_404, %parallel_loop3A_405] {strides = array<i32>} : memref<7x16x200xf32, #tpu.memory_space<vmem>>, vector<16xf32>,
        tpu.vector_store %arg15[%parallel_loop3A_403, %parallel_loop3A_404, %parallel_loop3A_405], %parallel_loop3A_401 {strides = array<i32>} : memref<7x16x200xf32, #tpu.memory_space<vmem>>, vector<16xf32>,
      } {sc.loop_unroll_factor = 4 : i64, sc.parallel_access}
      %parallel_loop3A_274 = arith.index_cast %parallel_loop3A_270 : i32 to index
      %parallel_loop3A_275 = arith.constant 184 : index
      %parallel_loop3A_276 = tpu.vector_load %arg13[%parallel_loop3A_274, %parallel_loop3A_275] {strides = array<i32>} : memref<16x200xi32, #tpu.memory_space<vmem>>, vector<16xi32>,
      %parallel_loop3A_277 = arith.constant 0 : i32
      %parallel_loop3A_278 = vector.broadcast %parallel_loop3A_277 : i32 to vector<16xi32>
      %parallel_loop3A_279 = arith.addi %parallel_loop3A_276, %parallel_loop3A_278 : vector<16xi32>
      %parallel_loop3A_280 = tpu.vector_load_idx %arg11[%parallel_loop3A_279] : memref<28672xf32, #tpu.memory_space<vmem>>[vector<16xi32>], vector<16xf32>,
      %parallel_loop3A_281 = arith.constant 0 : i32
      %parallel_loop3A_282 = arith.index_cast %parallel_loop3A_281 : i32 to index
      %parallel_loop3A_283 = arith.index_cast %parallel_loop3A_270 : i32 to index
      %parallel_loop3A_284 = arith.constant 184 : index
      %parallel_loop3A_285 = tpu.vector_load %arg15[%parallel_loop3A_282, %parallel_loop3A_283, %parallel_loop3A_284] {strides = array<i32>} : memref<7x16x200xf32, #tpu.memory_space<vmem>>, vector<16xf32>,
      tpu.vector_store %arg15[%parallel_loop3A_282, %parallel_loop3A_283, %parallel_loop3A_284], %parallel_loop3A_280 {strides = array<i32>} : memref<7x16x200xf32, #tpu.memory_space<vmem>>, vector<16xf32>,
      %parallel_loop3A_286 = arith.constant 4096 : i32
      %parallel_loop3A_287 = vector.broadcast %parallel_loop3A_286 : i32 to vector<16xi32>
      %parallel_loop3A_288 = arith.addi %parallel_loop3A_276, %parallel_loop3A_287 : vector<16xi32>
      %parallel_loop3A_289 = tpu.vector_load_idx %arg11[%parallel_loop3A_288] : memref<28672xf32, #tpu.memory_space<vmem>>[vector<16xi32>], vector<16xf32>,
      %parallel_loop3A_290 = arith.constant 1 : i32
      %parallel_loop3A_291 = arith.index_cast %parallel_loop3A_290 : i32 to index
      %parallel_loop3A_292 = arith.index_cast %parallel_loop3A_270 : i32 to index
      %parallel_loop3A_293 = arith.constant 184 : index
      %parallel_loop3A_294 = tpu.vector_load %arg15[%parallel_loop3A_291, %parallel_loop3A_292, %parallel_loop3A_293] {strides = array<i32>} : memref<7x16x200xf32, #tpu.memory_space<vmem>>, vector<16xf32>,
      tpu.vector_store %arg15[%parallel_loop3A_291, %parallel_loop3A_292, %parallel_loop3A_293], %parallel_loop3A_289 {strides = array<i32>} : memref<7x16x200xf32, #tpu.memory_space<vmem>>, vector<16xf32>,
      %parallel_loop3A_295 = arith.constant 8192 : i32
      %parallel_loop3A_296 = vector.broadcast %parallel_loop3A_295 : i32 to vector<16xi32>
      %parallel_loop3A_297 = arith.addi %parallel_loop3A_276, %parallel_loop3A_296 : vector<16xi32>
      %parallel_loop3A_298 = tpu.vector_load_idx %arg11[%parallel_loop3A_297] : memref<28672xf32, #tpu.memory_space<vmem>>[vector<16xi32>], vector<16xf32>,
      %parallel_loop3A_299 = arith.constant 2 : i32
      %parallel_loop3A_300 = arith.index_cast %parallel_loop3A_299 : i32 to index
      %parallel_loop3A_301 = arith.index_cast %parallel_loop3A_270 : i32 to index
      %parallel_loop3A_302 = arith.constant 184 : index
      %parallel_loop3A_303 = tpu.vector_load %arg15[%parallel_loop3A_300, %parallel_loop3A_301, %parallel_loop3A_302] {strides = array<i32>} : memref<7x16x200xf32, #tpu.memory_space<vmem>>, vector<16xf32>,
      tpu.vector_store %arg15[%parallel_loop3A_300, %parallel_loop3A_301, %parallel_loop3A_302], %parallel_loop3A_298 {strides = array<i32>} : memref<7x16x200xf32, #tpu.memory_space<vmem>>, vector<16xf32>,
      %parallel_loop3A_304 = arith.constant 12288 : i32
      %parallel_loop3A_305 = vector.broadcast %parallel_loop3A_304 : i32 to vector<16xi32>
      %parallel_loop3A_306 = arith.addi %parallel_loop3A_276, %parallel_loop3A_305 : vector<16xi32>
      %parallel_loop3A_307 = tpu.vector_load_idx %arg11[%parallel_loop3A_306] : memref<28672xf32, #tpu.memory_space<vmem>>[vector<16xi32>], vector<16xf32>,
      %parallel_loop3A_308 = arith.constant 3 : i32
      %parallel_loop3A_309 = arith.index_cast %parallel_loop3A_308 : i32 to index
      %parallel_loop3A_310 = arith.index_cast %parallel_loop3A_270 : i32 to index
      %parallel_loop3A_311 = arith.constant 184 : index
      %parallel_loop3A_312 = tpu.vector_load %arg15[%parallel_loop3A_309, %parallel_loop3A_310, %parallel_loop3A_311] {strides = array<i32>} : memref<7x16x200xf32, #tpu.memory_space<vmem>>, vector<16xf32>,
      tpu.vector_store %arg15[%parallel_loop3A_309, %parallel_loop3A_310, %parallel_loop3A_311], %parallel_loop3A_307 {strides = array<i32>} : memref<7x16x200xf32, #tpu.memory_space<vmem>>, vector<16xf32>,
      %parallel_loop3A_313 = arith.constant 16384 : i32
      %parallel_loop3A_314 = vector.broadcast %parallel_loop3A_313 : i32 to vector<16xi32>
      %parallel_loop3A_315 = arith.addi %parallel_loop3A_276, %parallel_loop3A_314 : vector<16xi32>
      %parallel_loop3A_316 = tpu.vector_load_idx %arg11[%parallel_loop3A_315] : memref<28672xf32, #tpu.memory_space<vmem>>[vector<16xi32>], vector<16xf32>,
      %parallel_loop3A_317 = arith.constant 4 : i32
      %parallel_loop3A_318 = arith.index_cast %parallel_loop3A_317 : i32 to index
      %parallel_loop3A_319 = arith.index_cast %parallel_loop3A_270 : i32 to index
      %parallel_loop3A_320 = arith.constant 184 : index
      %parallel_loop3A_321 = tpu.vector_load %arg15[%parallel_loop3A_318, %parallel_loop3A_319, %parallel_loop3A_320] {strides = array<i32>} : memref<7x16x200xf32, #tpu.memory_space<vmem>>, vector<16xf32>,
      tpu.vector_store %arg15[%parallel_loop3A_318, %parallel_loop3A_319, %parallel_loop3A_320], %parallel_loop3A_316 {strides = array<i32>} : memref<7x16x200xf32, #tpu.memory_space<vmem>>, vector<16xf32>,
      %parallel_loop3A_322 = arith.constant 20480 : i32
      %parallel_loop3A_323 = vector.broadcast %parallel_loop3A_322 : i32 to vector<16xi32>
      %parallel_loop3A_324 = arith.addi %parallel_loop3A_276, %parallel_loop3A_323 : vector<16xi32>
      %parallel_loop3A_325 = tpu.vector_load_idx %arg11[%parallel_loop3A_324] : memref<28672xf32, #tpu.memory_space<vmem>>[vector<16xi32>], vector<16xf32>,
      %parallel_loop3A_326 = arith.constant 5 : i32
      %parallel_loop3A_327 = arith.index_cast %parallel_loop3A_326 : i32 to index
      %parallel_loop3A_328 = arith.index_cast %parallel_loop3A_270 : i32 to index
      %parallel_loop3A_329 = arith.constant 184 : index
      %parallel_loop3A_330 = tpu.vector_load %arg15[%parallel_loop3A_327, %parallel_loop3A_328, %parallel_loop3A_329] {strides = array<i32>} : memref<7x16x200xf32, #tpu.memory_space<vmem>>, vector<16xf32>,
      tpu.vector_store %arg15[%parallel_loop3A_327, %parallel_loop3A_328, %parallel_loop3A_329], %parallel_loop3A_325 {strides = array<i32>} : memref<7x16x200xf32, #tpu.memory_space<vmem>>, vector<16xf32>,
      %parallel_loop3A_331 = arith.constant 24576 : i32
      %parallel_loop3A_332 = vector.broadcast %parallel_loop3A_331 : i32 to vector<16xi32>
      %parallel_loop3A_333 = arith.addi %parallel_loop3A_276, %parallel_loop3A_332 : vector<16xi32>
      %parallel_loop3A_334 = tpu.vector_load_idx %arg11[%parallel_loop3A_333] : memref<28672xf32, #tpu.memory_space<vmem>>[vector<16xi32>], vector<16xf32>,
      %parallel_loop3A_335 = arith.constant 6 : i32
      %parallel_loop3A_336 = arith.index_cast %parallel_loop3A_335 : i32 to index
      %parallel_loop3A_337 = arith.index_cast %parallel_loop3A_270 : i32 to index
      %parallel_loop3A_338 = arith.constant 184 : index
      %parallel_loop3A_339 = tpu.vector_load %arg15[%parallel_loop3A_336, %parallel_loop3A_337, %parallel_loop3A_338] {strides = array<i32>} : memref<7x16x200xf32, #tpu.memory_space<vmem>>, vector<16xf32>,
      tpu.vector_store %arg15[%parallel_loop3A_336, %parallel_loop3A_337, %parallel_loop3A_338], %parallel_loop3A_334 {strides = array<i32>} : memref<7x16x200xf32, #tpu.memory_space<vmem>>, vector<16xf32>,
    } {sc.loop_unroll_factor = 1 : i64, sc.parallel_access}
    %dma_start3A_96 = arith.constant 0 : i32
    %dma_start3A_97 = arith.constant 0 : i32
    %dma_start3A_98 = tpu.memref_slice %arg10[%dma_start3A_96, %add3A_82, %dma_start3A_97] : memref<7x4096x200xf32, #tpu.memory_space<hbm>> -> memref<7x16x200xf32, #tpu.memory_space<hbm>>
    %dma_start3A_99 = arith.constant 0 : i32
    %dma_start3A_100 = arith.constant 0 : i32
    %dma_start3A_101 = tpu.memref_slice %arg10[%dma_start3A_99, %add3A_82, %dma_start3A_100] : memref<7x4096x200xf32, #tpu.memory_space<hbm>> -> memref<7x16x200xf32, #tpu.memory_space<hbm>>
    tpu.enqueue_dma source(%arg15 : memref<7x16x200xf32, #tpu.memory_space<vmem>>) target(%dma_start3A_101 : memref<7x16x200xf32, #tpu.memory_space<hbm>>) target_semaphore(%arg19 : memref<!tpu.dma_semaphore, #tpu.memory_space<semaphore_mem>>)
    %add3A_102 = arith.constant 32 : i32
    %add3A_103 = arith.addi %mul3A_2, %add3A_102 : i32
    %dma_wait3A_104 = arith.constant 0 : i32
    %dma_wait3A_105 = tpu.memref_slice %arg2[%add3A_88, %dma_wait3A_104] : memref<4096x200xi32, #tpu.memory_space<hbm>> -> memref<16x200xi32, #tpu.memory_space<hbm>>
    %dma_wait3A_106 = arith.constant 0 : i32
    %dma_wait3A_107 = tpu.memref_slice %arg2[%add3A_88, %dma_wait3A_106] : memref<4096x200xi32, #tpu.memory_space<hbm>> -> memref<16x200xi32, #tpu.memory_space<hbm>>
    tpu.wait_dma2 semaphore(%arg16 : memref<!tpu.dma_semaphore, #tpu.memory_space<semaphore_mem>>) src(%dma_wait3A_107 : memref<16x200xi32, #tpu.memory_space<hbm>>) dst(%arg12 : memref<16x200xi32, #tpu.memory_space<vmem>>)
    %add3A_108 = arith.constant 48 : i32
    %add3A_109 = arith.addi %mul3A_2, %add3A_108 : i32
    %dma_start3A_110 = arith.constant 0 : i32
    %dma_start3A_111 = tpu.memref_slice %arg2[%add3A_109, %dma_start3A_110] : memref<4096x200xi32, #tpu.memory_space<hbm>> -> memref<16x200xi32, #tpu.memory_space<hbm>>
    %dma_start3A_112 = arith.constant 0 : i32
    %dma_start3A_113 = tpu.memref_slice %arg2[%add3A_109, %dma_start3A_112] : memref<4096x200xi32, #tpu.memory_space<hbm>> -> memref<16x200xi32, #tpu.memory_space<hbm>>
    tpu.enqueue_dma source(%dma_start3A_113 : memref<16x200xi32, #tpu.memory_space<hbm>>) target(%arg13 : memref<16x200xi32, #tpu.memory_space<vmem>>) target_semaphore(%arg17 : memref<!tpu.dma_semaphore, #tpu.memory_space<semaphore_mem>>)
    %dma_wait3A_114 = arith.constant 0 : i32
    %dma_wait3A_115 = arith.constant 0 : i32
    %dma_wait3A_116 = tpu.memref_slice %arg10[%dma_wait3A_114, %add3A_62, %dma_wait3A_115] : memref<7x4096x200xf32, #tpu.memory_space<hbm>> -> memref<7x16x200xf32, #tpu.memory_space<hbm>>
    %dma_wait3A_117 = arith.constant 0 : i32
    %dma_wait3A_118 = arith.constant 0 : i32
    %dma_wait3A_119 = tpu.memref_slice %arg10[%dma_wait3A_117, %add3A_62, %dma_wait3A_118] : memref<7x4096x200xf32, #tpu.memory_space<hbm>> -> memref<7x16x200xf32, #tpu.memory_space<hbm>>
    tpu.wait_dma2 semaphore(%arg18 : memref<!tpu.dma_semaphore, #tpu.memory_space<semaphore_mem>>) src(%arg14 : memref<7x16x200xf32, #tpu.memory_space<vmem>>) dst(%dma_wait3A_119 : memref<7x16x200xf32, #tpu.memory_space<hbm>>)
    %parallel_loop3A_120 = arith.constant 0 : i32
    %parallel_loop3A_121 = arith.constant 16 : i32
    %parallel_loop3A_122 = arith.constant 1 : i32
    scf.for %parallel_loop3A_270 = %parallel_loop3A_120 to %parallel_loop3A_121 step %parallel_loop3A_122  : i32 {
      %parallel_loop3A_271 = arith.constant 0 : i32
      %parallel_loop3A_272 = arith.constant 184 : i32
      %parallel_loop3A_273 = arith.constant 16 : i32
      scf.for %parallel_loop3A_340 = %parallel_loop3A_271 to %parallel_loop3A_272 step %parallel_loop3A_273  : i32 {
        %parallel_loop3A_341 = arith.index_cast %parallel_loop3A_270 : i32 to index
        %parallel_loop3A_342 = arith.index_cast %parallel_loop3A_340 : i32 to index
        %parallel_loop3A_343 = tpu.vector_load %arg12[%parallel_loop3A_341, %parallel_loop3A_342] {strides = array<i32>} : memref<16x200xi32, #tpu.memory_space<vmem>>, vector<16xi32>,
        %parallel_loop3A_344 = arith.constant 0 : i32
        %parallel_loop3A_345 = vector.broadcast %parallel_loop3A_344 : i32 to vector<16xi32>
        %parallel_loop3A_346 = arith.addi %parallel_loop3A_343, %parallel_loop3A_345 : vector<16xi32>
        %parallel_loop3A_347 = tpu.vector_load_idx %arg11[%parallel_loop3A_346] : memref<28672xf32, #tpu.memory_space<vmem>>[vector<16xi32>], vector<16xf32>,
        %parallel_loop3A_348 = arith.constant 0 : i32
        %parallel_loop3A_349 = arith.index_cast %parallel_loop3A_348 : i32 to index
        %parallel_loop3A_350 = arith.index_cast %parallel_loop3A_270 : i32 to index
        %parallel_loop3A_351 = arith.index_cast %parallel_loop3A_340 : i32 to index
        %parallel_loop3A_352 = tpu.vector_load %arg14[%parallel_loop3A_349, %parallel_loop3A_350, %parallel_loop3A_351] {strides = array<i32>} : memref<7x16x200xf32, #tpu.memory_space<vmem>>, vector<16xf32>,
        tpu.vector_store %arg14[%parallel_loop3A_349, %parallel_loop3A_350, %parallel_loop3A_351], %parallel_loop3A_347 {strides = array<i32>} : memref<7x16x200xf32, #tpu.memory_space<vmem>>, vector<16xf32>,
        %parallel_loop3A_353 = arith.constant 4096 : i32
        %parallel_loop3A_354 = vector.broadcast %parallel_loop3A_353 : i32 to vector<16xi32>
        %parallel_loop3A_355 = arith.addi %parallel_loop3A_343, %parallel_loop3A_354 : vector<16xi32>
        %parallel_loop3A_356 = tpu.vector_load_idx %arg11[%parallel_loop3A_355] : memref<28672xf32, #tpu.memory_space<vmem>>[vector<16xi32>], vector<16xf32>,
        %parallel_loop3A_357 = arith.constant 1 : i32
        %parallel_loop3A_358 = arith.index_cast %parallel_loop3A_357 : i32 to index
        %parallel_loop3A_359 = arith.index_cast %parallel_loop3A_270 : i32 to index
        %parallel_loop3A_360 = arith.index_cast %parallel_loop3A_340 : i32 to index
        %parallel_loop3A_361 = tpu.vector_load %arg14[%parallel_loop3A_358, %parallel_loop3A_359, %parallel_loop3A_360] {strides = array<i32>} : memref<7x16x200xf32, #tpu.memory_space<vmem>>, vector<16xf32>,
        tpu.vector_store %arg14[%parallel_loop3A_358, %parallel_loop3A_359, %parallel_loop3A_360], %parallel_loop3A_356 {strides = array<i32>} : memref<7x16x200xf32, #tpu.memory_space<vmem>>, vector<16xf32>,
        %parallel_loop3A_362 = arith.constant 8192 : i32
        %parallel_loop3A_363 = vector.broadcast %parallel_loop3A_362 : i32 to vector<16xi32>
        %parallel_loop3A_364 = arith.addi %parallel_loop3A_343, %parallel_loop3A_363 : vector<16xi32>
        %parallel_loop3A_365 = tpu.vector_load_idx %arg11[%parallel_loop3A_364] : memref<28672xf32, #tpu.memory_space<vmem>>[vector<16xi32>], vector<16xf32>,
        %parallel_loop3A_366 = arith.constant 2 : i32
        %parallel_loop3A_367 = arith.index_cast %parallel_loop3A_366 : i32 to index
        %parallel_loop3A_368 = arith.index_cast %parallel_loop3A_270 : i32 to index
        %parallel_loop3A_369 = arith.index_cast %parallel_loop3A_340 : i32 to index
        %parallel_loop3A_370 = tpu.vector_load %arg14[%parallel_loop3A_367, %parallel_loop3A_368, %parallel_loop3A_369] {strides = array<i32>} : memref<7x16x200xf32, #tpu.memory_space<vmem>>, vector<16xf32>,
        tpu.vector_store %arg14[%parallel_loop3A_367, %parallel_loop3A_368, %parallel_loop3A_369], %parallel_loop3A_365 {strides = array<i32>} : memref<7x16x200xf32, #tpu.memory_space<vmem>>, vector<16xf32>,
        %parallel_loop3A_371 = arith.constant 12288 : i32
        %parallel_loop3A_372 = vector.broadcast %parallel_loop3A_371 : i32 to vector<16xi32>
        %parallel_loop3A_373 = arith.addi %parallel_loop3A_343, %parallel_loop3A_372 : vector<16xi32>
        %parallel_loop3A_374 = tpu.vector_load_idx %arg11[%parallel_loop3A_373] : memref<28672xf32, #tpu.memory_space<vmem>>[vector<16xi32>], vector<16xf32>,
        %parallel_loop3A_375 = arith.constant 3 : i32
        %parallel_loop3A_376 = arith.index_cast %parallel_loop3A_375 : i32 to index
        %parallel_loop3A_377 = arith.index_cast %parallel_loop3A_270 : i32 to index
        %parallel_loop3A_378 = arith.index_cast %parallel_loop3A_340 : i32 to index
        %parallel_loop3A_379 = tpu.vector_load %arg14[%parallel_loop3A_376, %parallel_loop3A_377, %parallel_loop3A_378] {strides = array<i32>} : memref<7x16x200xf32, #tpu.memory_space<vmem>>, vector<16xf32>,
        tpu.vector_store %arg14[%parallel_loop3A_376, %parallel_loop3A_377, %parallel_loop3A_378], %parallel_loop3A_374 {strides = array<i32>} : memref<7x16x200xf32, #tpu.memory_space<vmem>>, vector<16xf32>,
        %parallel_loop3A_380 = arith.constant 16384 : i32
        %parallel_loop3A_381 = vector.broadcast %parallel_loop3A_380 : i32 to vector<16xi32>
        %parallel_loop3A_382 = arith.addi %parallel_loop3A_343, %parallel_loop3A_381 : vector<16xi32>
        %parallel_loop3A_383 = tpu.vector_load_idx %arg11[%parallel_loop3A_382] : memref<28672xf32, #tpu.memory_space<vmem>>[vector<16xi32>], vector<16xf32>,
        %parallel_loop3A_384 = arith.constant 4 : i32
        %parallel_loop3A_385 = arith.index_cast %parallel_loop3A_384 : i32 to index
        %parallel_loop3A_386 = arith.index_cast %parallel_loop3A_270 : i32 to index
        %parallel_loop3A_387 = arith.index_cast %parallel_loop3A_340 : i32 to index
        %parallel_loop3A_388 = tpu.vector_load %arg14[%parallel_loop3A_385, %parallel_loop3A_386, %parallel_loop3A_387] {strides = array<i32>} : memref<7x16x200xf32, #tpu.memory_space<vmem>>, vector<16xf32>,
        tpu.vector_store %arg14[%parallel_loop3A_385, %parallel_loop3A_386, %parallel_loop3A_387], %parallel_loop3A_383 {strides = array<i32>} : memref<7x16x200xf32, #tpu.memory_space<vmem>>, vector<16xf32>,
        %parallel_loop3A_389 = arith.constant 20480 : i32
        %parallel_loop3A_390 = vector.broadcast %parallel_loop3A_389 : i32 to vector<16xi32>
        %parallel_loop3A_391 = arith.addi %parallel_loop3A_343, %parallel_loop3A_390 : vector<16xi32>
        %parallel_loop3A_392 = tpu.vector_load_idx %arg11[%parallel_loop3A_391] : memref<28672xf32, #tpu.memory_space<vmem>>[vector<16xi32>], vector<16xf32>,
        %parallel_loop3A_393 = arith.constant 5 : i32
        %parallel_loop3A_394 = arith.index_cast %parallel_loop3A_393 : i32 to index
        %parallel_loop3A_395 = arith.index_cast %parallel_loop3A_270 : i32 to index
        %parallel_loop3A_396 = arith.index_cast %parallel_loop3A_340 : i32 to index
        %parallel_loop3A_397 = tpu.vector_load %arg14[%parallel_loop3A_394, %parallel_loop3A_395, %parallel_loop3A_396] {strides = array<i32>} : memref<7x16x200xf32, #tpu.memory_space<vmem>>, vector<16xf32>,
        tpu.vector_store %arg14[%parallel_loop3A_394, %parallel_loop3A_395, %parallel_loop3A_396], %parallel_loop3A_392 {strides = array<i32>} : memref<7x16x200xf32, #tpu.memory_space<vmem>>, vector<16xf32>,
        %parallel_loop3A_398 = arith.constant 24576 : i32
        %parallel_loop3A_399 = vector.broadcast %parallel_loop3A_398 : i32 to vector<16xi32>
        %parallel_loop3A_400 = arith.addi %parallel_loop3A_343, %parallel_loop3A_399 : vector<16xi32>
        %parallel_loop3A_401 = tpu.vector_load_idx %arg11[%parallel_loop3A_400] : memref<28672xf32, #tpu.memory_space<vmem>>[vector<16xi32>], vector<16xf32>,
        %parallel_loop3A_402 = arith.constant 6 : i32
        %parallel_loop3A_403 = arith.index_cast %parallel_loop3A_402 : i32 to index
        %parallel_loop3A_404 = arith.index_cast %parallel_loop3A_270 : i32 to index
        %parallel_loop3A_405 = arith.index_cast %parallel_loop3A_340 : i32 to index
        %parallel_loop3A_406 = tpu.vector_load %arg14[%parallel_loop3A_403, %parallel_loop3A_404, %parallel_loop3A_405] {strides = array<i32>} : memref<7x16x200xf32, #tpu.memory_space<vmem>>, vector<16xf32>,
        tpu.vector_store %arg14[%parallel_loop3A_403, %parallel_loop3A_404, %parallel_loop3A_405], %parallel_loop3A_401 {strides = array<i32>} : memref<7x16x200xf32, #tpu.memory_space<vmem>>, vector<16xf32>,
      } {sc.loop_unroll_factor = 4 : i64, sc.parallel_access}
      %parallel_loop3A_274 = arith.index_cast %parallel_loop3A_270 : i32 to index
      %parallel_loop3A_275 = arith.constant 184 : index
      %parallel_loop3A_276 = tpu.vector_load %arg12[%parallel_loop3A_274, %parallel_loop3A_275] {strides = array<i32>} : memref<16x200xi32, #tpu.memory_space<vmem>>, vector<16xi32>,
      %parallel_loop3A_277 = arith.constant 0 : i32
      %parallel_loop3A_278 = vector.broadcast %parallel_loop3A_277 : i32 to vector<16xi32>
      %parallel_loop3A_279 = arith.addi %parallel_loop3A_276, %parallel_loop3A_278 : vector<16xi32>
      %parallel_loop3A_280 = tpu.vector_load_idx %arg11[%parallel_loop3A_279] : memref<28672xf32, #tpu.memory_space<vmem>>[vector<16xi32>], vector<16xf32>,
      %parallel_loop3A_281 = arith.constant 0 : i32
      %parallel_loop3A_282 = arith.index_cast %parallel_loop3A_281 : i32 to index
      %parallel_loop3A_283 = arith.index_cast %parallel_loop3A_270 : i32 to index
      %parallel_loop3A_284 = arith.constant 184 : index
      %parallel_loop3A_285 = tpu.vector_load %arg14[%parallel_loop3A_282, %parallel_loop3A_283, %parallel_loop3A_284] {strides = array<i32>} : memref<7x16x200xf32, #tpu.memory_space<vmem>>, vector<16xf32>,
      tpu.vector_store %arg14[%parallel_loop3A_282, %parallel_loop3A_283, %parallel_loop3A_284], %parallel_loop3A_280 {strides = array<i32>} : memref<7x16x200xf32, #tpu.memory_space<vmem>>, vector<16xf32>,
      %parallel_loop3A_286 = arith.constant 4096 : i32
      %parallel_loop3A_287 = vector.broadcast %parallel_loop3A_286 : i32 to vector<16xi32>
      %parallel_loop3A_288 = arith.addi %parallel_loop3A_276, %parallel_loop3A_287 : vector<16xi32>
      %parallel_loop3A_289 = tpu.vector_load_idx %arg11[%parallel_loop3A_288] : memref<28672xf32, #tpu.memory_space<vmem>>[vector<16xi32>], vector<16xf32>,
      %parallel_loop3A_290 = arith.constant 1 : i32
      %parallel_loop3A_291 = arith.index_cast %parallel_loop3A_290 : i32 to index
      %parallel_loop3A_292 = arith.index_cast %parallel_loop3A_270 : i32 to index
      %parallel_loop3A_293 = arith.constant 184 : index
      %parallel_loop3A_294 = tpu.vector_load %arg14[%parallel_loop3A_291, %parallel_loop3A_292, %parallel_loop3A_293] {strides = array<i32>} : memref<7x16x200xf32, #tpu.memory_space<vmem>>, vector<16xf32>,
      tpu.vector_store %arg14[%parallel_loop3A_291, %parallel_loop3A_292, %parallel_loop3A_293], %parallel_loop3A_289 {strides = array<i32>} : memref<7x16x200xf32, #tpu.memory_space<vmem>>, vector<16xf32>,
      %parallel_loop3A_295 = arith.constant 8192 : i32
      %parallel_loop3A_296 = vector.broadcast %parallel_loop3A_295 : i32 to vector<16xi32>
      %parallel_loop3A_297 = arith.addi %parallel_loop3A_276, %parallel_loop3A_296 : vector<16xi32>
      %parallel_loop3A_298 = tpu.vector_load_idx %arg11[%parallel_loop3A_297] : memref<28672xf32, #tpu.memory_space<vmem>>[vector<16xi32>], vector<16xf32>,
      %parallel_loop3A_299 = arith.constant 2 : i32
      %parallel_loop3A_300 = arith.index_cast %parallel_loop3A_299 : i32 to index
      %parallel_loop3A_301 = arith.index_cast %parallel_loop3A_270 : i32 to index
      %parallel_loop3A_302 = arith.constant 184 : index
      %parallel_loop3A_303 = tpu.vector_load %arg14[%parallel_loop3A_300, %parallel_loop3A_301, %parallel_loop3A_302] {strides = array<i32>} : memref<7x16x200xf32, #tpu.memory_space<vmem>>, vector<16xf32>,
      tpu.vector_store %arg14[%parallel_loop3A_300, %parallel_loop3A_301, %parallel_loop3A_302], %parallel_loop3A_298 {strides = array<i32>} : memref<7x16x200xf32, #tpu.memory_space<vmem>>, vector<16xf32>,
      %parallel_loop3A_304 = arith.constant 12288 : i32
      %parallel_loop3A_305 = vector.broadcast %parallel_loop3A_304 : i32 to vector<16xi32>
      %parallel_loop3A_306 = arith.addi %parallel_loop3A_276, %parallel_loop3A_305 : vector<16xi32>
      %parallel_loop3A_307 = tpu.vector_load_idx %arg11[%parallel_loop3A_306] : memref<28672xf32, #tpu.memory_space<vmem>>[vector<16xi32>], vector<16xf32>,
      %parallel_loop3A_308 = arith.constant 3 : i32
      %parallel_loop3A_309 = arith.index_cast %parallel_loop3A_308 : i32 to index
      %parallel_loop3A_310 = arith.index_cast %parallel_loop3A_270 : i32 to index
      %parallel_loop3A_311 = arith.constant 184 : index
      %parallel_loop3A_312 = tpu.vector_load %arg14[%parallel_loop3A_309, %parallel_loop3A_310, %parallel_loop3A_311] {strides = array<i32>} : memref<7x16x200xf32, #tpu.memory_space<vmem>>, vector<16xf32>,
      tpu.vector_store %arg14[%parallel_loop3A_309, %parallel_loop3A_310, %parallel_loop3A_311], %parallel_loop3A_307 {strides = array<i32>} : memref<7x16x200xf32, #tpu.memory_space<vmem>>, vector<16xf32>,
      %parallel_loop3A_313 = arith.constant 16384 : i32
      %parallel_loop3A_314 = vector.broadcast %parallel_loop3A_313 : i32 to vector<16xi32>
      %parallel_loop3A_315 = arith.addi %parallel_loop3A_276, %parallel_loop3A_314 : vector<16xi32>
      %parallel_loop3A_316 = tpu.vector_load_idx %arg11[%parallel_loop3A_315] : memref<28672xf32, #tpu.memory_space<vmem>>[vector<16xi32>], vector<16xf32>,
      %parallel_loop3A_317 = arith.constant 4 : i32
      %parallel_loop3A_318 = arith.index_cast %parallel_loop3A_317 : i32 to index
      %parallel_loop3A_319 = arith.index_cast %parallel_loop3A_270 : i32 to index
      %parallel_loop3A_320 = arith.constant 184 : index
      %parallel_loop3A_321 = tpu.vector_load %arg14[%parallel_loop3A_318, %parallel_loop3A_319, %parallel_loop3A_320] {strides = array<i32>} : memref<7x16x200xf32, #tpu.memory_space<vmem>>, vector<16xf32>,
      tpu.vector_store %arg14[%parallel_loop3A_318, %parallel_loop3A_319, %parallel_loop3A_320], %parallel_loop3A_316 {strides = array<i32>} : memref<7x16x200xf32, #tpu.memory_space<vmem>>, vector<16xf32>,
      %parallel_loop3A_322 = arith.constant 20480 : i32
      %parallel_loop3A_323 = vector.broadcast %parallel_loop3A_322 : i32 to vector<16xi32>
      %parallel_loop3A_324 = arith.addi %parallel_loop3A_276, %parallel_loop3A_323 : vector<16xi32>
      %parallel_loop3A_325 = tpu.vector_load_idx %arg11[%parallel_loop3A_324] : memref<28672xf32, #tpu.memory_space<vmem>>[vector<16xi32>], vector<16xf32>,
      %parallel_loop3A_326 = arith.constant 5 : i32
      %parallel_loop3A_327 = arith.index_cast %parallel_loop3A_326 : i32 to index
      %parallel_loop3A_328 = arith.index_cast %parallel_loop3A_270 : i32 to index
      %parallel_loop3A_329 = arith.constant 184 : index
      %parallel_loop3A_330 = tpu.vector_load %arg14[%parallel_loop3A_327, %parallel_loop3A_328, %parallel_loop3A_329] {strides = array<i32>} : memref<7x16x200xf32, #tpu.memory_space<vmem>>, vector<16xf32>,
      tpu.vector_store %arg14[%parallel_loop3A_327, %parallel_loop3A_328, %parallel_loop3A_329], %parallel_loop3A_325 {strides = array<i32>} : memref<7x16x200xf32, #tpu.memory_space<vmem>>, vector<16xf32>,
      %parallel_loop3A_331 = arith.constant 24576 : i32
      %parallel_loop3A_332 = vector.broadcast %parallel_loop3A_331 : i32 to vector<16xi32>
      %parallel_loop3A_333 = arith.addi %parallel_loop3A_276, %parallel_loop3A_332 : vector<16xi32>
      %parallel_loop3A_334 = tpu.vector_load_idx %arg11[%parallel_loop3A_333] : memref<28672xf32, #tpu.memory_space<vmem>>[vector<16xi32>], vector<16xf32>,
      %parallel_loop3A_335 = arith.constant 6 : i32
      %parallel_loop3A_336 = arith.index_cast %parallel_loop3A_335 : i32 to index
      %parallel_loop3A_337 = arith.index_cast %parallel_loop3A_270 : i32 to index
      %parallel_loop3A_338 = arith.constant 184 : index
      %parallel_loop3A_339 = tpu.vector_load %arg14[%parallel_loop3A_336, %parallel_loop3A_337, %parallel_loop3A_338] {strides = array<i32>} : memref<7x16x200xf32, #tpu.memory_space<vmem>>, vector<16xf32>,
      tpu.vector_store %arg14[%parallel_loop3A_336, %parallel_loop3A_337, %parallel_loop3A_338], %parallel_loop3A_334 {strides = array<i32>} : memref<7x16x200xf32, #tpu.memory_space<vmem>>, vector<16xf32>,
    } {sc.loop_unroll_factor = 1 : i64, sc.parallel_access}
    %dma_start3A_123 = arith.constant 0 : i32
    %dma_start3A_124 = arith.constant 0 : i32
    %dma_start3A_125 = tpu.memref_slice %arg10[%dma_start3A_123, %add3A_103, %dma_start3A_124] : memref<7x4096x200xf32, #tpu.memory_space<hbm>> -> memref<7x16x200xf32, #tpu.memory_space<hbm>>
    %dma_start3A_126 = arith.constant 0 : i32
    %dma_start3A_127 = arith.constant 0 : i32
    %dma_start3A_128 = tpu.memref_slice %arg10[%dma_start3A_126, %add3A_103, %dma_start3A_127] : memref<7x4096x200xf32, #tpu.memory_space<hbm>> -> memref<7x16x200xf32, #tpu.memory_space<hbm>>
    tpu.enqueue_dma source(%arg14 : memref<7x16x200xf32, #tpu.memory_space<vmem>>) target(%dma_start3A_128 : memref<7x16x200xf32, #tpu.memory_space<hbm>>) target_semaphore(%arg18 : memref<!tpu.dma_semaphore, #tpu.memory_space<semaphore_mem>>)
    %add3A_129 = arith.constant 48 : i32
    %add3A_130 = arith.addi %mul3A_2, %add3A_129 : i32
    %dma_wait3A_131 = arith.constant 0 : i32
    %dma_wait3A_132 = tpu.memref_slice %arg2[%add3A_109, %dma_wait3A_131] : memref<4096x200xi32, #tpu.memory_space<hbm>> -> memref<16x200xi32, #tpu.memory_space<hbm>>
    %dma_wait3A_133 = arith.constant 0 : i32
    %dma_wait3A_134 = tpu.memref_slice %arg2[%add3A_109, %dma_wait3A_133] : memref<4096x200xi32, #tpu.memory_space<hbm>> -> memref<16x200xi32, #tpu.memory_space<hbm>>
    tpu.wait_dma2 semaphore(%arg17 : memref<!tpu.dma_semaphore, #tpu.memory_space<semaphore_mem>>) src(%dma_wait3A_134 : memref<16x200xi32, #tpu.memory_space<hbm>>) dst(%arg13 : memref<16x200xi32, #tpu.memory_space<vmem>>)
    %add3A_135 = arith.constant 64 : i32
    %add3A_136 = arith.addi %mul3A_2, %add3A_135 : i32
    %dma_start3A_137 = arith.constant 0 : i32
    %dma_start3A_138 = tpu.memref_slice %arg2[%add3A_136, %dma_start3A_137] : memref<4096x200xi32, #tpu.memory_space<hbm>> -> memref<16x200xi32, #tpu.memory_space<hbm>>
    %dma_start3A_139 = arith.constant 0 : i32
    %dma_start3A_140 = tpu.memref_slice %arg2[%add3A_136, %dma_start3A_139] : memref<4096x200xi32, #tpu.memory_space<hbm>> -> memref<16x200xi32, #tpu.memory_space<hbm>>
    tpu.enqueue_dma source(%dma_start3A_140 : memref<16x200xi32, #tpu.memory_space<hbm>>) target(%arg12 : memref<16x200xi32, #tpu.memory_space<vmem>>) target_semaphore(%arg16 : memref<!tpu.dma_semaphore, #tpu.memory_space<semaphore_mem>>)
    %dma_wait3A_141 = arith.constant 0 : i32
    %dma_wait3A_142 = arith.constant 0 : i32
    %dma_wait3A_143 = tpu.memref_slice %arg10[%dma_wait3A_141, %add3A_82, %dma_wait3A_142] : memref<7x4096x200xf32, #tpu.memory_space<hbm>> -> memref<7x16x200xf32, #tpu.memory_space<hbm>>
    %dma_wait3A_144 = arith.constant 0 : i32
    %dma_wait3A_145 = arith.constant 0 : i32
    %dma_wait3A_146 = tpu.memref_slice %arg10[%dma_wait3A_144, %add3A_82, %dma_wait3A_145] : memref<7x4096x200xf32, #tpu.memory_space<hbm>> -> memref<7x16x200xf32, #tpu.memory_space<hbm>>
    tpu.wait_dma2 semaphore(%arg19 : memref<!tpu.dma_semaphore, #tpu.memory_space<semaphore_mem>>) src(%arg15 : memref<7x16x200xf32, #tpu.memory_space<vmem>>) dst(%dma_wait3A_146 : memref<7x16x200xf32, #tpu.memory_space<hbm>>)
    %parallel_loop3A_147 = arith.constant 0 : i32
    %parallel_loop3A_148 = arith.constant 16 : i32
    %parallel_loop3A_149 = arith.constant 1 : i32
    scf.for %parallel_loop3A_270 = %parallel_loop3A_147 to %parallel_loop3A_148 step %parallel_loop3A_149  : i32 {
      %parallel_loop3A_271 = arith.constant 0 : i32
      %parallel_loop3A_272 = arith.constant 184 : i32
      %parallel_loop3A_273 = arith.constant 16 : i32
      scf.for %parallel_loop3A_340 = %parallel_loop3A_271 to %parallel_loop3A_272 step %parallel_loop3A_273  : i32 {
        %parallel_loop3A_341 = arith.index_cast %parallel_loop3A_270 : i32 to index
        %parallel_loop3A_342 = arith.index_cast %parallel_loop3A_340 : i32 to index
        %parallel_loop3A_343 = tpu.vector_load %arg13[%parallel_loop3A_341, %parallel_loop3A_342] {strides = array<i32>} : memref<16x200xi32, #tpu.memory_space<vmem>>, vector<16xi32>,
        %parallel_loop3A_344 = arith.constant 0 : i32
        %parallel_loop3A_345 = vector.broadcast %parallel_loop3A_344 : i32 to vector<16xi32>
        %parallel_loop3A_346 = arith.addi %parallel_loop3A_343, %parallel_loop3A_345 : vector<16xi32>
        %parallel_loop3A_347 = tpu.vector_load_idx %arg11[%parallel_loop3A_346] : memref<28672xf32, #tpu.memory_space<vmem>>[vector<16xi32>], vector<16xf32>,
        %parallel_loop3A_348 = arith.constant 0 : i32
        %parallel_loop3A_349 = arith.index_cast %parallel_loop3A_348 : i32 to index
        %parallel_loop3A_350 = arith.index_cast %parallel_loop3A_270 : i32 to index
        %parallel_loop3A_351 = arith.index_cast %parallel_loop3A_340 : i32 to index
        %parallel_loop3A_352 = tpu.vector_load %arg15[%parallel_loop3A_349, %parallel_loop3A_350, %parallel_loop3A_351] {strides = array<i32>} : memref<7x16x200xf32, #tpu.memory_space<vmem>>, vector<16xf32>,
        tpu.vector_store %arg15[%parallel_loop3A_349, %parallel_loop3A_350, %parallel_loop3A_351], %parallel_loop3A_347 {strides = array<i32>} : memref<7x16x200xf32, #tpu.memory_space<vmem>>, vector<16xf32>,
        %parallel_loop3A_353 = arith.constant 4096 : i32
        %parallel_loop3A_354 = vector.broadcast %parallel_loop3A_353 : i32 to vector<16xi32>
        %parallel_loop3A_355 = arith.addi %parallel_loop3A_343, %parallel_loop3A_354 : vector<16xi32>
        %parallel_loop3A_356 = tpu.vector_load_idx %arg11[%parallel_loop3A_355] : memref<28672xf32, #tpu.memory_space<vmem>>[vector<16xi32>], vector<16xf32>,
        %parallel_loop3A_357 = arith.constant 1 : i32
        %parallel_loop3A_358 = arith.index_cast %parallel_loop3A_357 : i32 to index
        %parallel_loop3A_359 = arith.index_cast %parallel_loop3A_270 : i32 to index
        %parallel_loop3A_360 = arith.index_cast %parallel_loop3A_340 : i32 to index
        %parallel_loop3A_361 = tpu.vector_load %arg15[%parallel_loop3A_358, %parallel_loop3A_359, %parallel_loop3A_360] {strides = array<i32>} : memref<7x16x200xf32, #tpu.memory_space<vmem>>, vector<16xf32>,
        tpu.vector_store %arg15[%parallel_loop3A_358, %parallel_loop3A_359, %parallel_loop3A_360], %parallel_loop3A_356 {strides = array<i32>} : memref<7x16x200xf32, #tpu.memory_space<vmem>>, vector<16xf32>,
        %parallel_loop3A_362 = arith.constant 8192 : i32
        %parallel_loop3A_363 = vector.broadcast %parallel_loop3A_362 : i32 to vector<16xi32>
        %parallel_loop3A_364 = arith.addi %parallel_loop3A_343, %parallel_loop3A_363 : vector<16xi32>
        %parallel_loop3A_365 = tpu.vector_load_idx %arg11[%parallel_loop3A_364] : memref<28672xf32, #tpu.memory_space<vmem>>[vector<16xi32>], vector<16xf32>,
        %parallel_loop3A_366 = arith.constant 2 : i32
        %parallel_loop3A_367 = arith.index_cast %parallel_loop3A_366 : i32 to index
        %parallel_loop3A_368 = arith.index_cast %parallel_loop3A_270 : i32 to index
        %parallel_loop3A_369 = arith.index_cast %parallel_loop3A_340 : i32 to index
        %parallel_loop3A_370 = tpu.vector_load %arg15[%parallel_loop3A_367, %parallel_loop3A_368, %parallel_loop3A_369] {strides = array<i32>} : memref<7x16x200xf32, #tpu.memory_space<vmem>>, vector<16xf32>,
        tpu.vector_store %arg15[%parallel_loop3A_367, %parallel_loop3A_368, %parallel_loop3A_369], %parallel_loop3A_365 {strides = array<i32>} : memref<7x16x200xf32, #tpu.memory_space<vmem>>, vector<16xf32>,
        %parallel_loop3A_371 = arith.constant 12288 : i32
        %parallel_loop3A_372 = vector.broadcast %parallel_loop3A_371 : i32 to vector<16xi32>
        %parallel_loop3A_373 = arith.addi %parallel_loop3A_343, %parallel_loop3A_372 : vector<16xi32>
        %parallel_loop3A_374 = tpu.vector_load_idx %arg11[%parallel_loop3A_373] : memref<28672xf32, #tpu.memory_space<vmem>>[vector<16xi32>], vector<16xf32>,
        %parallel_loop3A_375 = arith.constant 3 : i32
        %parallel_loop3A_376 = arith.index_cast %parallel_loop3A_375 : i32 to index
        %parallel_loop3A_377 = arith.index_cast %parallel_loop3A_270 : i32 to index
        %parallel_loop3A_378 = arith.index_cast %parallel_loop3A_340 : i32 to index
        %parallel_loop3A_379 = tpu.vector_load %arg15[%parallel_loop3A_376, %parallel_loop3A_377, %parallel_loop3A_378] {strides = array<i32>} : memref<7x16x200xf32, #tpu.memory_space<vmem>>, vector<16xf32>,
        tpu.vector_store %arg15[%parallel_loop3A_376, %parallel_loop3A_377, %parallel_loop3A_378], %parallel_loop3A_374 {strides = array<i32>} : memref<7x16x200xf32, #tpu.memory_space<vmem>>, vector<16xf32>,
        %parallel_loop3A_380 = arith.constant 16384 : i32
        %parallel_loop3A_381 = vector.broadcast %parallel_loop3A_380 : i32 to vector<16xi32>
        %parallel_loop3A_382 = arith.addi %parallel_loop3A_343, %parallel_loop3A_381 : vector<16xi32>
        %parallel_loop3A_383 = tpu.vector_load_idx %arg11[%parallel_loop3A_382] : memref<28672xf32, #tpu.memory_space<vmem>>[vector<16xi32>], vector<16xf32>,
        %parallel_loop3A_384 = arith.constant 4 : i32
        %parallel_loop3A_385 = arith.index_cast %parallel_loop3A_384 : i32 to index
        %parallel_loop3A_386 = arith.index_cast %parallel_loop3A_270 : i32 to index
        %parallel_loop3A_387 = arith.index_cast %parallel_loop3A_340 : i32 to index
        %parallel_loop3A_388 = tpu.vector_load %arg15[%parallel_loop3A_385, %parallel_loop3A_386, %parallel_loop3A_387] {strides = array<i32>} : memref<7x16x200xf32, #tpu.memory_space<vmem>>, vector<16xf32>,
        tpu.vector_store %arg15[%parallel_loop3A_385, %parallel_loop3A_386, %parallel_loop3A_387], %parallel_loop3A_383 {strides = array<i32>} : memref<7x16x200xf32, #tpu.memory_space<vmem>>, vector<16xf32>,
        %parallel_loop3A_389 = arith.constant 20480 : i32
        %parallel_loop3A_390 = vector.broadcast %parallel_loop3A_389 : i32 to vector<16xi32>
        %parallel_loop3A_391 = arith.addi %parallel_loop3A_343, %parallel_loop3A_390 : vector<16xi32>
        %parallel_loop3A_392 = tpu.vector_load_idx %arg11[%parallel_loop3A_391] : memref<28672xf32, #tpu.memory_space<vmem>>[vector<16xi32>], vector<16xf32>,
        %parallel_loop3A_393 = arith.constant 5 : i32
        %parallel_loop3A_394 = arith.index_cast %parallel_loop3A_393 : i32 to index
        %parallel_loop3A_395 = arith.index_cast %parallel_loop3A_270 : i32 to index
        %parallel_loop3A_396 = arith.index_cast %parallel_loop3A_340 : i32 to index
        %parallel_loop3A_397 = tpu.vector_load %arg15[%parallel_loop3A_394, %parallel_loop3A_395, %parallel_loop3A_396] {strides = array<i32>} : memref<7x16x200xf32, #tpu.memory_space<vmem>>, vector<16xf32>,
        tpu.vector_store %arg15[%parallel_loop3A_394, %parallel_loop3A_395, %parallel_loop3A_396], %parallel_loop3A_392 {strides = array<i32>} : memref<7x16x200xf32, #tpu.memory_space<vmem>>, vector<16xf32>,
        %parallel_loop3A_398 = arith.constant 24576 : i32
        %parallel_loop3A_399 = vector.broadcast %parallel_loop3A_398 : i32 to vector<16xi32>
        %parallel_loop3A_400 = arith.addi %parallel_loop3A_343, %parallel_loop3A_399 : vector<16xi32>
        %parallel_loop3A_401 = tpu.vector_load_idx %arg11[%parallel_loop3A_400] : memref<28672xf32, #tpu.memory_space<vmem>>[vector<16xi32>], vector<16xf32>,
        %parallel_loop3A_402 = arith.constant 6 : i32
        %parallel_loop3A_403 = arith.index_cast %parallel_loop3A_402 : i32 to index
        %parallel_loop3A_404 = arith.index_cast %parallel_loop3A_270 : i32 to index
        %parallel_loop3A_405 = arith.index_cast %parallel_loop3A_340 : i32 to index
        %parallel_loop3A_406 = tpu.vector_load %arg15[%parallel_loop3A_403, %parallel_loop3A_404, %parallel_loop3A_405] {strides = array<i32>} : memref<7x16x200xf32, #tpu.memory_space<vmem>>, vector<16xf32>,
        tpu.vector_store %arg15[%parallel_loop3A_403, %parallel_loop3A_404, %parallel_loop3A_405], %parallel_loop3A_401 {strides = array<i32>} : memref<7x16x200xf32, #tpu.memory_space<vmem>>, vector<16xf32>,
      } {sc.loop_unroll_factor = 4 : i64, sc.parallel_access}
      %parallel_loop3A_274 = arith.index_cast %parallel_loop3A_270 : i32 to index
      %parallel_loop3A_275 = arith.constant 184 : index
      %parallel_loop3A_276 = tpu.vector_load %arg13[%parallel_loop3A_274, %parallel_loop3A_275] {strides = array<i32>} : memref<16x200xi32, #tpu.memory_space<vmem>>, vector<16xi32>,
      %parallel_loop3A_277 = arith.constant 0 : i32
      %parallel_loop3A_278 = vector.broadcast %parallel_loop3A_277 : i32 to vector<16xi32>
      %parallel_loop3A_279 = arith.addi %parallel_loop3A_276, %parallel_loop3A_278 : vector<16xi32>
      %parallel_loop3A_280 = tpu.vector_load_idx %arg11[%parallel_loop3A_279] : memref<28672xf32, #tpu.memory_space<vmem>>[vector<16xi32>], vector<16xf32>,
      %parallel_loop3A_281 = arith.constant 0 : i32
      %parallel_loop3A_282 = arith.index_cast %parallel_loop3A_281 : i32 to index
      %parallel_loop3A_283 = arith.index_cast %parallel_loop3A_270 : i32 to index
      %parallel_loop3A_284 = arith.constant 184 : index
      %parallel_loop3A_285 = tpu.vector_load %arg15[%parallel_loop3A_282, %parallel_loop3A_283, %parallel_loop3A_284] {strides = array<i32>} : memref<7x16x200xf32, #tpu.memory_space<vmem>>, vector<16xf32>,
      tpu.vector_store %arg15[%parallel_loop3A_282, %parallel_loop3A_283, %parallel_loop3A_284], %parallel_loop3A_280 {strides = array<i32>} : memref<7x16x200xf32, #tpu.memory_space<vmem>>, vector<16xf32>,
      %parallel_loop3A_286 = arith.constant 4096 : i32
      %parallel_loop3A_287 = vector.broadcast %parallel_loop3A_286 : i32 to vector<16xi32>
      %parallel_loop3A_288 = arith.addi %parallel_loop3A_276, %parallel_loop3A_287 : vector<16xi32>
      %parallel_loop3A_289 = tpu.vector_load_idx %arg11[%parallel_loop3A_288] : memref<28672xf32, #tpu.memory_space<vmem>>[vector<16xi32>], vector<16xf32>,
      %parallel_loop3A_290 = arith.constant 1 : i32
      %parallel_loop3A_291 = arith.index_cast %parallel_loop3A_290 : i32 to index
      %parallel_loop3A_292 = arith.index_cast %parallel_loop3A_270 : i32 to index
      %parallel_loop3A_293 = arith.constant 184 : index
      %parallel_loop3A_294 = tpu.vector_load %arg15[%parallel_loop3A_291, %parallel_loop3A_292, %parallel_loop3A_293] {strides = array<i32>} : memref<7x16x200xf32, #tpu.memory_space<vmem>>, vector<16xf32>,
      tpu.vector_store %arg15[%parallel_loop3A_291, %parallel_loop3A_292, %parallel_loop3A_293], %parallel_loop3A_289 {strides = array<i32>} : memref<7x16x200xf32, #tpu.memory_space<vmem>>, vector<16xf32>,
      %parallel_loop3A_295 = arith.constant 8192 : i32
      %parallel_loop3A_296 = vector.broadcast %parallel_loop3A_295 : i32 to vector<16xi32>
      %parallel_loop3A_297 = arith.addi %parallel_loop3A_276, %parallel_loop3A_296 : vector<16xi32>
      %parallel_loop3A_298 = tpu.vector_load_idx %arg11[%parallel_loop3A_297] : memref<28672xf32, #tpu.memory_space<vmem>>[vector<16xi32>], vector<16xf32>,
      %parallel_loop3A_299 = arith.constant 2 : i32
      %parallel_loop3A_300 = arith.index_cast %parallel_loop3A_299 : i32 to index
      %parallel_loop3A_301 = arith.index_cast %parallel_loop3A_270 : i32 to index
      %parallel_loop3A_302 = arith.constant 184 : index
      %parallel_loop3A_303 = tpu.vector_load %arg15[%parallel_loop3A_300, %parallel_loop3A_301, %parallel_loop3A_302] {strides = array<i32>} : memref<7x16x200xf32, #tpu.memory_space<vmem>>, vector<16xf32>,
      tpu.vector_store %arg15[%parallel_loop3A_300, %parallel_loop3A_301, %parallel_loop3A_302], %parallel_loop3A_298 {strides = array<i32>} : memref<7x16x200xf32, #tpu.memory_space<vmem>>, vector<16xf32>,
      %parallel_loop3A_304 = arith.constant 12288 : i32
      %parallel_loop3A_305 = vector.broadcast %parallel_loop3A_304 : i32 to vector<16xi32>
      %parallel_loop3A_306 = arith.addi %parallel_loop3A_276, %parallel_loop3A_305 : vector<16xi32>
      %parallel_loop3A_307 = tpu.vector_load_idx %arg11[%parallel_loop3A_306] : memref<28672xf32, #tpu.memory_space<vmem>>[vector<16xi32>], vector<16xf32>,
      %parallel_loop3A_308 = arith.constant 3 : i32
      %parallel_loop3A_309 = arith.index_cast %parallel_loop3A_308 : i32 to index
      %parallel_loop3A_310 = arith.index_cast %parallel_loop3A_270 : i32 to index
      %parallel_loop3A_311 = arith.constant 184 : index
      %parallel_loop3A_312 = tpu.vector_load %arg15[%parallel_loop3A_309, %parallel_loop3A_310, %parallel_loop3A_311] {strides = array<i32>} : memref<7x16x200xf32, #tpu.memory_space<vmem>>, vector<16xf32>,
      tpu.vector_store %arg15[%parallel_loop3A_309, %parallel_loop3A_310, %parallel_loop3A_311], %parallel_loop3A_307 {strides = array<i32>} : memref<7x16x200xf32, #tpu.memory_space<vmem>>, vector<16xf32>,
      %parallel_loop3A_313 = arith.constant 16384 : i32
      %parallel_loop3A_314 = vector.broadcast %parallel_loop3A_313 : i32 to vector<16xi32>
      %parallel_loop3A_315 = arith.addi %parallel_loop3A_276, %parallel_loop3A_314 : vector<16xi32>
      %parallel_loop3A_316 = tpu.vector_load_idx %arg11[%parallel_loop3A_315] : memref<28672xf32, #tpu.memory_space<vmem>>[vector<16xi32>], vector<16xf32>,
      %parallel_loop3A_317 = arith.constant 4 : i32
      %parallel_loop3A_318 = arith.index_cast %parallel_loop3A_317 : i32 to index
      %parallel_loop3A_319 = arith.index_cast %parallel_loop3A_270 : i32 to index
      %parallel_loop3A_320 = arith.constant 184 : index
      %parallel_loop3A_321 = tpu.vector_load %arg15[%parallel_loop3A_318, %parallel_loop3A_319, %parallel_loop3A_320] {strides = array<i32>} : memref<7x16x200xf32, #tpu.memory_space<vmem>>, vector<16xf32>,
      tpu.vector_store %arg15[%parallel_loop3A_318, %parallel_loop3A_319, %parallel_loop3A_320], %parallel_loop3A_316 {strides = array<i32>} : memref<7x16x200xf32, #tpu.memory_space<vmem>>, vector<16xf32>,
      %parallel_loop3A_322 = arith.constant 20480 : i32
      %parallel_loop3A_323 = vector.broadcast %parallel_loop3A_322 : i32 to vector<16xi32>
      %parallel_loop3A_324 = arith.addi %parallel_loop3A_276, %parallel_loop3A_323 : vector<16xi32>
      %parallel_loop3A_325 = tpu.vector_load_idx %arg11[%parallel_loop3A_324] : memref<28672xf32, #tpu.memory_space<vmem>>[vector<16xi32>], vector<16xf32>,
      %parallel_loop3A_326 = arith.constant 5 : i32
      %parallel_loop3A_327 = arith.index_cast %parallel_loop3A_326 : i32 to index
      %parallel_loop3A_328 = arith.index_cast %parallel_loop3A_270 : i32 to index
      %parallel_loop3A_329 = arith.constant 184 : index
      %parallel_loop3A_330 = tpu.vector_load %arg15[%parallel_loop3A_327, %parallel_loop3A_328, %parallel_loop3A_329] {strides = array<i32>} : memref<7x16x200xf32, #tpu.memory_space<vmem>>, vector<16xf32>,
      tpu.vector_store %arg15[%parallel_loop3A_327, %parallel_loop3A_328, %parallel_loop3A_329], %parallel_loop3A_325 {strides = array<i32>} : memref<7x16x200xf32, #tpu.memory_space<vmem>>, vector<16xf32>,
      %parallel_loop3A_331 = arith.constant 24576 : i32
      %parallel_loop3A_332 = vector.broadcast %parallel_loop3A_331 : i32 to vector<16xi32>
      %parallel_loop3A_333 = arith.addi %parallel_loop3A_276, %parallel_loop3A_332 : vector<16xi32>
      %parallel_loop3A_334 = tpu.vector_load_idx %arg11[%parallel_loop3A_333] : memref<28672xf32, #tpu.memory_space<vmem>>[vector<16xi32>], vector<16xf32>,
      %parallel_loop3A_335 = arith.constant 6 : i32
      %parallel_loop3A_336 = arith.index_cast %parallel_loop3A_335 : i32 to index
      %parallel_loop3A_337 = arith.index_cast %parallel_loop3A_270 : i32 to index
      %parallel_loop3A_338 = arith.constant 184 : index
      %parallel_loop3A_339 = tpu.vector_load %arg15[%parallel_loop3A_336, %parallel_loop3A_337, %parallel_loop3A_338] {strides = array<i32>} : memref<7x16x200xf32, #tpu.memory_space<vmem>>, vector<16xf32>,
      tpu.vector_store %arg15[%parallel_loop3A_336, %parallel_loop3A_337, %parallel_loop3A_338], %parallel_loop3A_334 {strides = array<i32>} : memref<7x16x200xf32, #tpu.memory_space<vmem>>, vector<16xf32>,
    } {sc.loop_unroll_factor = 1 : i64, sc.parallel_access}
    %dma_start3A_150 = arith.constant 0 : i32
    %dma_start3A_151 = arith.constant 0 : i32
    %dma_start3A_152 = tpu.memref_slice %arg10[%dma_start3A_150, %add3A_130, %dma_start3A_151] : memref<7x4096x200xf32, #tpu.memory_space<hbm>> -> memref<7x16x200xf32, #tpu.memory_space<hbm>>
    %dma_start3A_153 = arith.constant 0 : i32
    %dma_start3A_154 = arith.constant 0 : i32
    %dma_start3A_155 = tpu.memref_slice %arg10[%dma_start3A_153, %add3A_130, %dma_start3A_154] : memref<7x4096x200xf32, #tpu.memory_space<hbm>> -> memref<7x16x200xf32, #tpu.memory_space<hbm>>
    tpu.enqueue_dma source(%arg15 : memref<7x16x200xf32, #tpu.memory_space<vmem>>) target(%dma_start3A_155 : memref<7x16x200xf32, #tpu.memory_space<hbm>>) target_semaphore(%arg19 : memref<!tpu.dma_semaphore, #tpu.memory_space<semaphore_mem>>)
    %add3A_156 = arith.constant 64 : i32
    %add3A_157 = arith.addi %mul3A_2, %add3A_156 : i32
    %dma_wait3A_158 = arith.constant 0 : i32
    %dma_wait3A_159 = tpu.memref_slice %arg2[%add3A_136, %dma_wait3A_158] : memref<4096x200xi32, #tpu.memory_space<hbm>> -> memref<16x200xi32, #tpu.memory_space<hbm>>
    %dma_wait3A_160 = arith.constant 0 : i32
    %dma_wait3A_161 = tpu.memref_slice %arg2[%add3A_136, %dma_wait3A_160] : memref<4096x200xi32, #tpu.memory_space<hbm>> -> memref<16x200xi32, #tpu.memory_space<hbm>>
    tpu.wait_dma2 semaphore(%arg16 : memref<!tpu.dma_semaphore, #tpu.memory_space<semaphore_mem>>) src(%dma_wait3A_161 : memref<16x200xi32, #tpu.memory_space<hbm>>) dst(%arg12 : memref<16x200xi32, #tpu.memory_space<vmem>>)
    %add3A_162 = arith.constant 80 : i32
    %add3A_163 = arith.addi %mul3A_2, %add3A_162 : i32
    %dma_start3A_164 = arith.constant 0 : i32
    %dma_start3A_165 = tpu.memref_slice %arg2[%add3A_163, %dma_start3A_164] : memref<4096x200xi32, #tpu.memory_space<hbm>> -> memref<16x200xi32, #tpu.memory_space<hbm>>
    %dma_start3A_166 = arith.constant 0 : i32
    %dma_start3A_167 = tpu.memref_slice %arg2[%add3A_163, %dma_start3A_166] : memref<4096x200xi32, #tpu.memory_space<hbm>> -> memref<16x200xi32, #tpu.memory_space<hbm>>
    tpu.enqueue_dma source(%dma_start3A_167 : memref<16x200xi32, #tpu.memory_space<hbm>>) target(%arg13 : memref<16x200xi32, #tpu.memory_space<vmem>>) target_semaphore(%arg17 : memref<!tpu.dma_semaphore, #tpu.memory_space<semaphore_mem>>)
    %dma_wait3A_168 = arith.constant 0 : i32
    %dma_wait3A_169 = arith.constant 0 : i32
    %dma_wait3A_170 = tpu.memref_slice %arg10[%dma_wait3A_168, %add3A_103, %dma_wait3A_169] : memref<7x4096x200xf32, #tpu.memory_space<hbm>> -> memref<7x16x200xf32, #tpu.memory_space<hbm>>
    %dma_wait3A_171 = arith.constant 0 : i32
    %dma_wait3A_172 = arith.constant 0 : i32
    %dma_wait3A_173 = tpu.memref_slice %arg10[%dma_wait3A_171, %add3A_103, %dma_wait3A_172] : memref<7x4096x200xf32, #tpu.memory_space<hbm>> -> memref<7x16x200xf32, #tpu.memory_space<hbm>>
    tpu.wait_dma2 semaphore(%arg18 : memref<!tpu.dma_semaphore, #tpu.memory_space<semaphore_mem>>) src(%arg14 : memref<7x16x200xf32, #tpu.memory_space<vmem>>) dst(%dma_wait3A_173 : memref<7x16x200xf32, #tpu.memory_space<hbm>>)
    %parallel_loop3A_174 = arith.constant 0 : i32
    %parallel_loop3A_175 = arith.constant 16 : i32
    %parallel_loop3A_176 = arith.constant 1 : i32
    scf.for %parallel_loop3A_270 = %parallel_loop3A_174 to %parallel_loop3A_175 step %parallel_loop3A_176  : i32 {
      %parallel_loop3A_271 = arith.constant 0 : i32
      %parallel_loop3A_272 = arith.constant 184 : i32
      %parallel_loop3A_273 = arith.constant 16 : i32
      scf.for %parallel_loop3A_340 = %parallel_loop3A_271 to %parallel_loop3A_272 step %parallel_loop3A_273  : i32 {
        %parallel_loop3A_341 = arith.index_cast %parallel_loop3A_270 : i32 to index
        %parallel_loop3A_342 = arith.index_cast %parallel_loop3A_340 : i32 to index
        %parallel_loop3A_343 = tpu.vector_load %arg12[%parallel_loop3A_341, %parallel_loop3A_342] {strides = array<i32>} : memref<16x200xi32, #tpu.memory_space<vmem>>, vector<16xi32>,
        %parallel_loop3A_344 = arith.constant 0 : i32
        %parallel_loop3A_345 = vector.broadcast %parallel_loop3A_344 : i32 to vector<16xi32>
        %parallel_loop3A_346 = arith.addi %parallel_loop3A_343, %parallel_loop3A_345 : vector<16xi32>
        %parallel_loop3A_347 = tpu.vector_load_idx %arg11[%parallel_loop3A_346] : memref<28672xf32, #tpu.memory_space<vmem>>[vector<16xi32>], vector<16xf32>,
        %parallel_loop3A_348 = arith.constant 0 : i32
        %parallel_loop3A_349 = arith.index_cast %parallel_loop3A_348 : i32 to index
        %parallel_loop3A_350 = arith.index_cast %parallel_loop3A_270 : i32 to index
        %parallel_loop3A_351 = arith.index_cast %parallel_loop3A_340 : i32 to index
        %parallel_loop3A_352 = tpu.vector_load %arg14[%parallel_loop3A_349, %parallel_loop3A_350, %parallel_loop3A_351] {strides = array<i32>} : memref<7x16x200xf32, #tpu.memory_space<vmem>>, vector<16xf32>,
        tpu.vector_store %arg14[%parallel_loop3A_349, %parallel_loop3A_350, %parallel_loop3A_351], %parallel_loop3A_347 {strides = array<i32>} : memref<7x16x200xf32, #tpu.memory_space<vmem>>, vector<16xf32>,
        %parallel_loop3A_353 = arith.constant 4096 : i32
        %parallel_loop3A_354 = vector.broadcast %parallel_loop3A_353 : i32 to vector<16xi32>
        %parallel_loop3A_355 = arith.addi %parallel_loop3A_343, %parallel_loop3A_354 : vector<16xi32>
        %parallel_loop3A_356 = tpu.vector_load_idx %arg11[%parallel_loop3A_355] : memref<28672xf32, #tpu.memory_space<vmem>>[vector<16xi32>], vector<16xf32>,
        %parallel_loop3A_357 = arith.constant 1 : i32
        %parallel_loop3A_358 = arith.index_cast %parallel_loop3A_357 : i32 to index
        %parallel_loop3A_359 = arith.index_cast %parallel_loop3A_270 : i32 to index
        %parallel_loop3A_360 = arith.index_cast %parallel_loop3A_340 : i32 to index
        %parallel_loop3A_361 = tpu.vector_load %arg14[%parallel_loop3A_358, %parallel_loop3A_359, %parallel_loop3A_360] {strides = array<i32>} : memref<7x16x200xf32, #tpu.memory_space<vmem>>, vector<16xf32>,
        tpu.vector_store %arg14[%parallel_loop3A_358, %parallel_loop3A_359, %parallel_loop3A_360], %parallel_loop3A_356 {strides = array<i32>} : memref<7x16x200xf32, #tpu.memory_space<vmem>>, vector<16xf32>,
        %parallel_loop3A_362 = arith.constant 8192 : i32
        %parallel_loop3A_363 = vector.broadcast %parallel_loop3A_362 : i32 to vector<16xi32>
        %parallel_loop3A_364 = arith.addi %parallel_loop3A_343, %parallel_loop3A_363 : vector<16xi32>
        %parallel_loop3A_365 = tpu.vector_load_idx %arg11[%parallel_loop3A_364] : memref<28672xf32, #tpu.memory_space<vmem>>[vector<16xi32>], vector<16xf32>,
        %parallel_loop3A_366 = arith.constant 2 : i32
        %parallel_loop3A_367 = arith.index_cast %parallel_loop3A_366 : i32 to index
        %parallel_loop3A_368 = arith.index_cast %parallel_loop3A_270 : i32 to index
        %parallel_loop3A_369 = arith.index_cast %parallel_loop3A_340 : i32 to index
        %parallel_loop3A_370 = tpu.vector_load %arg14[%parallel_loop3A_367, %parallel_loop3A_368, %parallel_loop3A_369] {strides = array<i32>} : memref<7x16x200xf32, #tpu.memory_space<vmem>>, vector<16xf32>,
        tpu.vector_store %arg14[%parallel_loop3A_367, %parallel_loop3A_368, %parallel_loop3A_369], %parallel_loop3A_365 {strides = array<i32>} : memref<7x16x200xf32, #tpu.memory_space<vmem>>, vector<16xf32>,
        %parallel_loop3A_371 = arith.constant 12288 : i32
        %parallel_loop3A_372 = vector.broadcast %parallel_loop3A_371 : i32 to vector<16xi32>
        %parallel_loop3A_373 = arith.addi %parallel_loop3A_343, %parallel_loop3A_372 : vector<16xi32>
        %parallel_loop3A_374 = tpu.vector_load_idx %arg11[%parallel_loop3A_373] : memref<28672xf32, #tpu.memory_space<vmem>>[vector<16xi32>], vector<16xf32>,
        %parallel_loop3A_375 = arith.constant 3 : i32
        %parallel_loop3A_376 = arith.index_cast %parallel_loop3A_375 : i32 to index
        %parallel_loop3A_377 = arith.index_cast %parallel_loop3A_270 : i32 to index
        %parallel_loop3A_378 = arith.index_cast %parallel_loop3A_340 : i32 to index
        %parallel_loop3A_379 = tpu.vector_load %arg14[%parallel_loop3A_376, %parallel_loop3A_377, %parallel_loop3A_378] {strides = array<i32>} : memref<7x16x200xf32, #tpu.memory_space<vmem>>, vector<16xf32>,
        tpu.vector_store %arg14[%parallel_loop3A_376, %parallel_loop3A_377, %parallel_loop3A_378], %parallel_loop3A_374 {strides = array<i32>} : memref<7x16x200xf32, #tpu.memory_space<vmem>>, vector<16xf32>,
        %parallel_loop3A_380 = arith.constant 16384 : i32
        %parallel_loop3A_381 = vector.broadcast %parallel_loop3A_380 : i32 to vector<16xi32>
        %parallel_loop3A_382 = arith.addi %parallel_loop3A_343, %parallel_loop3A_381 : vector<16xi32>
        %parallel_loop3A_383 = tpu.vector_load_idx %arg11[%parallel_loop3A_382] : memref<28672xf32, #tpu.memory_space<vmem>>[vector<16xi32>], vector<16xf32>,
        %parallel_loop3A_384 = arith.constant 4 : i32
        %parallel_loop3A_385 = arith.index_cast %parallel_loop3A_384 : i32 to index
        %parallel_loop3A_386 = arith.index_cast %parallel_loop3A_270 : i32 to index
        %parallel_loop3A_387 = arith.index_cast %parallel_loop3A_340 : i32 to index
        %parallel_loop3A_388 = tpu.vector_load %arg14[%parallel_loop3A_385, %parallel_loop3A_386, %parallel_loop3A_387] {strides = array<i32>} : memref<7x16x200xf32, #tpu.memory_space<vmem>>, vector<16xf32>,
        tpu.vector_store %arg14[%parallel_loop3A_385, %parallel_loop3A_386, %parallel_loop3A_387], %parallel_loop3A_383 {strides = array<i32>} : memref<7x16x200xf32, #tpu.memory_space<vmem>>, vector<16xf32>,
        %parallel_loop3A_389 = arith.constant 20480 : i32
        %parallel_loop3A_390 = vector.broadcast %parallel_loop3A_389 : i32 to vector<16xi32>
        %parallel_loop3A_391 = arith.addi %parallel_loop3A_343, %parallel_loop3A_390 : vector<16xi32>
        %parallel_loop3A_392 = tpu.vector_load_idx %arg11[%parallel_loop3A_391] : memref<28672xf32, #tpu.memory_space<vmem>>[vector<16xi32>], vector<16xf32>,
        %parallel_loop3A_393 = arith.constant 5 : i32
        %parallel_loop3A_394 = arith.index_cast %parallel_loop3A_393 : i32 to index
        %parallel_loop3A_395 = arith.index_cast %parallel_loop3A_270 : i32 to index
        %parallel_loop3A_396 = arith.index_cast %parallel_loop3A_340 : i32 to index
        %parallel_loop3A_397 = tpu.vector_load %arg14[%parallel_loop3A_394, %parallel_loop3A_395, %parallel_loop3A_396] {strides = array<i32>} : memref<7x16x200xf32, #tpu.memory_space<vmem>>, vector<16xf32>,
        tpu.vector_store %arg14[%parallel_loop3A_394, %parallel_loop3A_395, %parallel_loop3A_396], %parallel_loop3A_392 {strides = array<i32>} : memref<7x16x200xf32, #tpu.memory_space<vmem>>, vector<16xf32>,
        %parallel_loop3A_398 = arith.constant 24576 : i32
        %parallel_loop3A_399 = vector.broadcast %parallel_loop3A_398 : i32 to vector<16xi32>
        %parallel_loop3A_400 = arith.addi %parallel_loop3A_343, %parallel_loop3A_399 : vector<16xi32>
        %parallel_loop3A_401 = tpu.vector_load_idx %arg11[%parallel_loop3A_400] : memref<28672xf32, #tpu.memory_space<vmem>>[vector<16xi32>], vector<16xf32>,
        %parallel_loop3A_402 = arith.constant 6 : i32
        %parallel_loop3A_403 = arith.index_cast %parallel_loop3A_402 : i32 to index
        %parallel_loop3A_404 = arith.index_cast %parallel_loop3A_270 : i32 to index
        %parallel_loop3A_405 = arith.index_cast %parallel_loop3A_340 : i32 to index
        %parallel_loop3A_406 = tpu.vector_load %arg14[%parallel_loop3A_403, %parallel_loop3A_404, %parallel_loop3A_405] {strides = array<i32>} : memref<7x16x200xf32, #tpu.memory_space<vmem>>, vector<16xf32>,
        tpu.vector_store %arg14[%parallel_loop3A_403, %parallel_loop3A_404, %parallel_loop3A_405], %parallel_loop3A_401 {strides = array<i32>} : memref<7x16x200xf32, #tpu.memory_space<vmem>>, vector<16xf32>,
      } {sc.loop_unroll_factor = 4 : i64, sc.parallel_access}
      %parallel_loop3A_274 = arith.index_cast %parallel_loop3A_270 : i32 to index
      %parallel_loop3A_275 = arith.constant 184 : index
      %parallel_loop3A_276 = tpu.vector_load %arg12[%parallel_loop3A_274, %parallel_loop3A_275] {strides = array<i32>} : memref<16x200xi32, #tpu.memory_space<vmem>>, vector<16xi32>,
      %parallel_loop3A_277 = arith.constant 0 : i32
      %parallel_loop3A_278 = vector.broadcast %parallel_loop3A_277 : i32 to vector<16xi32>
      %parallel_loop3A_279 = arith.addi %parallel_loop3A_276, %parallel_loop3A_278 : vector<16xi32>
      %parallel_loop3A_280 = tpu.vector_load_idx %arg11[%parallel_loop3A_279] : memref<28672xf32, #tpu.memory_space<vmem>>[vector<16xi32>], vector<16xf32>,
      %parallel_loop3A_281 = arith.constant 0 : i32
      %parallel_loop3A_282 = arith.index_cast %parallel_loop3A_281 : i32 to index
      %parallel_loop3A_283 = arith.index_cast %parallel_loop3A_270 : i32 to index
      %parallel_loop3A_284 = arith.constant 184 : index
      %parallel_loop3A_285 = tpu.vector_load %arg14[%parallel_loop3A_282, %parallel_loop3A_283, %parallel_loop3A_284] {strides = array<i32>} : memref<7x16x200xf32, #tpu.memory_space<vmem>>, vector<16xf32>,
      tpu.vector_store %arg14[%parallel_loop3A_282, %parallel_loop3A_283, %parallel_loop3A_284], %parallel_loop3A_280 {strides = array<i32>} : memref<7x16x200xf32, #tpu.memory_space<vmem>>, vector<16xf32>,
      %parallel_loop3A_286 = arith.constant 4096 : i32
      %parallel_loop3A_287 = vector.broadcast %parallel_loop3A_286 : i32 to vector<16xi32>
      %parallel_loop3A_288 = arith.addi %parallel_loop3A_276, %parallel_loop3A_287 : vector<16xi32>
      %parallel_loop3A_289 = tpu.vector_load_idx %arg11[%parallel_loop3A_288] : memref<28672xf32, #tpu.memory_space<vmem>>[vector<16xi32>], vector<16xf32>,
      %parallel_loop3A_290 = arith.constant 1 : i32
      %parallel_loop3A_291 = arith.index_cast %parallel_loop3A_290 : i32 to index
      %parallel_loop3A_292 = arith.index_cast %parallel_loop3A_270 : i32 to index
      %parallel_loop3A_293 = arith.constant 184 : index
      %parallel_loop3A_294 = tpu.vector_load %arg14[%parallel_loop3A_291, %parallel_loop3A_292, %parallel_loop3A_293] {strides = array<i32>} : memref<7x16x200xf32, #tpu.memory_space<vmem>>, vector<16xf32>,
      tpu.vector_store %arg14[%parallel_loop3A_291, %parallel_loop3A_292, %parallel_loop3A_293], %parallel_loop3A_289 {strides = array<i32>} : memref<7x16x200xf32, #tpu.memory_space<vmem>>, vector<16xf32>,
      %parallel_loop3A_295 = arith.constant 8192 : i32
      %parallel_loop3A_296 = vector.broadcast %parallel_loop3A_295 : i32 to vector<16xi32>
      %parallel_loop3A_297 = arith.addi %parallel_loop3A_276, %parallel_loop3A_296 : vector<16xi32>
      %parallel_loop3A_298 = tpu.vector_load_idx %arg11[%parallel_loop3A_297] : memref<28672xf32, #tpu.memory_space<vmem>>[vector<16xi32>], vector<16xf32>,
      %parallel_loop3A_299 = arith.constant 2 : i32
      %parallel_loop3A_300 = arith.index_cast %parallel_loop3A_299 : i32 to index
      %parallel_loop3A_301 = arith.index_cast %parallel_loop3A_270 : i32 to index
      %parallel_loop3A_302 = arith.constant 184 : index
      %parallel_loop3A_303 = tpu.vector_load %arg14[%parallel_loop3A_300, %parallel_loop3A_301, %parallel_loop3A_302] {strides = array<i32>} : memref<7x16x200xf32, #tpu.memory_space<vmem>>, vector<16xf32>,
      tpu.vector_store %arg14[%parallel_loop3A_300, %parallel_loop3A_301, %parallel_loop3A_302], %parallel_loop3A_298 {strides = array<i32>} : memref<7x16x200xf32, #tpu.memory_space<vmem>>, vector<16xf32>,
      %parallel_loop3A_304 = arith.constant 12288 : i32
      %parallel_loop3A_305 = vector.broadcast %parallel_loop3A_304 : i32 to vector<16xi32>
      %parallel_loop3A_306 = arith.addi %parallel_loop3A_276, %parallel_loop3A_305 : vector<16xi32>
      %parallel_loop3A_307 = tpu.vector_load_idx %arg11[%parallel_loop3A_306] : memref<28672xf32, #tpu.memory_space<vmem>>[vector<16xi32>], vector<16xf32>,
      %parallel_loop3A_308 = arith.constant 3 : i32
      %parallel_loop3A_309 = arith.index_cast %parallel_loop3A_308 : i32 to index
      %parallel_loop3A_310 = arith.index_cast %parallel_loop3A_270 : i32 to index
      %parallel_loop3A_311 = arith.constant 184 : index
      %parallel_loop3A_312 = tpu.vector_load %arg14[%parallel_loop3A_309, %parallel_loop3A_310, %parallel_loop3A_311] {strides = array<i32>} : memref<7x16x200xf32, #tpu.memory_space<vmem>>, vector<16xf32>,
      tpu.vector_store %arg14[%parallel_loop3A_309, %parallel_loop3A_310, %parallel_loop3A_311], %parallel_loop3A_307 {strides = array<i32>} : memref<7x16x200xf32, #tpu.memory_space<vmem>>, vector<16xf32>,
      %parallel_loop3A_313 = arith.constant 16384 : i32
      %parallel_loop3A_314 = vector.broadcast %parallel_loop3A_313 : i32 to vector<16xi32>
      %parallel_loop3A_315 = arith.addi %parallel_loop3A_276, %parallel_loop3A_314 : vector<16xi32>
      %parallel_loop3A_316 = tpu.vector_load_idx %arg11[%parallel_loop3A_315] : memref<28672xf32, #tpu.memory_space<vmem>>[vector<16xi32>], vector<16xf32>,
      %parallel_loop3A_317 = arith.constant 4 : i32
      %parallel_loop3A_318 = arith.index_cast %parallel_loop3A_317 : i32 to index
      %parallel_loop3A_319 = arith.index_cast %parallel_loop3A_270 : i32 to index
      %parallel_loop3A_320 = arith.constant 184 : index
      %parallel_loop3A_321 = tpu.vector_load %arg14[%parallel_loop3A_318, %parallel_loop3A_319, %parallel_loop3A_320] {strides = array<i32>} : memref<7x16x200xf32, #tpu.memory_space<vmem>>, vector<16xf32>,
      tpu.vector_store %arg14[%parallel_loop3A_318, %parallel_loop3A_319, %parallel_loop3A_320], %parallel_loop3A_316 {strides = array<i32>} : memref<7x16x200xf32, #tpu.memory_space<vmem>>, vector<16xf32>,
      %parallel_loop3A_322 = arith.constant 20480 : i32
      %parallel_loop3A_323 = vector.broadcast %parallel_loop3A_322 : i32 to vector<16xi32>
      %parallel_loop3A_324 = arith.addi %parallel_loop3A_276, %parallel_loop3A_323 : vector<16xi32>
      %parallel_loop3A_325 = tpu.vector_load_idx %arg11[%parallel_loop3A_324] : memref<28672xf32, #tpu.memory_space<vmem>>[vector<16xi32>], vector<16xf32>,
      %parallel_loop3A_326 = arith.constant 5 : i32
      %parallel_loop3A_327 = arith.index_cast %parallel_loop3A_326 : i32 to index
      %parallel_loop3A_328 = arith.index_cast %parallel_loop3A_270 : i32 to index
      %parallel_loop3A_329 = arith.constant 184 : index
      %parallel_loop3A_330 = tpu.vector_load %arg14[%parallel_loop3A_327, %parallel_loop3A_328, %parallel_loop3A_329] {strides = array<i32>} : memref<7x16x200xf32, #tpu.memory_space<vmem>>, vector<16xf32>,
      tpu.vector_store %arg14[%parallel_loop3A_327, %parallel_loop3A_328, %parallel_loop3A_329], %parallel_loop3A_325 {strides = array<i32>} : memref<7x16x200xf32, #tpu.memory_space<vmem>>, vector<16xf32>,
      %parallel_loop3A_331 = arith.constant 24576 : i32
      %parallel_loop3A_332 = vector.broadcast %parallel_loop3A_331 : i32 to vector<16xi32>
      %parallel_loop3A_333 = arith.addi %parallel_loop3A_276, %parallel_loop3A_332 : vector<16xi32>
      %parallel_loop3A_334 = tpu.vector_load_idx %arg11[%parallel_loop3A_333] : memref<28672xf32, #tpu.memory_space<vmem>>[vector<16xi32>], vector<16xf32>,
      %parallel_loop3A_335 = arith.constant 6 : i32
      %parallel_loop3A_336 = arith.index_cast %parallel_loop3A_335 : i32 to index
      %parallel_loop3A_337 = arith.index_cast %parallel_loop3A_270 : i32 to index
      %parallel_loop3A_338 = arith.constant 184 : index
      %parallel_loop3A_339 = tpu.vector_load %arg14[%parallel_loop3A_336, %parallel_loop3A_337, %parallel_loop3A_338] {strides = array<i32>} : memref<7x16x200xf32, #tpu.memory_space<vmem>>, vector<16xf32>,
      tpu.vector_store %arg14[%parallel_loop3A_336, %parallel_loop3A_337, %parallel_loop3A_338], %parallel_loop3A_334 {strides = array<i32>} : memref<7x16x200xf32, #tpu.memory_space<vmem>>, vector<16xf32>,
    } {sc.loop_unroll_factor = 1 : i64, sc.parallel_access}
    %dma_start3A_177 = arith.constant 0 : i32
    %dma_start3A_178 = arith.constant 0 : i32
    %dma_start3A_179 = tpu.memref_slice %arg10[%dma_start3A_177, %add3A_157, %dma_start3A_178] : memref<7x4096x200xf32, #tpu.memory_space<hbm>> -> memref<7x16x200xf32, #tpu.memory_space<hbm>>
    %dma_start3A_180 = arith.constant 0 : i32
    %dma_start3A_181 = arith.constant 0 : i32
    %dma_start3A_182 = tpu.memref_slice %arg10[%dma_start3A_180, %add3A_157, %dma_start3A_181] : memref<7x4096x200xf32, #tpu.memory_space<hbm>> -> memref<7x16x200xf32, #tpu.memory_space<hbm>>
    tpu.enqueue_dma source(%arg14 : memref<7x16x200xf32, #tpu.memory_space<vmem>>) target(%dma_start3A_182 : memref<7x16x200xf32, #tpu.memory_space<hbm>>) target_semaphore(%arg18 : memref<!tpu.dma_semaphore, #tpu.memory_space<semaphore_mem>>)
    %add3A_183 = arith.constant 80 : i32
    %add3A_184 = arith.addi %mul3A_2, %add3A_183 : i32
    %dma_wait3A_185 = arith.constant 0 : i32
    %dma_wait3A_186 = tpu.memref_slice %arg2[%add3A_163, %dma_wait3A_185] : memref<4096x200xi32, #tpu.memory_space<hbm>> -> memref<16x200xi32, #tpu.memory_space<hbm>>
    %dma_wait3A_187 = arith.constant 0 : i32
    %dma_wait3A_188 = tpu.memref_slice %arg2[%add3A_163, %dma_wait3A_187] : memref<4096x200xi32, #tpu.memory_space<hbm>> -> memref<16x200xi32, #tpu.memory_space<hbm>>
    tpu.wait_dma2 semaphore(%arg17 : memref<!tpu.dma_semaphore, #tpu.memory_space<semaphore_mem>>) src(%dma_wait3A_188 : memref<16x200xi32, #tpu.memory_space<hbm>>) dst(%arg13 : memref<16x200xi32, #tpu.memory_space<vmem>>)
    %add3A_189 = arith.constant 96 : i32
    %add3A_190 = arith.addi %mul3A_2, %add3A_189 : i32
    %dma_start3A_191 = arith.constant 0 : i32
    %dma_start3A_192 = tpu.memref_slice %arg2[%add3A_190, %dma_start3A_191] : memref<4096x200xi32, #tpu.memory_space<hbm>> -> memref<16x200xi32, #tpu.memory_space<hbm>>
    %dma_start3A_193 = arith.constant 0 : i32
    %dma_start3A_194 = tpu.memref_slice %arg2[%add3A_190, %dma_start3A_193] : memref<4096x200xi32, #tpu.memory_space<hbm>> -> memref<16x200xi32, #tpu.memory_space<hbm>>
    tpu.enqueue_dma source(%dma_start3A_194 : memref<16x200xi32, #tpu.memory_space<hbm>>) target(%arg12 : memref<16x200xi32, #tpu.memory_space<vmem>>) target_semaphore(%arg16 : memref<!tpu.dma_semaphore, #tpu.memory_space<semaphore_mem>>)
    %dma_wait3A_195 = arith.constant 0 : i32
    %dma_wait3A_196 = arith.constant 0 : i32
    %dma_wait3A_197 = tpu.memref_slice %arg10[%dma_wait3A_195, %add3A_130, %dma_wait3A_196] : memref<7x4096x200xf32, #tpu.memory_space<hbm>> -> memref<7x16x200xf32, #tpu.memory_space<hbm>>
    %dma_wait3A_198 = arith.constant 0 : i32
    %dma_wait3A_199 = arith.constant 0 : i32
    %dma_wait3A_200 = tpu.memref_slice %arg10[%dma_wait3A_198, %add3A_130, %dma_wait3A_199] : memref<7x4096x200xf32, #tpu.memory_space<hbm>> -> memref<7x16x200xf32, #tpu.memory_space<hbm>>
    tpu.wait_dma2 semaphore(%arg19 : memref<!tpu.dma_semaphore, #tpu.memory_space<semaphore_mem>>) src(%arg15 : memref<7x16x200xf32, #tpu.memory_space<vmem>>) dst(%dma_wait3A_200 : memref<7x16x200xf32, #tpu.memory_space<hbm>>)
    %parallel_loop3A_201 = arith.constant 0 : i32
    %parallel_loop3A_202 = arith.constant 16 : i32
    %parallel_loop3A_203 = arith.constant 1 : i32
    scf.for %parallel_loop3A_270 = %parallel_loop3A_201 to %parallel_loop3A_202 step %parallel_loop3A_203  : i32 {
      %parallel_loop3A_271 = arith.constant 0 : i32
      %parallel_loop3A_272 = arith.constant 184 : i32
      %parallel_loop3A_273 = arith.constant 16 : i32
      scf.for %parallel_loop3A_340 = %parallel_loop3A_271 to %parallel_loop3A_272 step %parallel_loop3A_273  : i32 {
        %parallel_loop3A_341 = arith.index_cast %parallel_loop3A_270 : i32 to index
        %parallel_loop3A_342 = arith.index_cast %parallel_loop3A_340 : i32 to index
        %parallel_loop3A_343 = tpu.vector_load %arg13[%parallel_loop3A_341, %parallel_loop3A_342] {strides = array<i32>} : memref<16x200xi32, #tpu.memory_space<vmem>>, vector<16xi32>,
        %parallel_loop3A_344 = arith.constant 0 : i32
        %parallel_loop3A_345 = vector.broadcast %parallel_loop3A_344 : i32 to vector<16xi32>
        %parallel_loop3A_346 = arith.addi %parallel_loop3A_343, %parallel_loop3A_345 : vector<16xi32>
        %parallel_loop3A_347 = tpu.vector_load_idx %arg11[%parallel_loop3A_346] : memref<28672xf32, #tpu.memory_space<vmem>>[vector<16xi32>], vector<16xf32>,
        %parallel_loop3A_348 = arith.constant 0 : i32
        %parallel_loop3A_349 = arith.index_cast %parallel_loop3A_348 : i32 to index
        %parallel_loop3A_350 = arith.index_cast %parallel_loop3A_270 : i32 to index
        %parallel_loop3A_351 = arith.index_cast %parallel_loop3A_340 : i32 to index
        %parallel_loop3A_352 = tpu.vector_load %arg15[%parallel_loop3A_349, %parallel_loop3A_350, %parallel_loop3A_351] {strides = array<i32>} : memref<7x16x200xf32, #tpu.memory_space<vmem>>, vector<16xf32>,
        tpu.vector_store %arg15[%parallel_loop3A_349, %parallel_loop3A_350, %parallel_loop3A_351], %parallel_loop3A_347 {strides = array<i32>} : memref<7x16x200xf32, #tpu.memory_space<vmem>>, vector<16xf32>,
        %parallel_loop3A_353 = arith.constant 4096 : i32
        %parallel_loop3A_354 = vector.broadcast %parallel_loop3A_353 : i32 to vector<16xi32>
        %parallel_loop3A_355 = arith.addi %parallel_loop3A_343, %parallel_loop3A_354 : vector<16xi32>
        %parallel_loop3A_356 = tpu.vector_load_idx %arg11[%parallel_loop3A_355] : memref<28672xf32, #tpu.memory_space<vmem>>[vector<16xi32>], vector<16xf32>,
        %parallel_loop3A_357 = arith.constant 1 : i32
        %parallel_loop3A_358 = arith.index_cast %parallel_loop3A_357 : i32 to index
        %parallel_loop3A_359 = arith.index_cast %parallel_loop3A_270 : i32 to index
        %parallel_loop3A_360 = arith.index_cast %parallel_loop3A_340 : i32 to index
        %parallel_loop3A_361 = tpu.vector_load %arg15[%parallel_loop3A_358, %parallel_loop3A_359, %parallel_loop3A_360] {strides = array<i32>} : memref<7x16x200xf32, #tpu.memory_space<vmem>>, vector<16xf32>,
        tpu.vector_store %arg15[%parallel_loop3A_358, %parallel_loop3A_359, %parallel_loop3A_360], %parallel_loop3A_356 {strides = array<i32>} : memref<7x16x200xf32, #tpu.memory_space<vmem>>, vector<16xf32>,
        %parallel_loop3A_362 = arith.constant 8192 : i32
        %parallel_loop3A_363 = vector.broadcast %parallel_loop3A_362 : i32 to vector<16xi32>
        %parallel_loop3A_364 = arith.addi %parallel_loop3A_343, %parallel_loop3A_363 : vector<16xi32>
        %parallel_loop3A_365 = tpu.vector_load_idx %arg11[%parallel_loop3A_364] : memref<28672xf32, #tpu.memory_space<vmem>>[vector<16xi32>], vector<16xf32>,
        %parallel_loop3A_366 = arith.constant 2 : i32
        %parallel_loop3A_367 = arith.index_cast %parallel_loop3A_366 : i32 to index
        %parallel_loop3A_368 = arith.index_cast %parallel_loop3A_270 : i32 to index
        %parallel_loop3A_369 = arith.index_cast %parallel_loop3A_340 : i32 to index
        %parallel_loop3A_370 = tpu.vector_load %arg15[%parallel_loop3A_367, %parallel_loop3A_368, %parallel_loop3A_369] {strides = array<i32>} : memref<7x16x200xf32, #tpu.memory_space<vmem>>, vector<16xf32>,
        tpu.vector_store %arg15[%parallel_loop3A_367, %parallel_loop3A_368, %parallel_loop3A_369], %parallel_loop3A_365 {strides = array<i32>} : memref<7x16x200xf32, #tpu.memory_space<vmem>>, vector<16xf32>,
        %parallel_loop3A_371 = arith.constant 12288 : i32
        %parallel_loop3A_372 = vector.broadcast %parallel_loop3A_371 : i32 to vector<16xi32>
        %parallel_loop3A_373 = arith.addi %parallel_loop3A_343, %parallel_loop3A_372 : vector<16xi32>
        %parallel_loop3A_374 = tpu.vector_load_idx %arg11[%parallel_loop3A_373] : memref<28672xf32, #tpu.memory_space<vmem>>[vector<16xi32>], vector<16xf32>,
        %parallel_loop3A_375 = arith.constant 3 : i32
        %parallel_loop3A_376 = arith.index_cast %parallel_loop3A_375 : i32 to index
        %parallel_loop3A_377 = arith.index_cast %parallel_loop3A_270 : i32 to index
        %parallel_loop3A_378 = arith.index_cast %parallel_loop3A_340 : i32 to index
        %parallel_loop3A_379 = tpu.vector_load %arg15[%parallel_loop3A_376, %parallel_loop3A_377, %parallel_loop3A_378] {strides = array<i32>} : memref<7x16x200xf32, #tpu.memory_space<vmem>>, vector<16xf32>,
        tpu.vector_store %arg15[%parallel_loop3A_376, %parallel_loop3A_377, %parallel_loop3A_378], %parallel_loop3A_374 {strides = array<i32>} : memref<7x16x200xf32, #tpu.memory_space<vmem>>, vector<16xf32>,
        %parallel_loop3A_380 = arith.constant 16384 : i32
        %parallel_loop3A_381 = vector.broadcast %parallel_loop3A_380 : i32 to vector<16xi32>
        %parallel_loop3A_382 = arith.addi %parallel_loop3A_343, %parallel_loop3A_381 : vector<16xi32>
        %parallel_loop3A_383 = tpu.vector_load_idx %arg11[%parallel_loop3A_382] : memref<28672xf32, #tpu.memory_space<vmem>>[vector<16xi32>], vector<16xf32>,
        %parallel_loop3A_384 = arith.constant 4 : i32
        %parallel_loop3A_385 = arith.index_cast %parallel_loop3A_384 : i32 to index
        %parallel_loop3A_386 = arith.index_cast %parallel_loop3A_270 : i32 to index
        %parallel_loop3A_387 = arith.index_cast %parallel_loop3A_340 : i32 to index
        %parallel_loop3A_388 = tpu.vector_load %arg15[%parallel_loop3A_385, %parallel_loop3A_386, %parallel_loop3A_387] {strides = array<i32>} : memref<7x16x200xf32, #tpu.memory_space<vmem>>, vector<16xf32>,
        tpu.vector_store %arg15[%parallel_loop3A_385, %parallel_loop3A_386, %parallel_loop3A_387], %parallel_loop3A_383 {strides = array<i32>} : memref<7x16x200xf32, #tpu.memory_space<vmem>>, vector<16xf32>,
        %parallel_loop3A_389 = arith.constant 20480 : i32
        %parallel_loop3A_390 = vector.broadcast %parallel_loop3A_389 : i32 to vector<16xi32>
        %parallel_loop3A_391 = arith.addi %parallel_loop3A_343, %parallel_loop3A_390 : vector<16xi32>
        %parallel_loop3A_392 = tpu.vector_load_idx %arg11[%parallel_loop3A_391] : memref<28672xf32, #tpu.memory_space<vmem>>[vector<16xi32>], vector<16xf32>,
        %parallel_loop3A_393 = arith.constant 5 : i32
        %parallel_loop3A_394 = arith.index_cast %parallel_loop3A_393 : i32 to index
        %parallel_loop3A_395 = arith.index_cast %parallel_loop3A_270 : i32 to index
        %parallel_loop3A_396 = arith.index_cast %parallel_loop3A_340 : i32 to index
        %parallel_loop3A_397 = tpu.vector_load %arg15[%parallel_loop3A_394, %parallel_loop3A_395, %parallel_loop3A_396] {strides = array<i32>} : memref<7x16x200xf32, #tpu.memory_space<vmem>>, vector<16xf32>,
        tpu.vector_store %arg15[%parallel_loop3A_394, %parallel_loop3A_395, %parallel_loop3A_396], %parallel_loop3A_392 {strides = array<i32>} : memref<7x16x200xf32, #tpu.memory_space<vmem>>, vector<16xf32>,
        %parallel_loop3A_398 = arith.constant 24576 : i32
        %parallel_loop3A_399 = vector.broadcast %parallel_loop3A_398 : i32 to vector<16xi32>
        %parallel_loop3A_400 = arith.addi %parallel_loop3A_343, %parallel_loop3A_399 : vector<16xi32>
        %parallel_loop3A_401 = tpu.vector_load_idx %arg11[%parallel_loop3A_400] : memref<28672xf32, #tpu.memory_space<vmem>>[vector<16xi32>], vector<16xf32>,
        %parallel_loop3A_402 = arith.constant 6 : i32
        %parallel_loop3A_403 = arith.index_cast %parallel_loop3A_402 : i32 to index
        %parallel_loop3A_404 = arith.index_cast %parallel_loop3A_270 : i32 to index
        %parallel_loop3A_405 = arith.index_cast %parallel_loop3A_340 : i32 to index
        %parallel_loop3A_406 = tpu.vector_load %arg15[%parallel_loop3A_403, %parallel_loop3A_404, %parallel_loop3A_405] {strides = array<i32>} : memref<7x16x200xf32, #tpu.memory_space<vmem>>, vector<16xf32>,
        tpu.vector_store %arg15[%parallel_loop3A_403, %parallel_loop3A_404, %parallel_loop3A_405], %parallel_loop3A_401 {strides = array<i32>} : memref<7x16x200xf32, #tpu.memory_space<vmem>>, vector<16xf32>,
      } {sc.loop_unroll_factor = 4 : i64, sc.parallel_access}
      %parallel_loop3A_274 = arith.index_cast %parallel_loop3A_270 : i32 to index
      %parallel_loop3A_275 = arith.constant 184 : index
      %parallel_loop3A_276 = tpu.vector_load %arg13[%parallel_loop3A_274, %parallel_loop3A_275] {strides = array<i32>} : memref<16x200xi32, #tpu.memory_space<vmem>>, vector<16xi32>,
      %parallel_loop3A_277 = arith.constant 0 : i32
      %parallel_loop3A_278 = vector.broadcast %parallel_loop3A_277 : i32 to vector<16xi32>
      %parallel_loop3A_279 = arith.addi %parallel_loop3A_276, %parallel_loop3A_278 : vector<16xi32>
      %parallel_loop3A_280 = tpu.vector_load_idx %arg11[%parallel_loop3A_279] : memref<28672xf32, #tpu.memory_space<vmem>>[vector<16xi32>], vector<16xf32>,
      %parallel_loop3A_281 = arith.constant 0 : i32
      %parallel_loop3A_282 = arith.index_cast %parallel_loop3A_281 : i32 to index
      %parallel_loop3A_283 = arith.index_cast %parallel_loop3A_270 : i32 to index
      %parallel_loop3A_284 = arith.constant 184 : index
      %parallel_loop3A_285 = tpu.vector_load %arg15[%parallel_loop3A_282, %parallel_loop3A_283, %parallel_loop3A_284] {strides = array<i32>} : memref<7x16x200xf32, #tpu.memory_space<vmem>>, vector<16xf32>,
      tpu.vector_store %arg15[%parallel_loop3A_282, %parallel_loop3A_283, %parallel_loop3A_284], %parallel_loop3A_280 {strides = array<i32>} : memref<7x16x200xf32, #tpu.memory_space<vmem>>, vector<16xf32>,
      %parallel_loop3A_286 = arith.constant 4096 : i32
      %parallel_loop3A_287 = vector.broadcast %parallel_loop3A_286 : i32 to vector<16xi32>
      %parallel_loop3A_288 = arith.addi %parallel_loop3A_276, %parallel_loop3A_287 : vector<16xi32>
      %parallel_loop3A_289 = tpu.vector_load_idx %arg11[%parallel_loop3A_288] : memref<28672xf32, #tpu.memory_space<vmem>>[vector<16xi32>], vector<16xf32>,
      %parallel_loop3A_290 = arith.constant 1 : i32
      %parallel_loop3A_291 = arith.index_cast %parallel_loop3A_290 : i32 to index
      %parallel_loop3A_292 = arith.index_cast %parallel_loop3A_270 : i32 to index
      %parallel_loop3A_293 = arith.constant 184 : index
      %parallel_loop3A_294 = tpu.vector_load %arg15[%parallel_loop3A_291, %parallel_loop3A_292, %parallel_loop3A_293] {strides = array<i32>} : memref<7x16x200xf32, #tpu.memory_space<vmem>>, vector<16xf32>,
      tpu.vector_store %arg15[%parallel_loop3A_291, %parallel_loop3A_292, %parallel_loop3A_293], %parallel_loop3A_289 {strides = array<i32>} : memref<7x16x200xf32, #tpu.memory_space<vmem>>, vector<16xf32>,
      %parallel_loop3A_295 = arith.constant 8192 : i32
      %parallel_loop3A_296 = vector.broadcast %parallel_loop3A_295 : i32 to vector<16xi32>
      %parallel_loop3A_297 = arith.addi %parallel_loop3A_276, %parallel_loop3A_296 : vector<16xi32>
      %parallel_loop3A_298 = tpu.vector_load_idx %arg11[%parallel_loop3A_297] : memref<28672xf32, #tpu.memory_space<vmem>>[vector<16xi32>], vector<16xf32>,
      %parallel_loop3A_299 = arith.constant 2 : i32
      %parallel_loop3A_300 = arith.index_cast %parallel_loop3A_299 : i32 to index
      %parallel_loop3A_301 = arith.index_cast %parallel_loop3A_270 : i32 to index
      %parallel_loop3A_302 = arith.constant 184 : index
      %parallel_loop3A_303 = tpu.vector_load %arg15[%parallel_loop3A_300, %parallel_loop3A_301, %parallel_loop3A_302] {strides = array<i32>} : memref<7x16x200xf32, #tpu.memory_space<vmem>>, vector<16xf32>,
      tpu.vector_store %arg15[%parallel_loop3A_300, %parallel_loop3A_301, %parallel_loop3A_302], %parallel_loop3A_298 {strides = array<i32>} : memref<7x16x200xf32, #tpu.memory_space<vmem>>, vector<16xf32>,
      %parallel_loop3A_304 = arith.constant 12288 : i32
      %parallel_loop3A_305 = vector.broadcast %parallel_loop3A_304 : i32 to vector<16xi32>
      %parallel_loop3A_306 = arith.addi %parallel_loop3A_276, %parallel_loop3A_305 : vector<16xi32>
      %parallel_loop3A_307 = tpu.vector_load_idx %arg11[%parallel_loop3A_306] : memref<28672xf32, #tpu.memory_space<vmem>>[vector<16xi32>], vector<16xf32>,
      %parallel_loop3A_308 = arith.constant 3 : i32
      %parallel_loop3A_309 = arith.index_cast %parallel_loop3A_308 : i32 to index
      %parallel_loop3A_310 = arith.index_cast %parallel_loop3A_270 : i32 to index
      %parallel_loop3A_311 = arith.constant 184 : index
      %parallel_loop3A_312 = tpu.vector_load %arg15[%parallel_loop3A_309, %parallel_loop3A_310, %parallel_loop3A_311] {strides = array<i32>} : memref<7x16x200xf32, #tpu.memory_space<vmem>>, vector<16xf32>,
      tpu.vector_store %arg15[%parallel_loop3A_309, %parallel_loop3A_310, %parallel_loop3A_311], %parallel_loop3A_307 {strides = array<i32>} : memref<7x16x200xf32, #tpu.memory_space<vmem>>, vector<16xf32>,
      %parallel_loop3A_313 = arith.constant 16384 : i32
      %parallel_loop3A_314 = vector.broadcast %parallel_loop3A_313 : i32 to vector<16xi32>
      %parallel_loop3A_315 = arith.addi %parallel_loop3A_276, %parallel_loop3A_314 : vector<16xi32>
      %parallel_loop3A_316 = tpu.vector_load_idx %arg11[%parallel_loop3A_315] : memref<28672xf32, #tpu.memory_space<vmem>>[vector<16xi32>], vector<16xf32>,
      %parallel_loop3A_317 = arith.constant 4 : i32
      %parallel_loop3A_318 = arith.index_cast %parallel_loop3A_317 : i32 to index
      %parallel_loop3A_319 = arith.index_cast %parallel_loop3A_270 : i32 to index
      %parallel_loop3A_320 = arith.constant 184 : index
      %parallel_loop3A_321 = tpu.vector_load %arg15[%parallel_loop3A_318, %parallel_loop3A_319, %parallel_loop3A_320] {strides = array<i32>} : memref<7x16x200xf32, #tpu.memory_space<vmem>>, vector<16xf32>,
      tpu.vector_store %arg15[%parallel_loop3A_318, %parallel_loop3A_319, %parallel_loop3A_320], %parallel_loop3A_316 {strides = array<i32>} : memref<7x16x200xf32, #tpu.memory_space<vmem>>, vector<16xf32>,
      %parallel_loop3A_322 = arith.constant 20480 : i32
      %parallel_loop3A_323 = vector.broadcast %parallel_loop3A_322 : i32 to vector<16xi32>
      %parallel_loop3A_324 = arith.addi %parallel_loop3A_276, %parallel_loop3A_323 : vector<16xi32>
      %parallel_loop3A_325 = tpu.vector_load_idx %arg11[%parallel_loop3A_324] : memref<28672xf32, #tpu.memory_space<vmem>>[vector<16xi32>], vector<16xf32>,
      %parallel_loop3A_326 = arith.constant 5 : i32
      %parallel_loop3A_327 = arith.index_cast %parallel_loop3A_326 : i32 to index
      %parallel_loop3A_328 = arith.index_cast %parallel_loop3A_270 : i32 to index
      %parallel_loop3A_329 = arith.constant 184 : index
      %parallel_loop3A_330 = tpu.vector_load %arg15[%parallel_loop3A_327, %parallel_loop3A_328, %parallel_loop3A_329] {strides = array<i32>} : memref<7x16x200xf32, #tpu.memory_space<vmem>>, vector<16xf32>,
      tpu.vector_store %arg15[%parallel_loop3A_327, %parallel_loop3A_328, %parallel_loop3A_329], %parallel_loop3A_325 {strides = array<i32>} : memref<7x16x200xf32, #tpu.memory_space<vmem>>, vector<16xf32>,
      %parallel_loop3A_331 = arith.constant 24576 : i32
      %parallel_loop3A_332 = vector.broadcast %parallel_loop3A_331 : i32 to vector<16xi32>
      %parallel_loop3A_333 = arith.addi %parallel_loop3A_276, %parallel_loop3A_332 : vector<16xi32>
      %parallel_loop3A_334 = tpu.vector_load_idx %arg11[%parallel_loop3A_333] : memref<28672xf32, #tpu.memory_space<vmem>>[vector<16xi32>], vector<16xf32>,
      %parallel_loop3A_335 = arith.constant 6 : i32
      %parallel_loop3A_336 = arith.index_cast %parallel_loop3A_335 : i32 to index
      %parallel_loop3A_337 = arith.index_cast %parallel_loop3A_270 : i32 to index
      %parallel_loop3A_338 = arith.constant 184 : index
      %parallel_loop3A_339 = tpu.vector_load %arg15[%parallel_loop3A_336, %parallel_loop3A_337, %parallel_loop3A_338] {strides = array<i32>} : memref<7x16x200xf32, #tpu.memory_space<vmem>>, vector<16xf32>,
      tpu.vector_store %arg15[%parallel_loop3A_336, %parallel_loop3A_337, %parallel_loop3A_338], %parallel_loop3A_334 {strides = array<i32>} : memref<7x16x200xf32, #tpu.memory_space<vmem>>, vector<16xf32>,
    } {sc.loop_unroll_factor = 1 : i64, sc.parallel_access}
    %dma_start3A_204 = arith.constant 0 : i32
    %dma_start3A_205 = arith.constant 0 : i32
    %dma_start3A_206 = tpu.memref_slice %arg10[%dma_start3A_204, %add3A_184, %dma_start3A_205] : memref<7x4096x200xf32, #tpu.memory_space<hbm>> -> memref<7x16x200xf32, #tpu.memory_space<hbm>>
    %dma_start3A_207 = arith.constant 0 : i32
    %dma_start3A_208 = arith.constant 0 : i32
    %dma_start3A_209 = tpu.memref_slice %arg10[%dma_start3A_207, %add3A_184, %dma_start3A_208] : memref<7x4096x200xf32, #tpu.memory_space<hbm>> -> memref<7x16x200xf32, #tpu.memory_space<hbm>>
    tpu.enqueue_dma source(%arg15 : memref<7x16x200xf32, #tpu.memory_space<vmem>>) target(%dma_start3A_209 : memref<7x16x200xf32, #tpu.memory_space<hbm>>) target_semaphore(%arg19 : memref<!tpu.dma_semaphore, #tpu.memory_space<semaphore_mem>>)
    %add3A_210 = arith.constant 96 : i32
    %add3A_211 = arith.addi %mul3A_2, %add3A_210 : i32
    %dma_wait3A_212 = arith.constant 0 : i32
    %dma_wait3A_213 = tpu.memref_slice %arg2[%add3A_190, %dma_wait3A_212] : memref<4096x200xi32, #tpu.memory_space<hbm>> -> memref<16x200xi32, #tpu.memory_space<hbm>>
    %dma_wait3A_214 = arith.constant 0 : i32
    %dma_wait3A_215 = tpu.memref_slice %arg2[%add3A_190, %dma_wait3A_214] : memref<4096x200xi32, #tpu.memory_space<hbm>> -> memref<16x200xi32, #tpu.memory_space<hbm>>
    tpu.wait_dma2 semaphore(%arg16 : memref<!tpu.dma_semaphore, #tpu.memory_space<semaphore_mem>>) src(%dma_wait3A_215 : memref<16x200xi32, #tpu.memory_space<hbm>>) dst(%arg12 : memref<16x200xi32, #tpu.memory_space<vmem>>)
    %add3A_216 = arith.constant 112 : i32
    %add3A_217 = arith.addi %mul3A_2, %add3A_216 : i32
    %dma_start3A_218 = arith.constant 0 : i32
    %dma_start3A_219 = tpu.memref_slice %arg2[%add3A_217, %dma_start3A_218] : memref<4096x200xi32, #tpu.memory_space<hbm>> -> memref<16x200xi32, #tpu.memory_space<hbm>>
    %dma_start3A_220 = arith.constant 0 : i32
    %dma_start3A_221 = tpu.memref_slice %arg2[%add3A_217, %dma_start3A_220] : memref<4096x200xi32, #tpu.memory_space<hbm>> -> memref<16x200xi32, #tpu.memory_space<hbm>>
    tpu.enqueue_dma source(%dma_start3A_221 : memref<16x200xi32, #tpu.memory_space<hbm>>) target(%arg13 : memref<16x200xi32, #tpu.memory_space<vmem>>) target_semaphore(%arg17 : memref<!tpu.dma_semaphore, #tpu.memory_space<semaphore_mem>>)
    %dma_wait3A_222 = arith.constant 0 : i32
    %dma_wait3A_223 = arith.constant 0 : i32
    %dma_wait3A_224 = tpu.memref_slice %arg10[%dma_wait3A_222, %add3A_157, %dma_wait3A_223] : memref<7x4096x200xf32, #tpu.memory_space<hbm>> -> memref<7x16x200xf32, #tpu.memory_space<hbm>>
    %dma_wait3A_225 = arith.constant 0 : i32
    %dma_wait3A_226 = arith.constant 0 : i32
    %dma_wait3A_227 = tpu.memref_slice %arg10[%dma_wait3A_225, %add3A_157, %dma_wait3A_226] : memref<7x4096x200xf32, #tpu.memory_space<hbm>> -> memref<7x16x200xf32, #tpu.memory_space<hbm>>
    tpu.wait_dma2 semaphore(%arg18 : memref<!tpu.dma_semaphore, #tpu.memory_space<semaphore_mem>>) src(%arg14 : memref<7x16x200xf32, #tpu.memory_space<vmem>>) dst(%dma_wait3A_227 : memref<7x16x200xf32, #tpu.memory_space<hbm>>)
    %parallel_loop3A_228 = arith.constant 0 : i32
    %parallel_loop3A_229 = arith.constant 16 : i32
    %parallel_loop3A_230 = arith.constant 1 : i32
    scf.for %parallel_loop3A_270 = %parallel_loop3A_228 to %parallel_loop3A_229 step %parallel_loop3A_230  : i32 {
      %parallel_loop3A_271 = arith.constant 0 : i32
      %parallel_loop3A_272 = arith.constant 184 : i32
      %parallel_loop3A_273 = arith.constant 16 : i32
      scf.for %parallel_loop3A_340 = %parallel_loop3A_271 to %parallel_loop3A_272 step %parallel_loop3A_273  : i32 {
        %parallel_loop3A_341 = arith.index_cast %parallel_loop3A_270 : i32 to index
        %parallel_loop3A_342 = arith.index_cast %parallel_loop3A_340 : i32 to index
        %parallel_loop3A_343 = tpu.vector_load %arg12[%parallel_loop3A_341, %parallel_loop3A_342] {strides = array<i32>} : memref<16x200xi32, #tpu.memory_space<vmem>>, vector<16xi32>,
        %parallel_loop3A_344 = arith.constant 0 : i32
        %parallel_loop3A_345 = vector.broadcast %parallel_loop3A_344 : i32 to vector<16xi32>
        %parallel_loop3A_346 = arith.addi %parallel_loop3A_343, %parallel_loop3A_345 : vector<16xi32>
        %parallel_loop3A_347 = tpu.vector_load_idx %arg11[%parallel_loop3A_346] : memref<28672xf32, #tpu.memory_space<vmem>>[vector<16xi32>], vector<16xf32>,
        %parallel_loop3A_348 = arith.constant 0 : i32
        %parallel_loop3A_349 = arith.index_cast %parallel_loop3A_348 : i32 to index
        %parallel_loop3A_350 = arith.index_cast %parallel_loop3A_270 : i32 to index
        %parallel_loop3A_351 = arith.index_cast %parallel_loop3A_340 : i32 to index
        %parallel_loop3A_352 = tpu.vector_load %arg14[%parallel_loop3A_349, %parallel_loop3A_350, %parallel_loop3A_351] {strides = array<i32>} : memref<7x16x200xf32, #tpu.memory_space<vmem>>, vector<16xf32>,
        tpu.vector_store %arg14[%parallel_loop3A_349, %parallel_loop3A_350, %parallel_loop3A_351], %parallel_loop3A_347 {strides = array<i32>} : memref<7x16x200xf32, #tpu.memory_space<vmem>>, vector<16xf32>,
        %parallel_loop3A_353 = arith.constant 4096 : i32
        %parallel_loop3A_354 = vector.broadcast %parallel_loop3A_353 : i32 to vector<16xi32>
        %parallel_loop3A_355 = arith.addi %parallel_loop3A_343, %parallel_loop3A_354 : vector<16xi32>
        %parallel_loop3A_356 = tpu.vector_load_idx %arg11[%parallel_loop3A_355] : memref<28672xf32, #tpu.memory_space<vmem>>[vector<16xi32>], vector<16xf32>,
        %parallel_loop3A_357 = arith.constant 1 : i32
        %parallel_loop3A_358 = arith.index_cast %parallel_loop3A_357 : i32 to index
        %parallel_loop3A_359 = arith.index_cast %parallel_loop3A_270 : i32 to index
        %parallel_loop3A_360 = arith.index_cast %parallel_loop3A_340 : i32 to index
        %parallel_loop3A_361 = tpu.vector_load %arg14[%parallel_loop3A_358, %parallel_loop3A_359, %parallel_loop3A_360] {strides = array<i32>} : memref<7x16x200xf32, #tpu.memory_space<vmem>>, vector<16xf32>,
        tpu.vector_store %arg14[%parallel_loop3A_358, %parallel_loop3A_359, %parallel_loop3A_360], %parallel_loop3A_356 {strides = array<i32>} : memref<7x16x200xf32, #tpu.memory_space<vmem>>, vector<16xf32>,
        %parallel_loop3A_362 = arith.constant 8192 : i32
        %parallel_loop3A_363 = vector.broadcast %parallel_loop3A_362 : i32 to vector<16xi32>
        %parallel_loop3A_364 = arith.addi %parallel_loop3A_343, %parallel_loop3A_363 : vector<16xi32>
        %parallel_loop3A_365 = tpu.vector_load_idx %arg11[%parallel_loop3A_364] : memref<28672xf32, #tpu.memory_space<vmem>>[vector<16xi32>], vector<16xf32>,
        %parallel_loop3A_366 = arith.constant 2 : i32
        %parallel_loop3A_367 = arith.index_cast %parallel_loop3A_366 : i32 to index
        %parallel_loop3A_368 = arith.index_cast %parallel_loop3A_270 : i32 to index
        %parallel_loop3A_369 = arith.index_cast %parallel_loop3A_340 : i32 to index
        %parallel_loop3A_370 = tpu.vector_load %arg14[%parallel_loop3A_367, %parallel_loop3A_368, %parallel_loop3A_369] {strides = array<i32>} : memref<7x16x200xf32, #tpu.memory_space<vmem>>, vector<16xf32>,
        tpu.vector_store %arg14[%parallel_loop3A_367, %parallel_loop3A_368, %parallel_loop3A_369], %parallel_loop3A_365 {strides = array<i32>} : memref<7x16x200xf32, #tpu.memory_space<vmem>>, vector<16xf32>,
        %parallel_loop3A_371 = arith.constant 12288 : i32
        %parallel_loop3A_372 = vector.broadcast %parallel_loop3A_371 : i32 to vector<16xi32>
        %parallel_loop3A_373 = arith.addi %parallel_loop3A_343, %parallel_loop3A_372 : vector<16xi32>
        %parallel_loop3A_374 = tpu.vector_load_idx %arg11[%parallel_loop3A_373] : memref<28672xf32, #tpu.memory_space<vmem>>[vector<16xi32>], vector<16xf32>,
        %parallel_loop3A_375 = arith.constant 3 : i32
        %parallel_loop3A_376 = arith.index_cast %parallel_loop3A_375 : i32 to index
        %parallel_loop3A_377 = arith.index_cast %parallel_loop3A_270 : i32 to index
        %parallel_loop3A_378 = arith.index_cast %parallel_loop3A_340 : i32 to index
        %parallel_loop3A_379 = tpu.vector_load %arg14[%parallel_loop3A_376, %parallel_loop3A_377, %parallel_loop3A_378] {strides = array<i32>} : memref<7x16x200xf32, #tpu.memory_space<vmem>>, vector<16xf32>,
        tpu.vector_store %arg14[%parallel_loop3A_376, %parallel_loop3A_377, %parallel_loop3A_378], %parallel_loop3A_374 {strides = array<i32>} : memref<7x16x200xf32, #tpu.memory_space<vmem>>, vector<16xf32>,
        %parallel_loop3A_380 = arith.constant 16384 : i32
        %parallel_loop3A_381 = vector.broadcast %parallel_loop3A_380 : i32 to vector<16xi32>
        %parallel_loop3A_382 = arith.addi %parallel_loop3A_343, %parallel_loop3A_381 : vector<16xi32>
        %parallel_loop3A_383 = tpu.vector_load_idx %arg11[%parallel_loop3A_382] : memref<28672xf32, #tpu.memory_space<vmem>>[vector<16xi32>], vector<16xf32>,
        %parallel_loop3A_384 = arith.constant 4 : i32
        %parallel_loop3A_385 = arith.index_cast %parallel_loop3A_384 : i32 to index
        %parallel_loop3A_386 = arith.index_cast %parallel_loop3A_270 : i32 to index
        %parallel_loop3A_387 = arith.index_cast %parallel_loop3A_340 : i32 to index
        %parallel_loop3A_388 = tpu.vector_load %arg14[%parallel_loop3A_385, %parallel_loop3A_386, %parallel_loop3A_387] {strides = array<i32>} : memref<7x16x200xf32, #tpu.memory_space<vmem>>, vector<16xf32>,
        tpu.vector_store %arg14[%parallel_loop3A_385, %parallel_loop3A_386, %parallel_loop3A_387], %parallel_loop3A_383 {strides = array<i32>} : memref<7x16x200xf32, #tpu.memory_space<vmem>>, vector<16xf32>,
        %parallel_loop3A_389 = arith.constant 20480 : i32
        %parallel_loop3A_390 = vector.broadcast %parallel_loop3A_389 : i32 to vector<16xi32>
        %parallel_loop3A_391 = arith.addi %parallel_loop3A_343, %parallel_loop3A_390 : vector<16xi32>
        %parallel_loop3A_392 = tpu.vector_load_idx %arg11[%parallel_loop3A_391] : memref<28672xf32, #tpu.memory_space<vmem>>[vector<16xi32>], vector<16xf32>,
        %parallel_loop3A_393 = arith.constant 5 : i32
        %parallel_loop3A_394 = arith.index_cast %parallel_loop3A_393 : i32 to index
        %parallel_loop3A_395 = arith.index_cast %parallel_loop3A_270 : i32 to index
        %parallel_loop3A_396 = arith.index_cast %parallel_loop3A_340 : i32 to index
        %parallel_loop3A_397 = tpu.vector_load %arg14[%parallel_loop3A_394, %parallel_loop3A_395, %parallel_loop3A_396] {strides = array<i32>} : memref<7x16x200xf32, #tpu.memory_space<vmem>>, vector<16xf32>,
        tpu.vector_store %arg14[%parallel_loop3A_394, %parallel_loop3A_395, %parallel_loop3A_396], %parallel_loop3A_392 {strides = array<i32>} : memref<7x16x200xf32, #tpu.memory_space<vmem>>, vector<16xf32>,
        %parallel_loop3A_398 = arith.constant 24576 : i32
        %parallel_loop3A_399 = vector.broadcast %parallel_loop3A_398 : i32 to vector<16xi32>
        %parallel_loop3A_400 = arith.addi %parallel_loop3A_343, %parallel_loop3A_399 : vector<16xi32>
        %parallel_loop3A_401 = tpu.vector_load_idx %arg11[%parallel_loop3A_400] : memref<28672xf32, #tpu.memory_space<vmem>>[vector<16xi32>], vector<16xf32>,
        %parallel_loop3A_402 = arith.constant 6 : i32
        %parallel_loop3A_403 = arith.index_cast %parallel_loop3A_402 : i32 to index
        %parallel_loop3A_404 = arith.index_cast %parallel_loop3A_270 : i32 to index
        %parallel_loop3A_405 = arith.index_cast %parallel_loop3A_340 : i32 to index
        %parallel_loop3A_406 = tpu.vector_load %arg14[%parallel_loop3A_403, %parallel_loop3A_404, %parallel_loop3A_405] {strides = array<i32>} : memref<7x16x200xf32, #tpu.memory_space<vmem>>, vector<16xf32>,
        tpu.vector_store %arg14[%parallel_loop3A_403, %parallel_loop3A_404, %parallel_loop3A_405], %parallel_loop3A_401 {strides = array<i32>} : memref<7x16x200xf32, #tpu.memory_space<vmem>>, vector<16xf32>,
      } {sc.loop_unroll_factor = 4 : i64, sc.parallel_access}
      %parallel_loop3A_274 = arith.index_cast %parallel_loop3A_270 : i32 to index
      %parallel_loop3A_275 = arith.constant 184 : index
      %parallel_loop3A_276 = tpu.vector_load %arg12[%parallel_loop3A_274, %parallel_loop3A_275] {strides = array<i32>} : memref<16x200xi32, #tpu.memory_space<vmem>>, vector<16xi32>,
      %parallel_loop3A_277 = arith.constant 0 : i32
      %parallel_loop3A_278 = vector.broadcast %parallel_loop3A_277 : i32 to vector<16xi32>
      %parallel_loop3A_279 = arith.addi %parallel_loop3A_276, %parallel_loop3A_278 : vector<16xi32>
      %parallel_loop3A_280 = tpu.vector_load_idx %arg11[%parallel_loop3A_279] : memref<28672xf32, #tpu.memory_space<vmem>>[vector<16xi32>], vector<16xf32>,
      %parallel_loop3A_281 = arith.constant 0 : i32
      %parallel_loop3A_282 = arith.index_cast %parallel_loop3A_281 : i32 to index
      %parallel_loop3A_283 = arith.index_cast %parallel_loop3A_270 : i32 to index
      %parallel_loop3A_284 = arith.constant 184 : index
      %parallel_loop3A_285 = tpu.vector_load %arg14[%parallel_loop3A_282, %parallel_loop3A_283, %parallel_loop3A_284] {strides = array<i32>} : memref<7x16x200xf32, #tpu.memory_space<vmem>>, vector<16xf32>,
      tpu.vector_store %arg14[%parallel_loop3A_282, %parallel_loop3A_283, %parallel_loop3A_284], %parallel_loop3A_280 {strides = array<i32>} : memref<7x16x200xf32, #tpu.memory_space<vmem>>, vector<16xf32>,
      %parallel_loop3A_286 = arith.constant 4096 : i32
      %parallel_loop3A_287 = vector.broadcast %parallel_loop3A_286 : i32 to vector<16xi32>
      %parallel_loop3A_288 = arith.addi %parallel_loop3A_276, %parallel_loop3A_287 : vector<16xi32>
      %parallel_loop3A_289 = tpu.vector_load_idx %arg11[%parallel_loop3A_288] : memref<28672xf32, #tpu.memory_space<vmem>>[vector<16xi32>], vector<16xf32>,
      %parallel_loop3A_290 = arith.constant 1 : i32
      %parallel_loop3A_291 = arith.index_cast %parallel_loop3A_290 : i32 to index
      %parallel_loop3A_292 = arith.index_cast %parallel_loop3A_270 : i32 to index
      %parallel_loop3A_293 = arith.constant 184 : index
      %parallel_loop3A_294 = tpu.vector_load %arg14[%parallel_loop3A_291, %parallel_loop3A_292, %parallel_loop3A_293] {strides = array<i32>} : memref<7x16x200xf32, #tpu.memory_space<vmem>>, vector<16xf32>,
      tpu.vector_store %arg14[%parallel_loop3A_291, %parallel_loop3A_292, %parallel_loop3A_293], %parallel_loop3A_289 {strides = array<i32>} : memref<7x16x200xf32, #tpu.memory_space<vmem>>, vector<16xf32>,
      %parallel_loop3A_295 = arith.constant 8192 : i32
      %parallel_loop3A_296 = vector.broadcast %parallel_loop3A_295 : i32 to vector<16xi32>
      %parallel_loop3A_297 = arith.addi %parallel_loop3A_276, %parallel_loop3A_296 : vector<16xi32>
      %parallel_loop3A_298 = tpu.vector_load_idx %arg11[%parallel_loop3A_297] : memref<28672xf32, #tpu.memory_space<vmem>>[vector<16xi32>], vector<16xf32>,
      %parallel_loop3A_299 = arith.constant 2 : i32
      %parallel_loop3A_300 = arith.index_cast %parallel_loop3A_299 : i32 to index
      %parallel_loop3A_301 = arith.index_cast %parallel_loop3A_270 : i32 to index
      %parallel_loop3A_302 = arith.constant 184 : index
      %parallel_loop3A_303 = tpu.vector_load %arg14[%parallel_loop3A_300, %parallel_loop3A_301, %parallel_loop3A_302] {strides = array<i32>} : memref<7x16x200xf32, #tpu.memory_space<vmem>>, vector<16xf32>,
      tpu.vector_store %arg14[%parallel_loop3A_300, %parallel_loop3A_301, %parallel_loop3A_302], %parallel_loop3A_298 {strides = array<i32>} : memref<7x16x200xf32, #tpu.memory_space<vmem>>, vector<16xf32>,
      %parallel_loop3A_304 = arith.constant 12288 : i32
      %parallel_loop3A_305 = vector.broadcast %parallel_loop3A_304 : i32 to vector<16xi32>
      %parallel_loop3A_306 = arith.addi %parallel_loop3A_276, %parallel_loop3A_305 : vector<16xi32>
      %parallel_loop3A_307 = tpu.vector_load_idx %arg11[%parallel_loop3A_306] : memref<28672xf32, #tpu.memory_space<vmem>>[vector<16xi32>], vector<16xf32>,
      %parallel_loop3A_308 = arith.constant 3 : i32
      %parallel_loop3A_309 = arith.index_cast %parallel_loop3A_308 : i32 to index
      %parallel_loop3A_310 = arith.index_cast %parallel_loop3A_270 : i32 to index
      %parallel_loop3A_311 = arith.constant 184 : index
      %parallel_loop3A_312 = tpu.vector_load %arg14[%parallel_loop3A_309, %parallel_loop3A_310, %parallel_loop3A_311] {strides = array<i32>} : memref<7x16x200xf32, #tpu.memory_space<vmem>>, vector<16xf32>,
      tpu.vector_store %arg14[%parallel_loop3A_309, %parallel_loop3A_310, %parallel_loop3A_311], %parallel_loop3A_307 {strides = array<i32>} : memref<7x16x200xf32, #tpu.memory_space<vmem>>, vector<16xf32>,
      %parallel_loop3A_313 = arith.constant 16384 : i32
      %parallel_loop3A_314 = vector.broadcast %parallel_loop3A_313 : i32 to vector<16xi32>
      %parallel_loop3A_315 = arith.addi %parallel_loop3A_276, %parallel_loop3A_314 : vector<16xi32>
      %parallel_loop3A_316 = tpu.vector_load_idx %arg11[%parallel_loop3A_315] : memref<28672xf32, #tpu.memory_space<vmem>>[vector<16xi32>], vector<16xf32>,
      %parallel_loop3A_317 = arith.constant 4 : i32
      %parallel_loop3A_318 = arith.index_cast %parallel_loop3A_317 : i32 to index
      %parallel_loop3A_319 = arith.index_cast %parallel_loop3A_270 : i32 to index
      %parallel_loop3A_320 = arith.constant 184 : index
      %parallel_loop3A_321 = tpu.vector_load %arg14[%parallel_loop3A_318, %parallel_loop3A_319, %parallel_loop3A_320] {strides = array<i32>} : memref<7x16x200xf32, #tpu.memory_space<vmem>>, vector<16xf32>,
      tpu.vector_store %arg14[%parallel_loop3A_318, %parallel_loop3A_319, %parallel_loop3A_320], %parallel_loop3A_316 {strides = array<i32>} : memref<7x16x200xf32, #tpu.memory_space<vmem>>, vector<16xf32>,
      %parallel_loop3A_322 = arith.constant 20480 : i32
      %parallel_loop3A_323 = vector.broadcast %parallel_loop3A_322 : i32 to vector<16xi32>
      %parallel_loop3A_324 = arith.addi %parallel_loop3A_276, %parallel_loop3A_323 : vector<16xi32>
      %parallel_loop3A_325 = tpu.vector_load_idx %arg11[%parallel_loop3A_324] : memref<28672xf32, #tpu.memory_space<vmem>>[vector<16xi32>], vector<16xf32>,
      %parallel_loop3A_326 = arith.constant 5 : i32
      %parallel_loop3A_327 = arith.index_cast %parallel_loop3A_326 : i32 to index
      %parallel_loop3A_328 = arith.index_cast %parallel_loop3A_270 : i32 to index
      %parallel_loop3A_329 = arith.constant 184 : index
      %parallel_loop3A_330 = tpu.vector_load %arg14[%parallel_loop3A_327, %parallel_loop3A_328, %parallel_loop3A_329] {strides = array<i32>} : memref<7x16x200xf32, #tpu.memory_space<vmem>>, vector<16xf32>,
      tpu.vector_store %arg14[%parallel_loop3A_327, %parallel_loop3A_328, %parallel_loop3A_329], %parallel_loop3A_325 {strides = array<i32>} : memref<7x16x200xf32, #tpu.memory_space<vmem>>, vector<16xf32>,
      %parallel_loop3A_331 = arith.constant 24576 : i32
      %parallel_loop3A_332 = vector.broadcast %parallel_loop3A_331 : i32 to vector<16xi32>
      %parallel_loop3A_333 = arith.addi %parallel_loop3A_276, %parallel_loop3A_332 : vector<16xi32>
      %parallel_loop3A_334 = tpu.vector_load_idx %arg11[%parallel_loop3A_333] : memref<28672xf32, #tpu.memory_space<vmem>>[vector<16xi32>], vector<16xf32>,
      %parallel_loop3A_335 = arith.constant 6 : i32
      %parallel_loop3A_336 = arith.index_cast %parallel_loop3A_335 : i32 to index
      %parallel_loop3A_337 = arith.index_cast %parallel_loop3A_270 : i32 to index
      %parallel_loop3A_338 = arith.constant 184 : index
      %parallel_loop3A_339 = tpu.vector_load %arg14[%parallel_loop3A_336, %parallel_loop3A_337, %parallel_loop3A_338] {strides = array<i32>} : memref<7x16x200xf32, #tpu.memory_space<vmem>>, vector<16xf32>,
      tpu.vector_store %arg14[%parallel_loop3A_336, %parallel_loop3A_337, %parallel_loop3A_338], %parallel_loop3A_334 {strides = array<i32>} : memref<7x16x200xf32, #tpu.memory_space<vmem>>, vector<16xf32>,
    } {sc.loop_unroll_factor = 1 : i64, sc.parallel_access}
    %dma_start3A_231 = arith.constant 0 : i32
    %dma_start3A_232 = arith.constant 0 : i32
    %dma_start3A_233 = tpu.memref_slice %arg10[%dma_start3A_231, %add3A_211, %dma_start3A_232] : memref<7x4096x200xf32, #tpu.memory_space<hbm>> -> memref<7x16x200xf32, #tpu.memory_space<hbm>>
    %dma_start3A_234 = arith.constant 0 : i32
    %dma_start3A_235 = arith.constant 0 : i32
    %dma_start3A_236 = tpu.memref_slice %arg10[%dma_start3A_234, %add3A_211, %dma_start3A_235] : memref<7x4096x200xf32, #tpu.memory_space<hbm>> -> memref<7x16x200xf32, #tpu.memory_space<hbm>>
    tpu.enqueue_dma source(%arg14 : memref<7x16x200xf32, #tpu.memory_space<vmem>>) target(%dma_start3A_236 : memref<7x16x200xf32, #tpu.memory_space<hbm>>) target_semaphore(%arg18 : memref<!tpu.dma_semaphore, #tpu.memory_space<semaphore_mem>>)
    %add3A_237 = arith.constant 112 : i32
    %add3A_238 = arith.addi %mul3A_2, %add3A_237 : i32
    %dma_wait3A_239 = arith.constant 0 : i32
    %dma_wait3A_240 = tpu.memref_slice %arg2[%add3A_217, %dma_wait3A_239] : memref<4096x200xi32, #tpu.memory_space<hbm>> -> memref<16x200xi32, #tpu.memory_space<hbm>>
    %dma_wait3A_241 = arith.constant 0 : i32
    %dma_wait3A_242 = tpu.memref_slice %arg2[%add3A_217, %dma_wait3A_241] : memref<4096x200xi32, #tpu.memory_space<hbm>> -> memref<16x200xi32, #tpu.memory_space<hbm>>
    tpu.wait_dma2 semaphore(%arg17 : memref<!tpu.dma_semaphore, #tpu.memory_space<semaphore_mem>>) src(%dma_wait3A_242 : memref<16x200xi32, #tpu.memory_space<hbm>>) dst(%arg13 : memref<16x200xi32, #tpu.memory_space<vmem>>)
    %dma_wait3A_243 = arith.constant 0 : i32
    %dma_wait3A_244 = arith.constant 0 : i32
    %dma_wait3A_245 = tpu.memref_slice %arg10[%dma_wait3A_243, %add3A_184, %dma_wait3A_244] : memref<7x4096x200xf32, #tpu.memory_space<hbm>> -> memref<7x16x200xf32, #tpu.memory_space<hbm>>
    %dma_wait3A_246 = arith.constant 0 : i32
    %dma_wait3A_247 = arith.constant 0 : i32
    %dma_wait3A_248 = tpu.memref_slice %arg10[%dma_wait3A_246, %add3A_184, %dma_wait3A_247] : memref<7x4096x200xf32, #tpu.memory_space<hbm>> -> memref<7x16x200xf32, #tpu.memory_space<hbm>>
    tpu.wait_dma2 semaphore(%arg19 : memref<!tpu.dma_semaphore, #tpu.memory_space<semaphore_mem>>) src(%arg15 : memref<7x16x200xf32, #tpu.memory_space<vmem>>) dst(%dma_wait3A_248 : memref<7x16x200xf32, #tpu.memory_space<hbm>>)
    %parallel_loop3A_249 = arith.constant 0 : i32
    %parallel_loop3A_250 = arith.constant 16 : i32
    %parallel_loop3A_251 = arith.constant 1 : i32
    scf.for %parallel_loop3A_270 = %parallel_loop3A_249 to %parallel_loop3A_250 step %parallel_loop3A_251  : i32 {
      %parallel_loop3A_271 = arith.constant 0 : i32
      %parallel_loop3A_272 = arith.constant 184 : i32
      %parallel_loop3A_273 = arith.constant 16 : i32
      scf.for %parallel_loop3A_340 = %parallel_loop3A_271 to %parallel_loop3A_272 step %parallel_loop3A_273  : i32 {
        %parallel_loop3A_341 = arith.index_cast %parallel_loop3A_270 : i32 to index
        %parallel_loop3A_342 = arith.index_cast %parallel_loop3A_340 : i32 to index
        %parallel_loop3A_343 = tpu.vector_load %arg13[%parallel_loop3A_341, %parallel_loop3A_342] {strides = array<i32>} : memref<16x200xi32, #tpu.memory_space<vmem>>, vector<16xi32>,
        %parallel_loop3A_344 = arith.constant 0 : i32
        %parallel_loop3A_345 = vector.broadcast %parallel_loop3A_344 : i32 to vector<16xi32>
        %parallel_loop3A_346 = arith.addi %parallel_loop3A_343, %parallel_loop3A_345 : vector<16xi32>
        %parallel_loop3A_347 = tpu.vector_load_idx %arg11[%parallel_loop3A_346] : memref<28672xf32, #tpu.memory_space<vmem>>[vector<16xi32>], vector<16xf32>,
        %parallel_loop3A_348 = arith.constant 0 : i32
        %parallel_loop3A_349 = arith.index_cast %parallel_loop3A_348 : i32 to index
        %parallel_loop3A_350 = arith.index_cast %parallel_loop3A_270 : i32 to index
        %parallel_loop3A_351 = arith.index_cast %parallel_loop3A_340 : i32 to index
        %parallel_loop3A_352 = tpu.vector_load %arg15[%parallel_loop3A_349, %parallel_loop3A_350, %parallel_loop3A_351] {strides = array<i32>} : memref<7x16x200xf32, #tpu.memory_space<vmem>>, vector<16xf32>,
        tpu.vector_store %arg15[%parallel_loop3A_349, %parallel_loop3A_350, %parallel_loop3A_351], %parallel_loop3A_347 {strides = array<i32>} : memref<7x16x200xf32, #tpu.memory_space<vmem>>, vector<16xf32>,
        %parallel_loop3A_353 = arith.constant 4096 : i32
        %parallel_loop3A_354 = vector.broadcast %parallel_loop3A_353 : i32 to vector<16xi32>
        %parallel_loop3A_355 = arith.addi %parallel_loop3A_343, %parallel_loop3A_354 : vector<16xi32>
        %parallel_loop3A_356 = tpu.vector_load_idx %arg11[%parallel_loop3A_355] : memref<28672xf32, #tpu.memory_space<vmem>>[vector<16xi32>], vector<16xf32>,
        %parallel_loop3A_357 = arith.constant 1 : i32
        %parallel_loop3A_358 = arith.index_cast %parallel_loop3A_357 : i32 to index
        %parallel_loop3A_359 = arith.index_cast %parallel_loop3A_270 : i32 to index
        %parallel_loop3A_360 = arith.index_cast %parallel_loop3A_340 : i32 to index
        %parallel_loop3A_361 = tpu.vector_load %arg15[%parallel_loop3A_358, %parallel_loop3A_359, %parallel_loop3A_360] {strides = array<i32>} : memref<7x16x200xf32, #tpu.memory_space<vmem>>, vector<16xf32>,
        tpu.vector_store %arg15[%parallel_loop3A_358, %parallel_loop3A_359, %parallel_loop3A_360], %parallel_loop3A_356 {strides = array<i32>} : memref<7x16x200xf32, #tpu.memory_space<vmem>>, vector<16xf32>,
        %parallel_loop3A_362 = arith.constant 8192 : i32
        %parallel_loop3A_363 = vector.broadcast %parallel_loop3A_362 : i32 to vector<16xi32>
        %parallel_loop3A_364 = arith.addi %parallel_loop3A_343, %parallel_loop3A_363 : vector<16xi32>
        %parallel_loop3A_365 = tpu.vector_load_idx %arg11[%parallel_loop3A_364] : memref<28672xf32, #tpu.memory_space<vmem>>[vector<16xi32>], vector<16xf32>,
        %parallel_loop3A_366 = arith.constant 2 : i32
        %parallel_loop3A_367 = arith.index_cast %parallel_loop3A_366 : i32 to index
        %parallel_loop3A_368 = arith.index_cast %parallel_loop3A_270 : i32 to index
        %parallel_loop3A_369 = arith.index_cast %parallel_loop3A_340 : i32 to index
        %parallel_loop3A_370 = tpu.vector_load %arg15[%parallel_loop3A_367, %parallel_loop3A_368, %parallel_loop3A_369] {strides = array<i32>} : memref<7x16x200xf32, #tpu.memory_space<vmem>>, vector<16xf32>,
        tpu.vector_store %arg15[%parallel_loop3A_367, %parallel_loop3A_368, %parallel_loop3A_369], %parallel_loop3A_365 {strides = array<i32>} : memref<7x16x200xf32, #tpu.memory_space<vmem>>, vector<16xf32>,
        %parallel_loop3A_371 = arith.constant 12288 : i32
        %parallel_loop3A_372 = vector.broadcast %parallel_loop3A_371 : i32 to vector<16xi32>
        %parallel_loop3A_373 = arith.addi %parallel_loop3A_343, %parallel_loop3A_372 : vector<16xi32>
        %parallel_loop3A_374 = tpu.vector_load_idx %arg11[%parallel_loop3A_373] : memref<28672xf32, #tpu.memory_space<vmem>>[vector<16xi32>], vector<16xf32>,
        %parallel_loop3A_375 = arith.constant 3 : i32
        %parallel_loop3A_376 = arith.index_cast %parallel_loop3A_375 : i32 to index
        %parallel_loop3A_377 = arith.index_cast %parallel_loop3A_270 : i32 to index
        %parallel_loop3A_378 = arith.index_cast %parallel_loop3A_340 : i32 to index
        %parallel_loop3A_379 = tpu.vector_load %arg15[%parallel_loop3A_376, %parallel_loop3A_377, %parallel_loop3A_378] {strides = array<i32>} : memref<7x16x200xf32, #tpu.memory_space<vmem>>, vector<16xf32>,
        tpu.vector_store %arg15[%parallel_loop3A_376, %parallel_loop3A_377, %parallel_loop3A_378], %parallel_loop3A_374 {strides = array<i32>} : memref<7x16x200xf32, #tpu.memory_space<vmem>>, vector<16xf32>,
        %parallel_loop3A_380 = arith.constant 16384 : i32
        %parallel_loop3A_381 = vector.broadcast %parallel_loop3A_380 : i32 to vector<16xi32>
        %parallel_loop3A_382 = arith.addi %parallel_loop3A_343, %parallel_loop3A_381 : vector<16xi32>
        %parallel_loop3A_383 = tpu.vector_load_idx %arg11[%parallel_loop3A_382] : memref<28672xf32, #tpu.memory_space<vmem>>[vector<16xi32>], vector<16xf32>,
        %parallel_loop3A_384 = arith.constant 4 : i32
        %parallel_loop3A_385 = arith.index_cast %parallel_loop3A_384 : i32 to index
        %parallel_loop3A_386 = arith.index_cast %parallel_loop3A_270 : i32 to index
        %parallel_loop3A_387 = arith.index_cast %parallel_loop3A_340 : i32 to index
        %parallel_loop3A_388 = tpu.vector_load %arg15[%parallel_loop3A_385, %parallel_loop3A_386, %parallel_loop3A_387] {strides = array<i32>} : memref<7x16x200xf32, #tpu.memory_space<vmem>>, vector<16xf32>,
        tpu.vector_store %arg15[%parallel_loop3A_385, %parallel_loop3A_386, %parallel_loop3A_387], %parallel_loop3A_383 {strides = array<i32>} : memref<7x16x200xf32, #tpu.memory_space<vmem>>, vector<16xf32>,
        %parallel_loop3A_389 = arith.constant 20480 : i32
        %parallel_loop3A_390 = vector.broadcast %parallel_loop3A_389 : i32 to vector<16xi32>
        %parallel_loop3A_391 = arith.addi %parallel_loop3A_343, %parallel_loop3A_390 : vector<16xi32>
        %parallel_loop3A_392 = tpu.vector_load_idx %arg11[%parallel_loop3A_391] : memref<28672xf32, #tpu.memory_space<vmem>>[vector<16xi32>], vector<16xf32>,
        %parallel_loop3A_393 = arith.constant 5 : i32
        %parallel_loop3A_394 = arith.index_cast %parallel_loop3A_393 : i32 to index
        %parallel_loop3A_395 = arith.index_cast %parallel_loop3A_270 : i32 to index
        %parallel_loop3A_396 = arith.index_cast %parallel_loop3A_340 : i32 to index
        %parallel_loop3A_397 = tpu.vector_load %arg15[%parallel_loop3A_394, %parallel_loop3A_395, %parallel_loop3A_396] {strides = array<i32>} : memref<7x16x200xf32, #tpu.memory_space<vmem>>, vector<16xf32>,
        tpu.vector_store %arg15[%parallel_loop3A_394, %parallel_loop3A_395, %parallel_loop3A_396], %parallel_loop3A_392 {strides = array<i32>} : memref<7x16x200xf32, #tpu.memory_space<vmem>>, vector<16xf32>,
        %parallel_loop3A_398 = arith.constant 24576 : i32
        %parallel_loop3A_399 = vector.broadcast %parallel_loop3A_398 : i32 to vector<16xi32>
        %parallel_loop3A_400 = arith.addi %parallel_loop3A_343, %parallel_loop3A_399 : vector<16xi32>
        %parallel_loop3A_401 = tpu.vector_load_idx %arg11[%parallel_loop3A_400] : memref<28672xf32, #tpu.memory_space<vmem>>[vector<16xi32>], vector<16xf32>,
        %parallel_loop3A_402 = arith.constant 6 : i32
        %parallel_loop3A_403 = arith.index_cast %parallel_loop3A_402 : i32 to index
        %parallel_loop3A_404 = arith.index_cast %parallel_loop3A_270 : i32 to index
        %parallel_loop3A_405 = arith.index_cast %parallel_loop3A_340 : i32 to index
        %parallel_loop3A_406 = tpu.vector_load %arg15[%parallel_loop3A_403, %parallel_loop3A_404, %parallel_loop3A_405] {strides = array<i32>} : memref<7x16x200xf32, #tpu.memory_space<vmem>>, vector<16xf32>,
        tpu.vector_store %arg15[%parallel_loop3A_403, %parallel_loop3A_404, %parallel_loop3A_405], %parallel_loop3A_401 {strides = array<i32>} : memref<7x16x200xf32, #tpu.memory_space<vmem>>, vector<16xf32>,
      } {sc.loop_unroll_factor = 4 : i64, sc.parallel_access}
      %parallel_loop3A_274 = arith.index_cast %parallel_loop3A_270 : i32 to index
      %parallel_loop3A_275 = arith.constant 184 : index
      %parallel_loop3A_276 = tpu.vector_load %arg13[%parallel_loop3A_274, %parallel_loop3A_275] {strides = array<i32>} : memref<16x200xi32, #tpu.memory_space<vmem>>, vector<16xi32>,
      %parallel_loop3A_277 = arith.constant 0 : i32
      %parallel_loop3A_278 = vector.broadcast %parallel_loop3A_277 : i32 to vector<16xi32>
      %parallel_loop3A_279 = arith.addi %parallel_loop3A_276, %parallel_loop3A_278 : vector<16xi32>
      %parallel_loop3A_280 = tpu.vector_load_idx %arg11[%parallel_loop3A_279] : memref<28672xf32, #tpu.memory_space<vmem>>[vector<16xi32>], vector<16xf32>,
      %parallel_loop3A_281 = arith.constant 0 : i32
      %parallel_loop3A_282 = arith.index_cast %parallel_loop3A_281 : i32 to index
      %parallel_loop3A_283 = arith.index_cast %parallel_loop3A_270 : i32 to index
      %parallel_loop3A_284 = arith.constant 184 : index
      %parallel_loop3A_285 = tpu.vector_load %arg15[%parallel_loop3A_282, %parallel_loop3A_283, %parallel_loop3A_284] {strides = array<i32>} : memref<7x16x200xf32, #tpu.memory_space<vmem>>, vector<16xf32>,
      tpu.vector_store %arg15[%parallel_loop3A_282, %parallel_loop3A_283, %parallel_loop3A_284], %parallel_loop3A_280 {strides = array<i32>} : memref<7x16x200xf32, #tpu.memory_space<vmem>>, vector<16xf32>,
      %parallel_loop3A_286 = arith.constant 4096 : i32
      %parallel_loop3A_287 = vector.broadcast %parallel_loop3A_286 : i32 to vector<16xi32>
      %parallel_loop3A_288 = arith.addi %parallel_loop3A_276, %parallel_loop3A_287 : vector<16xi32>
      %parallel_loop3A_289 = tpu.vector_load_idx %arg11[%parallel_loop3A_288] : memref<28672xf32, #tpu.memory_space<vmem>>[vector<16xi32>], vector<16xf32>,
      %parallel_loop3A_290 = arith.constant 1 : i32
      %parallel_loop3A_291 = arith.index_cast %parallel_loop3A_290 : i32 to index
      %parallel_loop3A_292 = arith.index_cast %parallel_loop3A_270 : i32 to index
      %parallel_loop3A_293 = arith.constant 184 : index
      %parallel_loop3A_294 = tpu.vector_load %arg15[%parallel_loop3A_291, %parallel_loop3A_292, %parallel_loop3A_293] {strides = array<i32>} : memref<7x16x200xf32, #tpu.memory_space<vmem>>, vector<16xf32>,
      tpu.vector_store %arg15[%parallel_loop3A_291, %parallel_loop3A_292, %parallel_loop3A_293], %parallel_loop3A_289 {strides = array<i32>} : memref<7x16x200xf32, #tpu.memory_space<vmem>>, vector<16xf32>,
      %parallel_loop3A_295 = arith.constant 8192 : i32
      %parallel_loop3A_296 = vector.broadcast %parallel_loop3A_295 : i32 to vector<16xi32>
      %parallel_loop3A_297 = arith.addi %parallel_loop3A_276, %parallel_loop3A_296 : vector<16xi32>
      %parallel_loop3A_298 = tpu.vector_load_idx %arg11[%parallel_loop3A_297] : memref<28672xf32, #tpu.memory_space<vmem>>[vector<16xi32>], vector<16xf32>,
      %parallel_loop3A_299 = arith.constant 2 : i32
      %parallel_loop3A_300 = arith.index_cast %parallel_loop3A_299 : i32 to index
      %parallel_loop3A_301 = arith.index_cast %parallel_loop3A_270 : i32 to index
      %parallel_loop3A_302 = arith.constant 184 : index
      %parallel_loop3A_303 = tpu.vector_load %arg15[%parallel_loop3A_300, %parallel_loop3A_301, %parallel_loop3A_302] {strides = array<i32>} : memref<7x16x200xf32, #tpu.memory_space<vmem>>, vector<16xf32>,
      tpu.vector_store %arg15[%parallel_loop3A_300, %parallel_loop3A_301, %parallel_loop3A_302], %parallel_loop3A_298 {strides = array<i32>} : memref<7x16x200xf32, #tpu.memory_space<vmem>>, vector<16xf32>,
      %parallel_loop3A_304 = arith.constant 12288 : i32
      %parallel_loop3A_305 = vector.broadcast %parallel_loop3A_304 : i32 to vector<16xi32>
      %parallel_loop3A_306 = arith.addi %parallel_loop3A_276, %parallel_loop3A_305 : vector<16xi32>
      %parallel_loop3A_307 = tpu.vector_load_idx %arg11[%parallel_loop3A_306] : memref<28672xf32, #tpu.memory_space<vmem>>[vector<16xi32>], vector<16xf32>,
      %parallel_loop3A_308 = arith.constant 3 : i32
      %parallel_loop3A_309 = arith.index_cast %parallel_loop3A_308 : i32 to index
      %parallel_loop3A_310 = arith.index_cast %parallel_loop3A_270 : i32 to index
      %parallel_loop3A_311 = arith.constant 184 : index
      %parallel_loop3A_312 = tpu.vector_load %arg15[%parallel_loop3A_309, %parallel_loop3A_310, %parallel_loop3A_311] {strides = array<i32>} : memref<7x16x200xf32, #tpu.memory_space<vmem>>, vector<16xf32>,
      tpu.vector_store %arg15[%parallel_loop3A_309, %parallel_loop3A_310, %parallel_loop3A_311], %parallel_loop3A_307 {strides = array<i32>} : memref<7x16x200xf32, #tpu.memory_space<vmem>>, vector<16xf32>,
      %parallel_loop3A_313 = arith.constant 16384 : i32
      %parallel_loop3A_314 = vector.broadcast %parallel_loop3A_313 : i32 to vector<16xi32>
      %parallel_loop3A_315 = arith.addi %parallel_loop3A_276, %parallel_loop3A_314 : vector<16xi32>
      %parallel_loop3A_316 = tpu.vector_load_idx %arg11[%parallel_loop3A_315] : memref<28672xf32, #tpu.memory_space<vmem>>[vector<16xi32>], vector<16xf32>,
      %parallel_loop3A_317 = arith.constant 4 : i32
      %parallel_loop3A_318 = arith.index_cast %parallel_loop3A_317 : i32 to index
      %parallel_loop3A_319 = arith.index_cast %parallel_loop3A_270 : i32 to index
      %parallel_loop3A_320 = arith.constant 184 : index
      %parallel_loop3A_321 = tpu.vector_load %arg15[%parallel_loop3A_318, %parallel_loop3A_319, %parallel_loop3A_320] {strides = array<i32>} : memref<7x16x200xf32, #tpu.memory_space<vmem>>, vector<16xf32>,
      tpu.vector_store %arg15[%parallel_loop3A_318, %parallel_loop3A_319, %parallel_loop3A_320], %parallel_loop3A_316 {strides = array<i32>} : memref<7x16x200xf32, #tpu.memory_space<vmem>>, vector<16xf32>,
      %parallel_loop3A_322 = arith.constant 20480 : i32
      %parallel_loop3A_323 = vector.broadcast %parallel_loop3A_322 : i32 to vector<16xi32>
      %parallel_loop3A_324 = arith.addi %parallel_loop3A_276, %parallel_loop3A_323 : vector<16xi32>
      %parallel_loop3A_325 = tpu.vector_load_idx %arg11[%parallel_loop3A_324] : memref<28672xf32, #tpu.memory_space<vmem>>[vector<16xi32>], vector<16xf32>,
      %parallel_loop3A_326 = arith.constant 5 : i32
      %parallel_loop3A_327 = arith.index_cast %parallel_loop3A_326 : i32 to index
      %parallel_loop3A_328 = arith.index_cast %parallel_loop3A_270 : i32 to index
      %parallel_loop3A_329 = arith.constant 184 : index
      %parallel_loop3A_330 = tpu.vector_load %arg15[%parallel_loop3A_327, %parallel_loop3A_328, %parallel_loop3A_329] {strides = array<i32>} : memref<7x16x200xf32, #tpu.memory_space<vmem>>, vector<16xf32>,
      tpu.vector_store %arg15[%parallel_loop3A_327, %parallel_loop3A_328, %parallel_loop3A_329], %parallel_loop3A_325 {strides = array<i32>} : memref<7x16x200xf32, #tpu.memory_space<vmem>>, vector<16xf32>,
      %parallel_loop3A_331 = arith.constant 24576 : i32
      %parallel_loop3A_332 = vector.broadcast %parallel_loop3A_331 : i32 to vector<16xi32>
      %parallel_loop3A_333 = arith.addi %parallel_loop3A_276, %parallel_loop3A_332 : vector<16xi32>
      %parallel_loop3A_334 = tpu.vector_load_idx %arg11[%parallel_loop3A_333] : memref<28672xf32, #tpu.memory_space<vmem>>[vector<16xi32>], vector<16xf32>,
      %parallel_loop3A_335 = arith.constant 6 : i32
      %parallel_loop3A_336 = arith.index_cast %parallel_loop3A_335 : i32 to index
      %parallel_loop3A_337 = arith.index_cast %parallel_loop3A_270 : i32 to index
      %parallel_loop3A_338 = arith.constant 184 : index
      %parallel_loop3A_339 = tpu.vector_load %arg15[%parallel_loop3A_336, %parallel_loop3A_337, %parallel_loop3A_338] {strides = array<i32>} : memref<7x16x200xf32, #tpu.memory_space<vmem>>, vector<16xf32>,
      tpu.vector_store %arg15[%parallel_loop3A_336, %parallel_loop3A_337, %parallel_loop3A_338], %parallel_loop3A_334 {strides = array<i32>} : memref<7x16x200xf32, #tpu.memory_space<vmem>>, vector<16xf32>,
    } {sc.loop_unroll_factor = 1 : i64, sc.parallel_access}
    %dma_start3A_252 = arith.constant 0 : i32
    %dma_start3A_253 = arith.constant 0 : i32
    %dma_start3A_254 = tpu.memref_slice %arg10[%dma_start3A_252, %add3A_238, %dma_start3A_253] : memref<7x4096x200xf32, #tpu.memory_space<hbm>> -> memref<7x16x200xf32, #tpu.memory_space<hbm>>
    %dma_start3A_255 = arith.constant 0 : i32
    %dma_start3A_256 = arith.constant 0 : i32
    %dma_start3A_257 = tpu.memref_slice %arg10[%dma_start3A_255, %add3A_238, %dma_start3A_256] : memref<7x4096x200xf32, #tpu.memory_space<hbm>> -> memref<7x16x200xf32, #tpu.memory_space<hbm>>
    tpu.enqueue_dma source(%arg15 : memref<7x16x200xf32, #tpu.memory_space<vmem>>) target(%dma_start3A_257 : memref<7x16x200xf32, #tpu.memory_space<hbm>>) target_semaphore(%arg19 : memref<!tpu.dma_semaphore, #tpu.memory_space<semaphore_mem>>)
    %dma_wait3A_258 = arith.constant 0 : i32
    %dma_wait3A_259 = arith.constant 0 : i32
    %dma_wait3A_260 = tpu.memref_slice %arg10[%dma_wait3A_258, %add3A_211, %dma_wait3A_259] : memref<7x4096x200xf32, #tpu.memory_space<hbm>> -> memref<7x16x200xf32, #tpu.memory_space<hbm>>
    %dma_wait3A_261 = arith.constant 0 : i32
    %dma_wait3A_262 = arith.constant 0 : i32
    %dma_wait3A_263 = tpu.memref_slice %arg10[%dma_wait3A_261, %add3A_211, %dma_wait3A_262] : memref<7x4096x200xf32, #tpu.memory_space<hbm>> -> memref<7x16x200xf32, #tpu.memory_space<hbm>>
    tpu.wait_dma2 semaphore(%arg18 : memref<!tpu.dma_semaphore, #tpu.memory_space<semaphore_mem>>) src(%arg14 : memref<7x16x200xf32, #tpu.memory_space<vmem>>) dst(%dma_wait3A_263 : memref<7x16x200xf32, #tpu.memory_space<hbm>>)
    %dma_wait3A_264 = arith.constant 0 : i32
    %dma_wait3A_265 = arith.constant 0 : i32
    %dma_wait3A_266 = tpu.memref_slice %arg10[%dma_wait3A_264, %add3A_238, %dma_wait3A_265] : memref<7x4096x200xf32, #tpu.memory_space<hbm>> -> memref<7x16x200xf32, #tpu.memory_space<hbm>>
    %dma_wait3A_267 = arith.constant 0 : i32
    %dma_wait3A_268 = arith.constant 0 : i32
    %dma_wait3A_269 = tpu.memref_slice %arg10[%dma_wait3A_267, %add3A_238, %dma_wait3A_268] : memref<7x4096x200xf32, #tpu.memory_space<hbm>> -> memref<7x16x200xf32, #tpu.memory_space<hbm>>
    tpu.wait_dma2 semaphore(%arg19 : memref<!tpu.dma_semaphore, #tpu.memory_space<semaphore_mem>>) src(%arg15 : memref<7x16x200xf32, #tpu.memory_space<vmem>>) dst(%dma_wait3A_269 : memref<7x16x200xf32, #tpu.memory_space<hbm>>)
    return
  }
}

</mosaic_0001>

<sc_bundles>
// kernel: kernel.3.cloned.1.call-start
scs
__scs_entry_jumppad:
0x0: {  	(pc) =	sbr.rel $0x88, $3  }
0x1: {  	(tag) =	ssettag $0x0;
	lr =	simm.s32 $0x1  }
0x2: {  	[smem:$0x3F99] =	sst lr;
	_ =	strace $0xD0000000  }
0x3: {  	_ = 	snop  }
0x4: {  	_ = 	snop  }
0x5: {  	_ = 	snop  }
0x6: {  	_ = 	snop  }
0x7: {  	_ = 	snop  }
__scs_overlays_trampoline_lowered:
0x8: {  	[smem:$0x3FA8] =	sst s0  }
0x9: {  	[smem:$0x3FA9] =	sst s1  }
0xa: {  	[smem:$0x3FAA] =	sst s2  }
0xb: {  	[smem:$0x3FAB] =	sst s3  }
0xc: {  	[smem:$0x3FAC] =	sst s4  }
0xd: {  	[smem:$0x3FAD] =	sst s5  }
0xe: {  	[smem:$0x3FAE] =	sst s6  }
0xf: {  	[smem:$0x3FAF] =	sst s7  }
0x10: {  	[smem:$0x3FB0] =	sst s8  }
0x11: {  	[smem:$0x3FB1] =	sst s9;
	s0 =	simm.s32 @!p0 $0x0  }
0x12: {  	s1 =	sld [smem:$0x3F97];
	s0 =	simm.s32 @p0 $0x1  }
0x13: {  	[smem:$0x3FB2] =	sst s0;
	s0 =	simm.s32 @!p1 $0x0  }
0x14: {  	s2 =	sld [smem:$0x3F96];
	s0 =	simm.s32 @p1 $0x1  }
0x15: {  	[smem:$0x3FB3] =	sst s0;
	s0 =	simm.s32 @!p2 $0x0  }
0x16: {  	s3 =	sld [smem:$0x3FDB];
	s0 =	simm.s32 @p2 $0x1  }
0x17: {  	s4 =	simm.s32 $0x1BF5;
	[smem:$0x3FB5] =	sst s0  }
0x18: {  	s0 =	sld [smem:$0x3F98];
	_ =	swait.ge [sflag:s4], $0x0  }
0x19: {  	s7 =	sld [smem:$0x3F99]  }
0x1a: {  	s8 =	sadd.s32 $0xFFFFE003, lr  }
0x1b: {  	s9 =	sadd.s32 $0xFFFFFEF7, lr;
	s5 =	simm.s32 $0xFFFFFFFF;
	p2 =	slt.u32 s8, $0xFFFFF086  }
0x1c: {  	p1 =	slt.u32 s9, $0xF7A;
	s5 =	simm.s32 @!p2 $0x0  }
0x1d: {  	s5 =	simm.s32 @p1 $0x1;
	p0 =	seq.s32 s7, s2  }
0x1e: {  	s7 =	smul.u32 @!p0 $0xF7A, s2;
	p2 =	seq.s32 @!p0 s5, $0x0  }
0x1f: {  	s9 =	smul.u32 $0xF7A, s1;
	s8 =	simm.s32 @!p0 $0x1BF5;
	p2 =	por !p2, p0  }
0x20: {  	[sflag:s8] =	ssyncset.s32 @!p0 $0xFFFFF086;
	s6 =	sadd.s32 @!p0 s3, s7;
	s7 =	simm.s32 @!p0 $0x108  }
0x21: {  	s3 =	sadd.s32 s3, s9;
	s6 =	sadd.s32 @!p0 $0x88, s6;
	s7 =	simm.s32 @p2 $0x1082  }
0x22: {  	[simem:s7], [sflag:s8] =	dma.local @!p0 [hbm:s6], $0xF7A  }
0x23: {  	s9 =	sor.u32 $0xD0000000, s2;
	s6 =	simm.s32 $0x108;
	_ =	swait.ge @!p0 [sflag:s8], $0x0  }
0x24: {  	s3 =	sadd.s32 $0x88, s3;
	s6 =	simm.s32 @!p1 $0x1082;
	[sflag:s4] =	ssyncset.s32 $0xFFFFF086  }
0x25: {  	[simem:s6], [sflag:s4] =	dma.local [hbm:s3], $0xF7A  }
0x26: {  	[smem:$0x3F99] =	sst s1;
	(tag) =	ssettag s2;
	_ =	strace s9  }
0x27: {  	s1 =	sld [smem:$0x3FA9]  }
0x28: {  	s2 =	sld [smem:$0x3FAA]  }
0x29: {  	s4 =	sld [smem:$0x3FAC]  }
0x2a: {  	p0 =	seq.s32 s5, $0x0;
	s5 =	sld [smem:$0x3FAD]  }
0x2b: {  	s6 =	sld [smem:$0x3FAE]  }
0x2c: {  	s7 =	sld [smem:$0x3FAF]  }
0x2d: {  	s3 =	simm.s32 $0x108;
	s8 =	sld [smem:$0x3FB0]  }
0x2e: {  	s3 =	simm.s32 @!p0 $0x1082;
	s9 =	sld [smem:$0x3FB1]  }
0x2f: {  	lr =	sadd.s32 s0, s3;
	s0 =	sld [smem:$0x3FA8]  }
0x30: {  	s3 =	sld [smem:$0x3FAB]  }
0x31: {  	[smem:$0x3FB4] =	sst s10  }
0x32: {  	s10 =	sld [smem:$0x3FB2];
	_ =	sdelay $0x3  }
0x33: {  	p0 =	seq.s32 s10, $0x1;
	s10 =	sld [smem:$0x3FB4];
	_ =	sdelay $0x3  }
0x34: {  	[smem:$0x3FB4] =	sst s10  }
0x35: {  	s10 =	sld [smem:$0x3FB3];
	_ =	sdelay $0x3  }
0x36: {  	p1 =	seq.s32 s10, $0x1;
	s10 =	sld [smem:$0x3FB4];
	_ =	sdelay $0x3  }
0x37: {  	[smem:$0x3FB4] =	sst s10  }
0x38: {  	s10 =	sld [smem:$0x3FB5]  }
0x39: {  	_ = 	snop;
	(pc) =	sbr.ind lr, $3  }
0x3a: {  	_ = 	snop  }
0x3b: {  	_ = 	snop  }
0x3c: {  	p2 =	seq.s32 s10, $0x1;
	s10 =	sld [smem:$0x3FB4]  }
0x3d: {  	_ =	shalt  }
0x3e: {  	_ =	shalt  }
0x3f: {  	_ =	shalt  }
0x40: {  	_ =	shalt  }
0x41: {  	_ =	shalt  }
0x42: {  	_ =	shalt  }
0x43: {  	_ =	shalt  }
0x44: {  	_ =	shalt  }
0x45: {  	_ =	shalt  }
0x46: {  	_ =	shalt  }
0x47: {  	_ =	shalt  }
0x48: {  	_ =	shalt  }
0x49: {  	_ =	shalt  }
0x4a: {  	_ =	shalt  }
0x4b: {  	_ =	shalt  }
0x4c: {  	_ =	shalt  }
0x4d: {  	_ =	shalt  }
0x4e: {  	_ =	shalt  }
0x4f: {  	_ =	shalt  }
0x50: {  	_ =	shalt  }
0x51: {  	_ =	shalt  }
0x52: {  	_ =	shalt  }
0x53: {  	_ =	shalt  }
0x54: {  	_ =	shalt  }
0x55: {  	_ =	shalt  }
0x56: {  	_ =	shalt  }
0x57: {  	_ =	shalt  }
0x58: {  	_ =	shalt  }
0x59: {  	_ =	shalt  }
0x5a: {  	_ =	shalt  }
0x5b: {  	_ =	shalt  }
0x5c: {  	_ =	shalt  }
0x5d: {  	_ =	shalt  }
0x5e: {  	_ =	shalt  }
0x5f: {  	_ =	shalt  }
0x60: {  	_ =	shalt  }
0x61: {  	_ =	shalt  }
0x62: {  	_ =	shalt  }
0x63: {  	_ =	shalt  }
0x64: {  	_ =	shalt  }
0x65: {  	_ =	shalt  }
0x66: {  	_ =	shalt  }
0x67: {  	_ =	shalt  }
0x68: {  	_ =	shalt  }
0x69: {  	_ =	shalt  }
0x6a: {  	_ =	shalt  }
0x6b: {  	_ =	shalt  }
0x6c: {  	_ =	shalt  }
0x6d: {  	_ =	shalt  }
0x6e: {  	_ =	shalt  }
0x6f: {  	_ =	shalt  }
0x70: {  	_ =	shalt  }
0x71: {  	_ =	shalt  }
0x72: {  	_ =	shalt  }
0x73: {  	_ =	shalt  }
0x74: {  	_ =	shalt  }
0x75: {  	_ =	shalt  }
0x76: {  	_ =	shalt  }
0x77: {  	_ =	shalt  }
0x78: {  	_ =	shalt  }
0x79: {  	_ =	shalt  }
0x7a: {  	_ =	shalt  }
0x7b: {  	_ =	shalt  }
0x7c: {  	_ =	shalt  }
0x7d: {  	_ =	shalt  }
0x7e: {  	_ =	shalt  }
0x7f: {  	_ =	shalt  }
0x80: {  	_ =	shalt  }
0x81: {  	_ =	shalt  }
0x82: {  	_ =	shalt  }
0x83: {  	_ =	shalt  }
0x84: {  	_ =	shalt  }
0x85: {  	_ =	shalt  }
0x86: {  	_ =	shalt  }
0x87: {  	_ =	shalt  }
.Lfunc_end0:
.L_simem_size_0:
called_computation_lowered:
.L_overlay_start_0:
0x88: {  	s2 =	sld [smem:$0x3FD9]  }
0x89: {  	s3 =	sld [smem:$0x3FFE];
	_ =	sdelay $0x1  }
0x8a: {  	s1 =	srdreg.scid  }
0x8b: {  	s0 =	sand.u32 $0x1, s1  }
0x8c: {  	s17 =	sshll.u32 s0, $0xA;
	s2 =	sadd.s32 s3, s2  }
0x8d: {  	s2 =	sadd.s32 s2, s17  }
0x8e: {  	[smem:$0x3FC0] =	sst s2  }
0x8f: {  	_ = 	snop  }
0x90: {  	s2 =	sld [smem:$0x3FC8]  }
0x91: {  	s18 =	sld [smem:$0x3FC7]  }
0x92: {  	s4 =	sld [smem:$0x3FC6]  }
0x93: {  	s5 =	sld [smem:$0x3FC5]  }
0x94: {  	s6 =	sld [smem:$0x3FC4]  }
0x95: {  	s7 =	sld [smem:$0x3FC3]  }
0x96: {  	s8 =	sld [smem:$0x3FC2]  }
0x97: {  	s9 =	sld [smem:$0x3FD0];
	(tm) =	ssettm $0x1  }
0x98: {  	s10 =	sld [smem:$0x3FFB];
	_ =	sdelay $0x3  }
0x99: {  	_ =	strace s10  }
0x9a: {  	s10 =	sld [smem:$0x3FFC];
	_ =	sdelay $0x3  }
0x9b: {  	_ =	strace s10  }
0x9c: {  	s10 =	sld [smem:$0x3FFD];
	_ =	sdelay $0x3  }
0x9d: {  	_ =	strace s10  }
0x9e: {  	_ =	strace $0x8FFFFFFF  }
0x9f: {  	s19 =	sld [smem:$0x3FDB];
	_ =	sdelay $0x1  }
0xa0: {  	s11 =	simm.s32 $_scs_section_size  }
0xa1: {  	s12 =	simm.s32 $_size__tile_overlayer_lowered;
	s13 =	simm.s32 $_tile_overlayer_lowered  }
0xa2: {  	s22 =	simm.s32 $0x1BFF;
	s21 =	sshll.u32 s13, $0x1;
	s10 =	sadd.s32 s11, s19  }
0xa3: {  	s14 =	simm.s32 $0x0;
	s20 =	sshll.u32 s12, $0x1;
	s12 =	sadd.s32 s21, s10  }
0xa4: {  	[timem:s14], [sflag:s22] =	dma.local [hbm:s12], s20  }
0xa5: {  	_ =	swait.ge [sflag:s22], s20  }
0xa6: {  	s11 =	ssub.s32 $0x0, s20;
	[sflag:s22] =	ssyncset.done $0x0  }
0xa7: {  	[sflag:s22] =	ssyncadd.s32 s11;
	_ =	sdelay $0x1  }
0xa8: {  	s23 =	simm.s32 $0x1B8B  }
0xa9: {  	_ =	swait.ge [sflag:s23], $0x1  }
0xaa: {  	[sflag:s23] =	ssyncset.done $0x0  }
0xab: {  	s25 =	simm.s32 $0x1B8E;
	s24 =	sld [smem:$0x3FFE];
	[sflag:s23] =	ssyncadd.s32 $0xFFFFFFFF  }
0xac: {  	s26 =	simm.s32 $execute0_lowered;
	[smem:$0x3FD2] =	sst s25  }
0xad: {  	s12 =	sshll.u32 s26, $0x1;
	_ =	strace $0x80000046;
	[dreg:$0x1] =	wrdreg $0xFFFFFFFF  }
0xae: {  	s28 =	simm.s32 $_size_execute0_lowered;
	s10 =	sadd.s32 s10, s12;
	[dreg:$0x0] =	wrdreg $0x0  }
0xaf: {  	s12 =	sshll.u32 s28, $0x1;
	[dreg:$0x2] =	wrdreg s10  }
0xb0: {  	[dreg:$0x3] =	wrdreg s12  }
0xb1: {  	[dreg:$0x4] =	wrdreg $0xC0  }
0xb2: {  	_ =	task [dreg:s14], $0x5FFFF  }
0xb3: {  	[dreg:$0x1] =	wrdreg $0xFFFFFFFF  }
0xb4: {  	[dreg:$0x0] =	wrdreg $0x60  }
0xb5: {  	[dreg:$0x2] =	wrdreg s9  }
0xb6: {  	[dreg:$0x3] =	wrdreg s2  }
0xb7: {  	[dreg:$0x4] =	wrdreg s18  }
0xb8: {  	[dreg:$0x5] =	wrdreg s4  }
0xb9: {  	[dreg:$0x6] =	wrdreg s5  }
0xba: {  	[dreg:$0x7] =	wrdreg s6  }
0xbb: {  	[dreg:$0x8] =	wrdreg s7  }
0xbc: {  	[dreg:$0x9] =	wrdreg s8  }
0xbd: {  	[dreg:$0xa] =	wrdreg s24  }
0xbe: {  	[dreg:$0xb] =	wrdreg $0x9  }
0xbf: {  	_ =	task.clear_ibuf [dreg:s14], $0xCFFFF;
	_ =	strace $0x90000046  }
0xc0: {  	s29 =	simm.s32 $0x9;
	_ =	strace $0x80000048  }
0xc1: {  	_ =	swait.ge [sflag:s29], $0x1  }
0xc2: {  	[sflag:s29] =	ssyncadd.s32 $0xFFFFFFFF  }
0xc3: {  	_ =	strace $0x90000048  }
0xc4: {  	_ =	sfence  }
0xc5: {  	s30 =	sld [smem:$0x0];
	_ =	sdelay $0x2  }
0xc6: {  	s31 =	sshll.u32 s1, $0xD;
	s1 =	sshrl.u32 s1, $0x2  }
0xc7: {  	s3 =	sand.u32 $0x4000, s31;
	s1 =	sadd.s32 s1, s30  }
0xc8: {  	s0 =	sor.u32 s3, s0;
	s1 =	sshll.u32 s1, $0x11  }
0xc9: {  	s0 =	sor.u32 s1, s0  }
0xca: {  	s0 =	sadd.s32 $0x8F2B, s0  }
0xcb: {  	[sflag:s0] =	ssyncadd.remote.s32 $0x1  }
0xcc: {  	_ =	sfence.sel $0xFFFF  }
0xcd: {  	[dreg:$0x0] =	wrdreg $0xFFFFFFFF;
	(pc) =	sbr.abs _section_cstart, $3  }
0xce: {  	[dreg:$0x1] =	wrdreg $0xFFFFFFFF  }
0xcf: {  	_ =	task.clear_ibuf [dreg:s14], $0x2FFFF;
	_ =	strace $0x9FFFFFFF  }
0xd0: {  	(tm) =	ssettm $0x7FFFFFFF  }
0xd1: {  	_ =	shalt  }
tec
execute0_lowered:
.L_overlay_start_1:
0x0: {  	(tag) =	ssettag $0x1  }
0x1: {  	s2 =	srdreg.scid  }
0x2: {  	s0 =	rddreg [dreg:$0x0];
	s4 =	stileid.u32;
	s2 =	sand.u32 $0x1, s2  }
0x3: {  	s4 =	sshll.u32 s4, $0xD;
	s3 =	ssub.s32 $0x2, s2;
	s2 =	sshll.u32 s2, $0xC  }
0x4: {  	s1 =	rddreg [dreg:$0x8];
	s7 =	simm.s32 $0x0;
	s2 =	sor.u32 s2, s4  }
0x5: {  	[smem:$0x7FF] =	sst s7;
	s1 =	sadd.s32 $0x400, s1;
	s14 =	sadd.s32 s0, s2  }
0x6: {  	s4 =	sor.u32 $0x200, s2;
	s6 =	sadd.s32 s1, s2;
	[smem:$0x7ED] =	sst s14  }
0x7: {  	s16 =	sor.u32 $0x400, s2;
	s15 =	sadd.s32 s0, s4;
	[smem:$0x7EF] =	sst s6  }
0x8: {  	s5 =	sshrl.u32 s3, $0x1;
	s17 =	sadd.s32 s0, s16;
	[smem:$0x7EE] =	sst s15  }
0x9: {  	s18 =	sor.u32 $0x600, s2;
	s4 =	sadd.s32 s1, s4;
	[smem:$0x7F0] =	sst s17  }
0xa: {  	s3 =	ssub.s32 s3, s5;
	s19 =	sadd.s32 s0, s18;
	[smem:$0x7F1] =	sst s4  }
0xb: {  	s20 =	sor.u32 $0x800, s2;
	s5 =	sadd.s32 s1, s16;
	[smem:$0x7F2] =	sst s19  }
0xc: {  	s21 =	sadd.s32 s0, s20;
	[smem:$0x7F3] =	sst s5  }
0xd: {  	s22 =	sor.u32 $0xA00, s2;
	s6 =	sadd.s32 s1, s18;
	[smem:$0x7F4] =	sst s21  }
0xe: {  	s24 =	sor.u32 $0xC00, s2;
	s23 =	sadd.s32 s0, s22;
	[smem:$0x7F5] =	sst s6  }
0xf: {  	s25 =	sadd.s32 s0, s24;
	[smem:$0x7F6] =	sst s23  }
0x10: {  	s2 =	sor.u32 $0xE00, s2;
	s26 =	sadd.s32 s1, s22;
	[smem:$0x7F8] =	sst s25  }
0x11: {  	s0 =	sadd.s32 s0, s2;
	[smem:$0x7F9] =	sst s26  }
0x12: {  	s28 =	sadd.s32 s1, s24;
	[smem:$0x7FA] =	sst s0  }
0x13: {  	s29 =	sadd.s32 s1, s2;
	[smem:$0x7FB] =	sst s28  }
0x14: {  	s31 =	simm.s32 $0x1000;
	s4 =	sadd.s32 s1, s20;
	[smem:$0x7FC] =	sst s29  }
0x15: {  	s30 =	smax.u32 s3, $0x1;
	s1 =	simm.s32 $0x4;
	[smem:$0x7F7] =	sst s4  }
0x16: {  	s20 =	simm.s32 $0x0;
	_ =	strace $0x80000047;
	[smem:$0x7FD] =	sst s30  }
.LBB2_1:
0x17: {  	s0 =	sld [smem:$0x7ED];
	_ =	sdelay $0x1  }
0x18: {  	s2 =	simm.s32 $0x7000  }
0x19: {  	[tilespmem:s2], [sflag:$0x1] =	stream.linear.gather [hbm4b:s0+s7], $0x1000, $0x38;
	[tilespmem:$0x17000] =	vst v63  }
0x1a: {  	s14 =	rddreg [dreg:$0x1]  }
0x1b: {  	[tilespmem:s7], [sflag:$0x4] =	stream.linear.gather [hbm4b:s14+s7], $0x1000, $0x38;
	[tilespmem:$0x17000] =	vst v63  }
0x1c: {  	s15 =	rddreg [dreg:$0x2]  }
0x1d: {  	[tilespmem:s31], [sflag:$0x4] =	stream.linear.gather [hbm4b:s15+s7], $0x1000, $0x38;
	[tilespmem:$0x17000] =	vst v63  }
0x1e: {  	s16 =	rddreg [dreg:$0x3];
	s17 =	simm.s32 $0x2000  }
0x1f: {  	[tilespmem:s17], [sflag:$0x4] =	stream.linear.gather [hbm4b:s16+s7], $0x1000, $0x38;
	[tilespmem:$0x17000] =	vst v63  }
0x20: {  	s18 =	rddreg [dreg:$0x4];
	s19 =	simm.s32 $0x3000  }
0x21: {  	[tilespmem:s19], [sflag:$0x4] =	stream.linear.gather [hbm4b:s18+s7], $0x1000, $0x38;
	[tilespmem:$0x17000] =	vst v63  }
0x22: {  	s21 =	rddreg [dreg:$0x5];
	s22 =	simm.s32 $0x4000  }
0x23: {  	[tilespmem:s22], [sflag:$0x4] =	stream.linear.gather [hbm4b:s21+s7], $0x1000, $0x38;
	[tilespmem:$0x17000] =	vst v63  }
0x24: {  	s23 =	rddreg [dreg:$0x6];
	s24 =	simm.s32 $0x5000  }
0x25: {  	[tilespmem:s24], [sflag:$0x4] =	stream.linear.gather [hbm4b:s23+s7], $0x1000, $0x38;
	[tilespmem:$0x17000] =	vst v63  }
0x26: {  	s25 =	rddreg [dreg:$0x7];
	s26 =	simm.s32 $0x6000  }
0x27: {  	[tilespmem:s26], [sflag:$0x4] =	stream.linear.gather [hbm4b:s25+s7], $0x1000, $0x38;
	[tilespmem:$0x17000] =	vst v63  }
0x28: {  	_ =	swait.ge [sflag:s1], $0x1000  }
0x29: {  	[sflag:s1] =	ssyncset.done $0x0  }
0x2a: {  	[sflag:s1] =	ssyncadd.s32 $0xFFFFF000  }
0x2b: {  	_ =	swait.ge [sflag:s1], $0x1000  }
0x2c: {  	[sflag:s1] =	ssyncset.done $0x0  }
0x2d: {  	[sflag:s1] =	ssyncadd.s32 $0xFFFFF000  }
0x2e: {  	_ =	swait.ge [sflag:s1], $0x1000  }
0x2f: {  	[sflag:s1] =	ssyncset.done $0x0  }
0x30: {  	[sflag:s1] =	ssyncadd.s32 $0xFFFFF000  }
0x31: {  	_ =	swait.ge [sflag:s1], $0x1000  }
0x32: {  	[sflag:s1] =	ssyncset.done $0x0  }
0x33: {  	[sflag:s1] =	ssyncadd.s32 $0xFFFFF000  }
0x34: {  	_ =	swait.ge [sflag:s1], $0x1000  }
0x35: {  	[sflag:s1] =	ssyncset.done $0x0  }
0x36: {  	[sflag:s1] =	ssyncadd.s32 $0xFFFFF000  }
0x37: {  	_ =	swait.ge [sflag:s1], $0x1000  }
0x38: {  	[sflag:s1] =	ssyncset.done $0x0  }
0x39: {  	[sflag:s1] =	ssyncadd.s32 $0xFFFFF000  }
0x3a: {  	_ =	swait.ge [sflag:s1], $0x1000  }
0x3b: {  	[sflag:s1] =	ssyncset.done $0x0  }
0x3c: {  	s28 =	simm.s32 $0x1;
	[sflag:s1] =	ssyncadd.s32 $0xFFFFF000  }
0x3d: {  	_ =	swait.ge [sflag:s28], $0x1000  }
0x3e: {  	s29 =	sld [smem:$0x7EE]  }
0x3f: {  	[sflag:s28] =	ssyncset.done $0x0  }
0x40: {  	s30 =	simm.s32 $0x8000;
	s5 =	simm.s32 $0x0;
	[sflag:s28] =	ssyncadd.s32 $0xFFFFF000  }
0x41: {  	[tilespmem:s30], [sflag:$0x2] =	stream.linear.gather [hbm4b:s29+s7], $0x1000, $0x38;
	[tilespmem:$0x17000] =	vst v63  }
.LBB2_2:
0x42: {  	s0 =	sshll.u32 s5, $0x8;
	s8 =	sshll.u32 s5, $0x7  }
0x43: {  	s9 =	sand.u32 $0x800, s0;
	s0 =	sand.u32 $0x380, s8  }
0x44: {  	s15 =	sor.u32 s9, s0  }
0x45: {  	s16 =	simm.s32 $0x0;
	s3 =	sor.u32 $0xA000, s15  }
0x46: {  	s10 =	sand.u32 $0x400, s16;
	s17 =	sor.u32 $0xB000, s15;
	[dreg:$0xa] =	wrdreg s3  }
0x47: {  	s18 =	sor.u32 $0xC000, s15;
	s19 =	sor.u32 $0xD000, s15;
	[dreg:$0xb] =	wrdreg s17  }
0x48: {  	s21 =	sor.u32 $0xE000, s15;
	[dreg:$0xc] =	wrdreg s18;
	s17 =	simm.s32 $0x0  }
0x49: {  	s22 =	sor.u32 $0xF000, s15;
	[dreg:$0xd] =	wrdreg s19;
	s11 =	sand.u32 $0x40, s17  }
0x4a: {  	s4 =	sor.u32 s10, s15;
	[dreg:$0xe] =	wrdreg s21;
	s12 =	sor.u32 $0x30, s11  }
0x4b: {  	[dreg:$0xf] =	wrdreg s22;
	s13 =	sor.u32 $0x10, s11;
	s23 =	sor.u32 s12, s4  }
0x4c: {  	s6 =	sor.u32 s13, s4;
	v0 =	vld [tilespmem:s23+$0x7000]  }
0x4d: {  	v1 =	vld [tilespmem:s6+$0x7000]  }
0x4e: {  	s14 =	sor.u32 $0x20, s11  }
0x4f: {  	s18 =	sor.u32 s14, s4  }
0x50: {  	s4 =	sor.u32 s11, s4;
	v3 =	vld [tilespmem:s18+$0x7000]  }
0x51: {  	v2 =	vld [tilespmem:s4+$0x7000];
	_ =	sdelay $0x2  }
0x52: {  	v4 =	vld.idx.msk [tilespmem:v0+s7+$0x0], $0xffff  }
0x53: {  	v5 =	vld.idx.msk [tilespmem:v1+s7+$0x0], $0xffff  }
0x54: {  	v6 =	vadd.s32 $0x1000, v0  }
0x55: {  	v7 =	vadd.s32 $0x1000, v1  }
0x56: {  	v8 =	vld.idx.msk [tilespmem:v3+s7+$0x0], $0xffff  }
0x57: {  	v9 =	vld.idx.msk [tilespmem:v2+s7+$0x0], $0xffff;
	[tilespmem:s23+$0x9000] =	vst v4;
	v4 =	vadd.s32 $0x1000, v3  }
0x58: {  	[tilespmem:s6+$0x9000] =	vst v5;
	v5 =	vadd.s32 $0x1000, v2  }
0x59: {  	v6 =	vld.idx.msk [tilespmem:v6+s7+$0x0], $0xffff  }
0x5a: {  	v7 =	vld.idx.msk [tilespmem:v7+s7+$0x0], $0xffff  }
0x5b: {  	v11 =	vadd.s32 $0x2000, v1;
	s3 =	rddreg [dreg:$0xa];
	[tilespmem:s18+$0x9000] =	vst v8  }
0x5c: {  	v10 =	vadd.s32 $0x2000, v0;
	[tilespmem:s4+$0x9000] =	vst v9;
	s3 =	sadd.s32 s10, s3;
	v4 =	vld.idx.msk [tilespmem:v4+s7+$0x0], $0xffff  }
0x5d: {  	v8 =	vadd.s32 $0x2000, v3;
	s24 =	sadd.s32 s12, s3;
	v5 =	vld.idx.msk [tilespmem:v5+s7+$0x0], $0xffff  }
0x5e: {  	s25 =	sadd.s32 s13, s3;
	[tilespmem:s24+$0x0] =	vst v6;
	v6 =	vadd.s32 $0x2000, v2  }
0x5f: {  	[tilespmem:s25+$0x0] =	vst v7  }
0x60: {  	s26 =	sadd.s32 s14, s3;
	v9 =	vld.idx.msk [tilespmem:v11+s7+$0x0], $0xffff  }
0x61: {  	s3 =	sadd.s32 s11, s3;
	v7 =	vld.idx.msk [tilespmem:v10+s7+$0x0], $0xffff;
	s4 =	rddreg [dreg:$0xb];
	v10 =	vadd.s32 $0x3000, v1;
	[tilespmem:s26+$0x0] =	vst v4  }
0x62: {  	v4 =	vadd.s32 $0x3000, v0;
	[tilespmem:s3+$0x0] =	vst v5;
	v11 =	vld.idx.msk [tilespmem:v8+s7+$0x0], $0xffff  }
0x63: {  	v12 =	vadd.s32 $0x3000, v3;
	s28 =	sadd.s32 s10, s4;
	v14 =	vld.idx.msk [tilespmem:v6+s7+$0x0], $0xffff  }
0x64: {  	v15 =	vadd.s32 $0x3000, v2;
	s29 =	sadd.s32 s13, s28  }
0x65: {  	s4 =	sadd.s32 s12, s28;
	[tilespmem:s29+$0x0] =	vst v9  }
0x66: {  	s30 =	sadd.s32 s14, s28;
	v5 =	vadd.s32 $0x5000, v1;
	[tilespmem:s4+$0x0] =	vst v7;
	v10 =	vld.idx.msk [tilespmem:v10+s7+$0x0], $0xffff  }
0x67: {  	s3 =	sadd.s32 s11, s28;
	v8 =	vadd.s32 $0x4000, v3;
	v6 =	vadd.s32 $0x5000, v3;
	v3 =	vadd.s32 $0x6000, v3;
	s4 =	rddreg [dreg:$0xc];
	v13 =	vld.idx.msk [tilespmem:v4+s7+$0x0], $0xffff;
	[tilespmem:s30+$0x0] =	vst v11  }
0x68: {  	v9 =	vadd.s32 $0x4000, v1;
	v7 =	vadd.s32 $0x4000, v2;
	v1 =	vadd.s32 $0x6000, v1;
	[tilespmem:s3+$0x0] =	vst v14;
	v11 =	vld.idx.msk [tilespmem:v12+s7+$0x0], $0xffff  }
0x69: {  	s18 =	sor.u32 $0x9000, s9;
	v4 =	vadd.s32 $0x5000, v2;
	v2 =	vadd.s32 $0x6000, v2;
	v14 =	vadd.s32 $0x4000, v0;
	v12 =	vld.idx.msk [tilespmem:v15+s7+$0x0], $0xffff  }
.LBB2_3:
0x6a: {  	_ = 	snop  }
0x6b: {  	s17 =	sadd.s32 $0x40, s17;
	s4 =	sadd.s32 s10, s4;
	s16 =	sadd.s32 $0x200, s16  }
0x6c: {  	s24 =	sand.u32 $0x40, s17;
	s25 =	sand.u32 $0x400, s16;
	s3 =	sadd.s32 s12, s4  }
0x6d: {  	s30 =	sor.u32 s25, s15;
	s22 =	sor.u32 $0x30, s24;
	[tilespmem:s3+$0x0] =	vst v13  }
0x6e: {  	s19 =	sor.u32 $0x10, s24;
	s6 =	sor.u32 s22, s30;
	v13 =	vld.idx.msk [tilespmem:v14+s7+$0x0], $0xffff  }
0x6f: {  	s21 =	sor.u32 $0x20, s24;
	s28 =	sor.u32 s19, s30;
	v14 =	vld [tilespmem:s6+$0x7000]  }
0x70: {  	s2 =	sadd.s32 s13, s4;
	s3 =	sor.u32 s21, s30;
	v15 =	vld [tilespmem:s28+$0x7000]  }
0x71: {  	v16 =	vadd.s32 $0x5000, v0;
	s29 =	sadd.s32 s11, s4;
	s26 =	sor.u32 s24, s30;
	[tilespmem:s2+$0x0] =	vst v10;
	v17 =	vld [tilespmem:s3+$0x7000]  }
0x72: {  	s23 =	rddreg [dreg:$0xd];
	s4 =	sadd.s32 s14, s4;
	v10 =	vld [tilespmem:s26+$0x7000];
	[tilespmem:s29+$0x0] =	vst v12  }
0x73: {  	s23 =	sadd.s32 s10, s23;
	[tilespmem:s4+$0x0] =	vst v11;
	v11 =	vld.idx.msk [tilespmem:v9+s7+$0x0], $0xffff  }
0x74: {  	s30 =	sadd.s32 s12, s23;
	v23 =	vld.idx.msk [tilespmem:v7+s7+$0x0], $0xffff  }
0x75: {  	v12 =	vld.idx.msk [tilespmem:v8+s7+$0x0], $0xffff;
	[tilespmem:s30+$0x0] =	vst v13  }
0x76: {  	v16 =	vld.idx.msk [tilespmem:v16+s7+$0x0], $0xffff  }
0x77: {  	v26 =	vld.idx.msk [tilespmem:v14+s7+$0x0], $0xffff  }
0x78: {  	v27 =	vadd.s32 $0x6000, v0;
	s29 =	sadd.s32 s13, s23;
	v0 =	vmov v14;
	v14 =	vld.idx.msk [tilespmem:v15+s7+$0x0], $0xffff  }
0x79: {  	s2 =	sadd.s32 s14, s23;
	s4 =	sadd.s32 s11, s23;
	s23 =	rddreg [dreg:$0xe];
	v31 =	vadd.s32 $0x1000, v0;
	v30 =	vld.idx.msk [tilespmem:v17+s7+$0x0], $0xffff;
	[tilespmem:s29+$0x0] =	vst v11  }
0x7a: {  	s23 =	sadd.s32 s10, s23;
	v13 =	vadd.s32 $0x1000, v15;
	v11 =	vld.idx.msk [tilespmem:v10+s7+$0x0], $0xffff;
	[tilespmem:s2+$0x0] =	vst v12  }
0x7b: {  	v20 =	vadd.s32 $0x1000, v17;
	s2 =	sadd.s32 s12, s23;
	[tilespmem:s4+$0x0] =	vst v23;
	v58 =	vld.idx.msk [tilespmem:v5+s7+$0x0], $0xffff  }
0x7c: {  	v24 =	vadd.s32 $0x1000, v10;
	v59 =	vld.idx.msk [tilespmem:v6+s7+$0x0], $0xffff;
	[tilespmem:s2+$0x0] =	vst v16  }
0x7d: {  	v16 =	vld.idx.msk [tilespmem:v27+s7+$0x0], $0xffff;
	[tilespmem:s6+$0x9000] =	vst v26  }
0x7e: {  	[tilespmem:s28+$0x9000] =	vst v14;
	v14 =	vld.idx.msk [tilespmem:v31+s7+$0x0], $0xffff  }
0x7f: {  	s30 =	sadd.s32 s11, s23;
	[tilespmem:s3+$0x9000] =	vst v30;
	v13 =	vld.idx.msk [tilespmem:v13+s7+$0x0], $0xffff  }
0x80: {  	v60 =	vadd.s32 $0x2000, v0;
	s29 =	sadd.s32 s13, s23;
	s23 =	sadd.s32 s14, s23;
	s6 =	rddreg [dreg:$0xf];
	[tilespmem:s26+$0x9000] =	vst v11;
	v11 =	vld.idx.msk [tilespmem:v20+s7+$0x0], $0xffff  }
0x81: {  	v18 =	vadd.s32 $0x2000, v15;
	s4 =	rddreg [dreg:$0xa];
	s2 =	sadd.s32 s10, s6;
	s10 =	smov.u32 s25;
	v24 =	vld.idx.msk [tilespmem:v24+s7+$0x0], $0xffff;
	[tilespmem:s29+$0x0] =	vst v58  }
0x82: {  	v21 =	vadd.s32 $0x2000, v17;
	v61 =	vld.idx.msk [tilespmem:v4+s7+$0x0], $0xffff;
	[tilespmem:s23+$0x0] =	vst v59;
	s28 =	sadd.s32 s12, s2;
	s4 =	sadd.s32 s10, s4  }
0x83: {  	v25 =	vadd.s32 $0x2000, v10;
	s6 =	sadd.s32 s13, s2;
	v62 =	vld.idx.msk [tilespmem:v1+s7+$0x0], $0xffff;
	s13 =	sadd.s32 s22, s4;
	[tilespmem:s28+$0x0] =	vst v16  }
0x84: {  	v12 =	vadd.s32 $0x6000, v17;
	s3 =	sadd.s32 s11, s2;
	s11 =	smov.u32 s24;
	s29 =	sadd.s32 s19, s4;
	[tilespmem:s13+$0x0] =	vst v14;
	v14 =	vld.idx.msk [tilespmem:v3+s7+$0x0], $0xffff  }
0x85: {  	v19 =	vadd.s32 $0x3000, v15;
	s24 =	sadd.s32 s11, s4;
	s4 =	sadd.s32 s21, s4;
	v3 =	vmov v12;
	[tilespmem:s29+$0x0] =	vst v13;
	v12 =	vld.idx.msk [tilespmem:v60+s7+$0x0], $0xffff  }
0x86: {  	v9 =	vadd.s32 $0x4000, v15;
	v29 =	vadd.s32 $0x5000, v15;
	v15 =	vadd.s32 $0x6000, v15;
	[tilespmem:s4+$0x0] =	vst v11;
	v13 =	vld.idx.msk [tilespmem:v18+s7+$0x0], $0xffff  }
0x87: {  	v1 =	vmov v15;
	v15 =	vadd.s32 $0x3000, v0;
	[tilespmem:s24+$0x0] =	vst v24;
	v11 =	vld.idx.msk [tilespmem:v21+s7+$0x0], $0xffff  }
0x88: {  	s25 =	rddreg [dreg:$0xb];
	v63 =	vld.idx.msk [tilespmem:v25+s7+$0x0], $0xffff;
	[tilespmem:s30+$0x0] =	vst v61  }
0x89: {  	v22 =	vadd.s32 $0x3000, v17;
	s2 =	sadd.s32 s14, s2;
	s12 =	smov.u32 s22;
	s26 =	sadd.s32 s10, s25;
	[tilespmem:s6+$0x0] =	vst v62  }
0x8a: {  	p0 =	slt.u32 s17, $0x78;
	v28 =	vadd.s32 $0x3000, v10;
	v8 =	vadd.s32 $0x4000, v17;
	v33 =	vadd.s32 $0x5000, v17;
	s13 =	smov.u32 s19;
	s29 =	sadd.s32 s12, s26;
	v17 =	vld.idx.msk [tilespmem:v2+s7+$0x0], $0xffff;
	[tilespmem:s2+$0x0] =	vst v14  }
.Ltmp0:
0x8b: {  	s14 =	smov.u32 s21;
	s19 =	sadd.s32 s13, s26;
	[tilespmem:s29+$0x0] =	vst v12;
	(pc) =	sbr.rel @p0 .LBB2_3-.Ltmp0, $4  }
0x8c: {  	v7 =	vadd.s32 $0x4000, v10;
	v32 =	vadd.s32 $0x5000, v10;
	v10 =	vadd.s32 $0x6000, v10;
	s30 =	sadd.s32 s14, s26;
	[tilespmem:s19+$0x0] =	vst v13;
	v13 =	vld.idx.msk [tilespmem:v15+s7+$0x0], $0xffff  }
0x8d: {  	s28 =	sadd.s32 s11, s26;
	v2 =	vmov v10;
	[tilespmem:s30+$0x0] =	vst v11;
	v10 =	vld.idx.msk [tilespmem:v19+s7+$0x0], $0xffff  }
0x8e: {  	[tilespmem:s28+$0x0] =	vst v63;
	v11 =	vld.idx.msk [tilespmem:v22+s7+$0x0], $0xffff  }
0x8f: {  	v5 =	vmovc v29;
	v6 =	vmov v33;
	v4 =	vmov v32;
	s4 =	rddreg [dreg:$0xc];
	v14 =	vadd.s32 $0x4000, v0;
	v12 =	vld.idx.msk [tilespmem:v28+s7+$0x0], $0xffff;
	[tilespmem:s3+$0x0] =	vst v17  }
0x90: {  	_ = 	snop  }
0x91: {  	s2 =	sadd.s32 s10, s4  }
0x92: {  	s3 =	sadd.s32 s12, s2  }
0x93: {  	s4 =	sadd.s32 s13, s2;
	[tilespmem:s3+$0x0] =	vst v13  }
0x94: {  	s6 =	sadd.s32 s14, s2;
	v13 =	vld.idx.msk [tilespmem:v14+s7+$0x0], $0xffff;
	s3 =	rddreg [dreg:$0xd];
	[tilespmem:s4+$0x0] =	vst v10  }
0x95: {  	v56 =	vadd.s32 $0x5000, v0;
	s2 =	sadd.s32 s11, s2;
	[tilespmem:s6+$0x0] =	vst v11;
	v9 =	vld.idx.msk [tilespmem:v9+s7+$0x0], $0xffff  }
0x96: {  	[tilespmem:s2+$0x0] =	vst v12;
	v8 =	vld.idx.msk [tilespmem:v8+s7+$0x0], $0xffff  }
0x97: {  	s3 =	sadd.s32 s10, s3;
	v7 =	vld.idx.msk [tilespmem:v7+s7+$0x0], $0xffff  }
0x98: {  	s4 =	sadd.s32 s12, s3  }
0x99: {  	s6 =	sadd.s32 s13, s3;
	[tilespmem:s4+$0x0] =	vst v13  }
0x9a: {  	s15 =	sadd.s32 s14, s3;
	v57 =	vld.idx.msk [tilespmem:v56+s7+$0x0], $0xffff;
	s4 =	rddreg [dreg:$0xe];
	[tilespmem:s6+$0x0] =	vst v9  }
0x9b: {  	v58 =	vadd.s32 $0x6000, v0;
	s16 =	sadd.s32 s11, s3;
	[tilespmem:s15+$0x0] =	vst v8;
	v5 =	vld.idx.msk [tilespmem:v5+s7+$0x0], $0xffff  }
0x9c: {  	[tilespmem:s16+$0x0] =	vst v7;
	v6 =	vld.idx.msk [tilespmem:v6+s7+$0x0], $0xffff  }
0x9d: {  	s17 =	sadd.s32 s10, s4;
	v4 =	vld.idx.msk [tilespmem:v4+s7+$0x0], $0xffff  }
0x9e: {  	s19 =	sadd.s32 s12, s17  }
0x9f: {  	s21 =	sadd.s32 s13, s17;
	[tilespmem:s19+$0x0] =	vst v57  }
0xa0: {  	s23 =	sadd.s32 s14, s17;
	s22 =	rddreg [dreg:$0xf];
	v0 =	vld.idx.msk [tilespmem:v58+s7+$0x0], $0xffff;
	[tilespmem:s21+$0x0] =	vst v5  }
0xa1: {  	s24 =	sadd.s32 s11, s17;
	[tilespmem:s23+$0x0] =	vst v6;
	v1 =	vld.idx.msk [tilespmem:v1+s7+$0x0], $0xffff  }
0xa2: {  	v3 =	vld.idx.msk [tilespmem:v3+s7+$0x0], $0xffff;
	[tilespmem:s24+$0x0] =	vst v4  }
0xa3: {  	s25 =	sadd.s32 s10, s22;
	v2 =	vld.idx.msk [tilespmem:v2+s7+$0x0], $0xffff  }
0xa4: {  	s26 =	sadd.s32 s12, s25  }
0xa5: {  	s4 =	sadd.s32 s13, s25;
	[tilespmem:s26+$0x0] =	vst v0  }
0xa6: {  	s28 =	sadd.s32 s14, s25;
	[tilespmem:s4+$0x0] =	vst v1  }
0xa7: {  	s29 =	sor.u32 s9, s8;
	s2 =	sadd.s32 s11, s25;
	[tilespmem:s28+$0x0] =	vst v3  }
0xa8: {  	s30 =	sor.u32 $0x438, s29;
	[tilespmem:s2+$0x0] =	vst v2  }
0xa9: {  	v0 =	vld [tilespmem:s30+$0x7000];
	_ =	sdelay $0x7  }
0xaa: {  	v1 =	vld.idx.msk [tilespmem:v0+s7+$0x0], $0xffff  }
0xab: {  	v59 =	vadd.s32 $0x1000, v0;
	_ =	sdelay $0x3  }
0xac: {  	[tilespmem:s30+$0x9000] =	vst v1  }
0xad: {  	v1 =	vld.idx.msk [tilespmem:v59+s7+$0x0], $0xffff  }
0xae: {  	v60 =	vadd.s32 $0x2000, v0;
	_ =	sdelay $0x2  }
0xaf: {  	s0 =	sadd.s32 s0, s18  }
0xb0: {  	[tilespmem:s0+$0x1438] =	vst v1  }
0xb1: {  	v1 =	vld.idx.msk [tilespmem:v60+s7+$0x0], $0xffff  }
0xb2: {  	v61 =	vadd.s32 $0x3000, v0;
	_ =	sdelay $0x3  }
0xb3: {  	[tilespmem:s0+$0x2438] =	vst v1  }
0xb4: {  	v1 =	vld.idx.msk [tilespmem:v61+s7+$0x0], $0xffff  }
0xb5: {  	v62 =	vadd.s32 $0x4000, v0;
	_ =	sdelay $0x3  }
0xb6: {  	[tilespmem:s0+$0x3438] =	vst v1  }
0xb7: {  	v1 =	vld.idx.msk [tilespmem:v62+s7+$0x0], $0xffff  }
0xb8: {  	v63 =	vadd.s32 $0x5000, v0;
	_ =	sdelay $0x3  }
0xb9: {  	[tilespmem:s0+$0x4438] =	vst v1  }
0xba: {  	v1 =	vld.idx.msk [tilespmem:v63+s7+$0x0], $0xffff  }
0xbb: {  	v0 =	vadd.s32 $0x6000, v0;
	_ =	sdelay $0x3  }
0xbc: {  	s5 =	sadd.s32 $0x1, s5;
	[tilespmem:s0+$0x5438] =	vst v1  }
0xbd: {  	p0 =	sne.s32 s5, $0x10;
	v0 =	vld.idx.msk [tilespmem:v0+s7+$0x0], $0xffff  }
.Ltmp1:
0xbe: {  	_ = 	snop;
	(pc) =	sbr.rel @p0 .LBB2_2-.Ltmp1, $2  }
0xbf: {  	_ =	sdelay $0x2  }
0xc0: {  	[tilespmem:s0+$0x6438] =	vst v0  }
0xc1: {  	s0 =	sld [smem:$0x7EF];
	_ =	sdelay $0x1  }
0xc2: {  	s2 =	simm.s32 $0x100000;
	s3 =	simm.s32 $0x9000;
	s29 =	simm.s32 $0x2  }
0xc3: {  	[hbm4b:s0+s31] =	stream.strided.scatter [tilespmem:s3], [sflag:$0x3], $0x7000, s2, s31, $0x38;
	[tilespmem:$0x17000] =	vst v63  }
0xc4: {  	_ =	swait.ge [sflag:s29], $0x1000  }
0xc5: {  	s30 =	sld [smem:$0x7F0]  }
0xc6: {  	s5 =	simm.s32 $0x0;
	[sflag:s29] =	ssyncset.done $0x0  }
0xc7: {  	s31 =	simm.s32 $0x7000;
	s0 =	simm.s32 $0x0;
	[sflag:s29] =	ssyncadd.s32 $0xFFFFF000  }
0xc8: {  	[tilespmem:s31], [sflag:$0x1] =	stream.linear.gather [hbm4b:s30+s5], $0x1000, $0x38;
	[tilespmem:$0x17000] =	vst v63  }
.LBB2_6:
0xc9: {  	s2 =	sshll.u32 s0, $0x8;
	s9 =	sshll.u32 s0, $0x7  }
0xca: {  	s10 =	sand.u32 $0x800, s2;
	s8 =	sand.u32 $0x380, s9  }
0xcb: {  	s16 =	sor.u32 s10, s8  }
0xcc: {  	s17 =	sor.u32 $0x11000, s16  }
0xcd: {  	s11 =	sand.u32 $0x400, s5;
	s18 =	sor.u32 $0x12000, s16;
	[dreg:$0x10] =	wrdreg s17  }
0xce: {  	s19 =	sor.u32 $0x13000, s16;
	s21 =	sor.u32 $0x14000, s16;
	[dreg:$0x11] =	wrdreg s18  }
0xcf: {  	s22 =	sor.u32 $0x15000, s16;
	[dreg:$0x12] =	wrdreg s19;
	s17 =	simm.s32 $0x0  }
0xd0: {  	s23 =	sor.u32 $0x16000, s16;
	[dreg:$0x13] =	wrdreg s21;
	s12 =	sand.u32 $0x40, s17  }
0xd1: {  	s3 =	sor.u32 s11, s16;
	[dreg:$0x14] =	wrdreg s22;
	s13 =	sor.u32 $0x30, s12  }
0xd2: {  	[dreg:$0x15] =	wrdreg s23;
	s14 =	sor.u32 $0x10, s12;
	s24 =	sor.u32 s13, s3  }
0xd3: {  	s4 =	sor.u32 s14, s3;
	v0 =	vld [tilespmem:s24+$0x8000]  }
0xd4: {  	v1 =	vld [tilespmem:s4+$0x8000]  }
0xd5: {  	s15 =	sor.u32 $0x20, s12  }
0xd6: {  	s6 =	sor.u32 s15, s3  }
0xd7: {  	s3 =	sor.u32 s12, s3;
	v3 =	vld [tilespmem:s6+$0x8000]  }
0xd8: {  	v2 =	vld [tilespmem:s3+$0x8000];
	_ =	sdelay $0x2  }
0xd9: {  	v4 =	vld.idx.msk [tilespmem:v0+s7+$0x0], $0xffff  }
0xda: {  	v5 =	vld.idx.msk [tilespmem:v1+s7+$0x0], $0xffff  }
0xdb: {  	v6 =	vadd.s32 $0x1000, v0  }
0xdc: {  	v7 =	vadd.s32 $0x1000, v1  }
0xdd: {  	v8 =	vld.idx.msk [tilespmem:v3+s7+$0x0], $0xffff  }
0xde: {  	v9 =	vld.idx.msk [tilespmem:v2+s7+$0x0], $0xffff;
	[tilespmem:s24+$0x10000] =	vst v4;
	v4 =	vadd.s32 $0x1000, v3  }
0xdf: {  	[tilespmem:s4+$0x10000] =	vst v5;
	v5 =	vadd.s32 $0x1000, v2  }
0xe0: {  	v6 =	vld.idx.msk [tilespmem:v6+s7+$0x0], $0xffff  }
0xe1: {  	v7 =	vld.idx.msk [tilespmem:v7+s7+$0x0], $0xffff  }
0xe2: {  	v11 =	vadd.s32 $0x2000, v1;
	s2 =	rddreg [dreg:$0x10];
	[tilespmem:s6+$0x10000] =	vst v8  }
0xe3: {  	v10 =	vadd.s32 $0x2000, v0;
	[tilespmem:s3+$0x10000] =	vst v9;
	s2 =	sadd.s32 s11, s2;
	v4 =	vld.idx.msk [tilespmem:v4+s7+$0x0], $0xffff  }
0xe4: {  	v8 =	vadd.s32 $0x2000, v3;
	s25 =	sadd.s32 s13, s2;
	v5 =	vld.idx.msk [tilespmem:v5+s7+$0x0], $0xffff  }
0xe5: {  	s26 =	sadd.s32 s14, s2;
	[tilespmem:s25+$0x0] =	vst v6;
	v6 =	vadd.s32 $0x2000, v2  }
0xe6: {  	[tilespmem:s26+$0x0] =	vst v7  }
0xe7: {  	s28 =	sadd.s32 s15, s2;
	v9 =	vld.idx.msk [tilespmem:v11+s7+$0x0], $0xffff  }
0xe8: {  	s2 =	sadd.s32 s12, s2;
	v7 =	vld.idx.msk [tilespmem:v10+s7+$0x0], $0xffff;
	s3 =	rddreg [dreg:$0x11];
	v10 =	vadd.s32 $0x3000, v1;
	[tilespmem:s28+$0x0] =	vst v4  }
0xe9: {  	v4 =	vadd.s32 $0x3000, v0;
	[tilespmem:s2+$0x0] =	vst v5;
	v11 =	vld.idx.msk [tilespmem:v8+s7+$0x0], $0xffff  }
0xea: {  	v12 =	vadd.s32 $0x3000, v3;
	s29 =	sadd.s32 s11, s3;
	v14 =	vld.idx.msk [tilespmem:v6+s7+$0x0], $0xffff  }
0xeb: {  	v15 =	vadd.s32 $0x3000, v2;
	s30 =	sadd.s32 s14, s29  }
0xec: {  	s3 =	sadd.s32 s13, s29;
	[tilespmem:s30+$0x0] =	vst v9  }
0xed: {  	s31 =	sadd.s32 s15, s29;
	v5 =	vadd.s32 $0x5000, v1;
	[tilespmem:s3+$0x0] =	vst v7;
	v10 =	vld.idx.msk [tilespmem:v10+s7+$0x0], $0xffff  }
0xee: {  	s2 =	sadd.s32 s12, s29;
	v8 =	vadd.s32 $0x4000, v3;
	v6 =	vadd.s32 $0x5000, v3;
	v3 =	vadd.s32 $0x6000, v3;
	s4 =	rddreg [dreg:$0x12];
	v13 =	vld.idx.msk [tilespmem:v4+s7+$0x0], $0xffff;
	[tilespmem:s31+$0x0] =	vst v11  }
0xef: {  	v9 =	vadd.s32 $0x4000, v1;
	v7 =	vadd.s32 $0x4000, v2;
	v1 =	vadd.s32 $0x6000, v1;
	[tilespmem:s2+$0x0] =	vst v14;
	v11 =	vld.idx.msk [tilespmem:v12+s7+$0x0], $0xffff  }
0xf0: {  	s18 =	sor.u32 $0x10000, s10;
	s19 =	simm.s32 $0x0;
	v4 =	vadd.s32 $0x5000, v2;
	v2 =	vadd.s32 $0x6000, v2;
	v14 =	vadd.s32 $0x4000, v0;
	v12 =	vld.idx.msk [tilespmem:v15+s7+$0x0], $0xffff  }
.LBB2_7:
0xf1: {  	s17 =	sadd.s32 $0x40, s17;
	s19 =	sadd.s32 $0x200, s19  }
0xf2: {  	s25 =	sand.u32 $0x40, s17;
	s26 =	sand.u32 $0x400, s19  }
0xf3: {  	s2 =	sadd.s32 s11, s4;
	s29 =	sor.u32 s26, s16;
	s22 =	sor.u32 $0x20, s25  }
0xf4: {  	s3 =	sadd.s32 s13, s2;
	s6 =	sor.u32 s22, s29  }
0xf5: {  	s24 =	sor.u32 $0x30, s25;
	[tilespmem:s3+$0x0] =	vst v13;
	v17 =	vld [tilespmem:s6+$0x8000]  }
0xf6: {  	s21 =	sor.u32 $0x10, s25;
	s30 =	sor.u32 s24, s29;
	v13 =	vld.idx.msk [tilespmem:v14+s7+$0x0], $0xffff  }
0xf7: {  	s3 =	sor.u32 s21, s29;
	v14 =	vld [tilespmem:s30+$0x8000]  }
0xf8: {  	v16 =	vadd.s32 $0x5000, v0;
	s28 =	sor.u32 s25, s29;
	s29 =	sadd.s32 s14, s2;
	v15 =	vld [tilespmem:s3+$0x8000]  }
0xf9: {  	s31 =	rddreg [dreg:$0x13];
	s23 =	sadd.s32 s12, s2;
	s2 =	sadd.s32 s15, s2;
	[tilespmem:s29+$0x0] =	vst v10;
	v10 =	vld [tilespmem:s28+$0x8000]  }
0xfa: {  	s4 =	sadd.s32 s11, s31;
	[tilespmem:s2+$0x0] =	vst v11;
	v11 =	vld.idx.msk [tilespmem:v9+s7+$0x0], $0xffff  }
0xfb: {  	[tilespmem:s23+$0x0] =	vst v12;
	s29 =	sadd.s32 s13, s4;
	v12 =	vld.idx.msk [tilespmem:v8+s7+$0x0], $0xffff  }
0xfc: {  	v23 =	vld.idx.msk [tilespmem:v7+s7+$0x0], $0xffff;
	[tilespmem:s29+$0x0] =	vst v13  }
0xfd: {  	v16 =	vld.idx.msk [tilespmem:v16+s7+$0x0], $0xffff  }
0xfe: {  	v30 =	vld.idx.msk [tilespmem:v17+s7+$0x0], $0xffff  }
0xff: {  	s31 =	sadd.s32 s15, s4;
	v26 =	vld.idx.msk [tilespmem:v14+s7+$0x0], $0xffff  }
0x100: {  	v27 =	vadd.s32 $0x6000, v0;
	s23 =	sadd.s32 s14, s4;
	s29 =	rddreg [dreg:$0x14];
	v0 =	vmov v14;
	[tilespmem:s31+$0x0] =	vst v12;
	v14 =	vld.idx.msk [tilespmem:v15+s7+$0x0], $0xffff  }
0x101: {  	s2 =	sadd.s32 s12, s4;
	v20 =	vadd.s32 $0x1000, v17;
	s29 =	sadd.s32 s11, s29;
	[tilespmem:s23+$0x0] =	vst v11;
	v11 =	vld.idx.msk [tilespmem:v10+s7+$0x0], $0xffff  }
0x102: {  	v31 =	vadd.s32 $0x1000, v0;
	s31 =	sadd.s32 s13, s29;
	[tilespmem:s2+$0x0] =	vst v23  }
0x103: {  	v13 =	vadd.s32 $0x1000, v15;
	v59 =	vld.idx.msk [tilespmem:v6+s7+$0x0], $0xffff;
	[tilespmem:s31+$0x0] =	vst v16  }
0x104: {  	v24 =	vadd.s32 $0x1000, v10;
	v58 =	vld.idx.msk [tilespmem:v5+s7+$0x0], $0xffff;
	[tilespmem:s6+$0x10000] =	vst v30  }
0x105: {  	v16 =	vld.idx.msk [tilespmem:v27+s7+$0x0], $0xffff;
	[tilespmem:s30+$0x10000] =	vst v26  }
0x106: {  	[tilespmem:s28+$0x10000] =	vst v11;
	v11 =	vld.idx.msk [tilespmem:v20+s7+$0x0], $0xffff  }
0x107: {  	s4 =	sadd.s32 s12, s29;
	[tilespmem:s3+$0x10000] =	vst v14;
	v14 =	vld.idx.msk [tilespmem:v31+s7+$0x0], $0xffff  }
0x108: {  	v60 =	vadd.s32 $0x2000, v0;
	s23 =	sadd.s32 s14, s29;
	s29 =	sadd.s32 s15, s29;
	s2 =	rddreg [dreg:$0x15];
	v13 =	vld.idx.msk [tilespmem:v13+s7+$0x0], $0xffff  }
0x109: {  	v18 =	vadd.s32 $0x2000, v15;
	s2 =	sadd.s32 s11, s2;
	s11 =	smov.u32 s26;
	s31 =	rddreg [dreg:$0x10];
	[tilespmem:s29+$0x0] =	vst v59;
	v24 =	vld.idx.msk [tilespmem:v24+s7+$0x0], $0xffff  }
0x10a: {  	v21 =	vadd.s32 $0x2000, v17;
	s26 =	sadd.s32 s11, s31;
	[tilespmem:s23+$0x0] =	vst v58;
	s23 =	sadd.s32 s13, s2;
	v61 =	vld.idx.msk [tilespmem:v4+s7+$0x0], $0xffff  }
0x10b: {  	v25 =	vadd.s32 $0x2000, v10;
	s30 =	sadd.s32 s24, s26;
	v62 =	vld.idx.msk [tilespmem:v1+s7+$0x0], $0xffff;
	[tilespmem:s23+$0x0] =	vst v16  }
0x10c: {  	v12 =	vadd.s32 $0x6000, v17;
	s28 =	sadd.s32 s21, s26;
	[tilespmem:s30+$0x0] =	vst v14;
	v14 =	vld.idx.msk [tilespmem:v3+s7+$0x0], $0xffff  }
0x10d: {  	v19 =	vadd.s32 $0x3000, v15;
	s3 =	sadd.s32 s12, s2;
	s12 =	smov.u32 s25;
	s31 =	sadd.s32 s22, s26;
	v3 =	vmov v12;
	[tilespmem:s28+$0x0] =	vst v13;
	v12 =	vld.idx.msk [tilespmem:v60+s7+$0x0], $0xffff  }
0x10e: {  	v9 =	vadd.s32 $0x4000, v15;
	v29 =	vadd.s32 $0x5000, v15;
	v15 =	vadd.s32 $0x6000, v15;
	s23 =	sadd.s32 s12, s26;
	[tilespmem:s31+$0x0] =	vst v11;
	v13 =	vld.idx.msk [tilespmem:v18+s7+$0x0], $0xffff  }
0x10f: {  	v1 =	vmov v15;
	v15 =	vadd.s32 $0x3000, v0;
	[tilespmem:s23+$0x0] =	vst v24;
	v11 =	vld.idx.msk [tilespmem:v21+s7+$0x0], $0xffff  }
0x110: {  	s6 =	sadd.s32 s14, s2;
	s26 =	rddreg [dreg:$0x11];
	v63 =	vld.idx.msk [tilespmem:v25+s7+$0x0], $0xffff;
	[tilespmem:s4+$0x0] =	vst v61  }
0x111: {  	v22 =	vadd.s32 $0x3000, v17;
	s2 =	sadd.s32 s15, s2;
	s13 =	smov.u32 s24;
	s28 =	sadd.s32 s11, s26;
	[tilespmem:s6+$0x0] =	vst v62  }
0x112: {  	p0 =	slt.u32 s17, $0x78;
	v8 =	vadd.s32 $0x4000, v17;
	v33 =	vadd.s32 $0x5000, v17;
	v28 =	vadd.s32 $0x3000, v10;
	s14 =	smov.u32 s21;
	s30 =	sadd.s32 s13, s28;
	v17 =	vld.idx.msk [tilespmem:v2+s7+$0x0], $0xffff;
	[tilespmem:s2+$0x0] =	vst v14  }
.Ltmp2:
0x113: {  	s15 =	smov.u32 s22;
	s21 =	sadd.s32 s14, s28;
	[tilespmem:s30+$0x0] =	vst v12;
	(pc) =	sbr.rel @p0 .LBB2_7-.Ltmp2, $4  }
0x114: {  	v7 =	vadd.s32 $0x4000, v10;
	v32 =	vadd.s32 $0x5000, v10;
	v10 =	vadd.s32 $0x6000, v10;
	s31 =	sadd.s32 s15, s28;
	[tilespmem:s21+$0x0] =	vst v13;
	v13 =	vld.idx.msk [tilespmem:v15+s7+$0x0], $0xffff  }
0x115: {  	s29 =	sadd.s32 s12, s28;
	v2 =	vmov v10;
	[tilespmem:s31+$0x0] =	vst v11;
	v10 =	vld.idx.msk [tilespmem:v19+s7+$0x0], $0xffff  }
0x116: {  	[tilespmem:s29+$0x0] =	vst v63;
	v11 =	vld.idx.msk [tilespmem:v22+s7+$0x0], $0xffff  }
0x117: {  	v6 =	vmovc v33;
	v5 =	vmov v29;
	v4 =	vmov v32;
	s4 =	rddreg [dreg:$0x12];
	v14 =	vadd.s32 $0x4000, v0;
	v12 =	vld.idx.msk [tilespmem:v28+s7+$0x0], $0xffff;
	[tilespmem:s3+$0x0] =	vst v17  }
0x118: {  	_ = 	snop  }
0x119: {  	s2 =	sadd.s32 s11, s4  }
0x11a: {  	s3 =	sadd.s32 s13, s2  }
0x11b: {  	s4 =	sadd.s32 s14, s2;
	[tilespmem:s3+$0x0] =	vst v13  }
0x11c: {  	s6 =	sadd.s32 s15, s2;
	v13 =	vld.idx.msk [tilespmem:v14+s7+$0x0], $0xffff;
	s3 =	rddreg [dreg:$0x13];
	[tilespmem:s4+$0x0] =	vst v10  }
0x11d: {  	v56 =	vadd.s32 $0x5000, v0;
	s2 =	sadd.s32 s12, s2;
	[tilespmem:s6+$0x0] =	vst v11;
	v9 =	vld.idx.msk [tilespmem:v9+s7+$0x0], $0xffff  }
0x11e: {  	[tilespmem:s2+$0x0] =	vst v12;
	v8 =	vld.idx.msk [tilespmem:v8+s7+$0x0], $0xffff  }
0x11f: {  	s3 =	sadd.s32 s11, s3;
	v7 =	vld.idx.msk [tilespmem:v7+s7+$0x0], $0xffff  }
0x120: {  	s29 =	sadd.s32 s13, s3  }
0x121: {  	s30 =	sadd.s32 s14, s3;
	[tilespmem:s29+$0x0] =	vst v13  }
0x122: {  	s31 =	sadd.s32 s15, s3;
	v57 =	vld.idx.msk [tilespmem:v56+s7+$0x0], $0xffff;
	s4 =	rddreg [dreg:$0x14];
	[tilespmem:s30+$0x0] =	vst v9  }
0x123: {  	v58 =	vadd.s32 $0x6000, v0;
	s16 =	sadd.s32 s12, s3;
	[tilespmem:s31+$0x0] =	vst v8;
	v5 =	vld.idx.msk [tilespmem:v5+s7+$0x0], $0xffff  }
0x124: {  	[tilespmem:s16+$0x0] =	vst v7;
	v6 =	vld.idx.msk [tilespmem:v6+s7+$0x0], $0xffff  }
0x125: {  	s17 =	sadd.s32 s11, s4;
	v4 =	vld.idx.msk [tilespmem:v4+s7+$0x0], $0xffff  }
0x126: {  	s19 =	sadd.s32 s13, s17  }
0x127: {  	s21 =	sadd.s32 s14, s17;
	[tilespmem:s19+$0x0] =	vst v57  }
0x128: {  	s23 =	sadd.s32 s15, s17;
	s22 =	rddreg [dreg:$0x15];
	v0 =	vld.idx.msk [tilespmem:v58+s7+$0x0], $0xffff;
	[tilespmem:s21+$0x0] =	vst v5  }
0x129: {  	s24 =	sadd.s32 s12, s17;
	[tilespmem:s23+$0x0] =	vst v6;
	v1 =	vld.idx.msk [tilespmem:v1+s7+$0x0], $0xffff  }
0x12a: {  	v3 =	vld.idx.msk [tilespmem:v3+s7+$0x0], $0xffff;
	[tilespmem:s24+$0x0] =	vst v4  }
0x12b: {  	s25 =	sadd.s32 s11, s22;
	v2 =	vld.idx.msk [tilespmem:v2+s7+$0x0], $0xffff  }
0x12c: {  	s26 =	sadd.s32 s13, s25  }
0x12d: {  	s4 =	sadd.s32 s14, s25;
	[tilespmem:s26+$0x0] =	vst v0  }
0x12e: {  	s28 =	sadd.s32 s15, s25;
	[tilespmem:s4+$0x0] =	vst v1  }
0x12f: {  	s29 =	sor.u32 s10, s9;
	s2 =	sadd.s32 s12, s25;
	[tilespmem:s28+$0x0] =	vst v3  }
0x130: {  	s30 =	sor.u32 $0x438, s29;
	[tilespmem:s2+$0x0] =	vst v2  }
0x131: {  	v0 =	vld [tilespmem:s30+$0x8000];
	_ =	sdelay $0x7  }
0x132: {  	v1 =	vld.idx.msk [tilespmem:v0+s7+$0x0], $0xffff  }
0x133: {  	v59 =	vadd.s32 $0x1000, v0;
	_ =	sdelay $0x3  }
0x134: {  	[tilespmem:s30+$0x10000] =	vst v1  }
0x135: {  	v1 =	vld.idx.msk [tilespmem:v59+s7+$0x0], $0xffff  }
0x136: {  	v60 =	vadd.s32 $0x2000, v0;
	_ =	sdelay $0x2  }
0x137: {  	s31 =	sadd.s32 s8, s18  }
0x138: {  	[tilespmem:s31+$0x1438] =	vst v1  }
0x139: {  	v1 =	vld.idx.msk [tilespmem:v60+s7+$0x0], $0xffff  }
0x13a: {  	v61 =	vadd.s32 $0x3000, v0;
	_ =	sdelay $0x3  }
0x13b: {  	[tilespmem:s31+$0x2438] =	vst v1  }
0x13c: {  	v1 =	vld.idx.msk [tilespmem:v61+s7+$0x0], $0xffff  }
0x13d: {  	v62 =	vadd.s32 $0x4000, v0;
	_ =	sdelay $0x3  }
0x13e: {  	[tilespmem:s31+$0x3438] =	vst v1  }
0x13f: {  	v1 =	vld.idx.msk [tilespmem:v62+s7+$0x0], $0xffff  }
0x140: {  	v63 =	vadd.s32 $0x5000, v0;
	_ =	sdelay $0x3  }
0x141: {  	[tilespmem:s31+$0x4438] =	vst v1  }
0x142: {  	v1 =	vld.idx.msk [tilespmem:v63+s7+$0x0], $0xffff  }
0x143: {  	v0 =	vadd.s32 $0x6000, v0;
	_ =	sdelay $0x3  }
0x144: {  	s0 =	sadd.s32 $0x1, s0;
	[tilespmem:s31+$0x5438] =	vst v1  }
0x145: {  	p0 =	sne.s32 s0, $0x10;
	v0 =	vld.idx.msk [tilespmem:v0+s7+$0x0], $0xffff  }
.Ltmp3:
0x146: {  	_ = 	snop;
	(pc) =	sbr.rel @p0 .LBB2_6-.Ltmp3, $2  }
0x147: {  	_ =	sdelay $0x2  }
0x148: {  	[tilespmem:s31+$0x6438] =	vst v0  }
0x149: {  	s0 =	sld [smem:$0x7F1]  }
0x14a: {  	s2 =	simm.s32 $0x1000  }
0x14b: {  	s3 =	simm.s32 $0x100000;
	s4 =	simm.s32 $0x10000;
	s28 =	simm.s32 $0x1  }
0x14c: {  	[hbm4b:s0+s2] =	stream.strided.scatter [tilespmem:s4], [sflag:$0x4], $0x7000, s3, s2, $0x38;
	[tilespmem:$0x17000] =	vst v63  }
0x14d: {  	_ =	swait.ge [sflag:s28], $0x1000  }
0x14e: {  	s29 =	sld [smem:$0x7F2]  }
0x14f: {  	s5 =	simm.s32 $0x0;
	[sflag:s28] =	ssyncset.done $0x0  }
0x150: {  	s30 =	simm.s32 $0x8000;
	s31 =	simm.s32 $0x3;
	[sflag:s28] =	ssyncadd.s32 $0xFFFFF000  }
0x151: {  	[tilespmem:s30], [sflag:$0x2] =	stream.linear.gather [hbm4b:s29+s5], $0x1000, $0x38;
	[tilespmem:$0x17000] =	vst v63  }
0x152: {  	_ =	swait.ge [sflag:s31], $0x7000  }
0x153: {  	[sflag:s31] =	ssyncset.done $0x0  }
0x154: {  	s0 =	simm.s32 $0x0;
	[sflag:s31] =	ssyncadd.s32 $0xFFFF9000  }
.LBB2_10:
0x155: {  	s2 =	sshll.u32 s0, $0x8;
	s9 =	sshll.u32 s0, $0x7  }
0x156: {  	s10 =	sand.u32 $0x800, s2;
	s8 =	sand.u32 $0x380, s9  }
0x157: {  	s16 =	sor.u32 s10, s8  }
0x158: {  	s17 =	sor.u32 $0xA000, s16  }
0x159: {  	s11 =	sand.u32 $0x400, s5;
	s18 =	sor.u32 $0xB000, s16;
	[dreg:$0x16] =	wrdreg s17  }
0x15a: {  	s19 =	sor.u32 $0xC000, s16;
	s21 =	sor.u32 $0xD000, s16;
	[dreg:$0x17] =	wrdreg s18  }
0x15b: {  	s22 =	sor.u32 $0xE000, s16;
	[dreg:$0x18] =	wrdreg s19;
	s17 =	simm.s32 $0x0  }
0x15c: {  	s23 =	sor.u32 $0xF000, s16;
	[dreg:$0x19] =	wrdreg s21;
	s12 =	sand.u32 $0x40, s17  }
0x15d: {  	s3 =	sor.u32 s11, s16;
	[dreg:$0x1a] =	wrdreg s22;
	s13 =	sor.u32 $0x30, s12  }
0x15e: {  	[dreg:$0x1b] =	wrdreg s23;
	s14 =	sor.u32 $0x10, s12;
	s24 =	sor.u32 s13, s3  }
0x15f: {  	s4 =	sor.u32 s14, s3;
	v0 =	vld [tilespmem:s24+$0x7000]  }
0x160: {  	v1 =	vld [tilespmem:s4+$0x7000]  }
0x161: {  	s15 =	sor.u32 $0x20, s12  }
0x162: {  	s6 =	sor.u32 s15, s3  }
0x163: {  	s3 =	sor.u32 s12, s3;
	v3 =	vld [tilespmem:s6+$0x7000]  }
0x164: {  	v2 =	vld [tilespmem:s3+$0x7000];
	_ =	sdelay $0x2  }
0x165: {  	v4 =	vld.idx.msk [tilespmem:v0+s7+$0x0], $0xffff  }
0x166: {  	v5 =	vld.idx.msk [tilespmem:v1+s7+$0x0], $0xffff  }
0x167: {  	v6 =	vadd.s32 $0x1000, v0  }
0x168: {  	v7 =	vadd.s32 $0x1000, v1  }
0x169: {  	v8 =	vld.idx.msk [tilespmem:v3+s7+$0x0], $0xffff  }
0x16a: {  	v9 =	vld.idx.msk [tilespmem:v2+s7+$0x0], $0xffff;
	[tilespmem:s24+$0x9000] =	vst v4;
	v4 =	vadd.s32 $0x1000, v3  }
0x16b: {  	[tilespmem:s4+$0x9000] =	vst v5;
	v5 =	vadd.s32 $0x1000, v2  }
0x16c: {  	v6 =	vld.idx.msk [tilespmem:v6+s7+$0x0], $0xffff  }
0x16d: {  	v7 =	vld.idx.msk [tilespmem:v7+s7+$0x0], $0xffff  }
0x16e: {  	v11 =	vadd.s32 $0x2000, v1;
	s2 =	rddreg [dreg:$0x16];
	[tilespmem:s6+$0x9000] =	vst v8  }
0x16f: {  	v10 =	vadd.s32 $0x2000, v0;
	[tilespmem:s3+$0x9000] =	vst v9;
	s2 =	sadd.s32 s11, s2;
	v4 =	vld.idx.msk [tilespmem:v4+s7+$0x0], $0xffff  }
0x170: {  	v8 =	vadd.s32 $0x2000, v3;
	s25 =	sadd.s32 s13, s2;
	v5 =	vld.idx.msk [tilespmem:v5+s7+$0x0], $0xffff  }
0x171: {  	s26 =	sadd.s32 s14, s2;
	[tilespmem:s25+$0x0] =	vst v6;
	v6 =	vadd.s32 $0x2000, v2  }
0x172: {  	[tilespmem:s26+$0x0] =	vst v7  }
0x173: {  	s28 =	sadd.s32 s15, s2;
	v9 =	vld.idx.msk [tilespmem:v11+s7+$0x0], $0xffff  }
0x174: {  	s2 =	sadd.s32 s12, s2;
	v7 =	vld.idx.msk [tilespmem:v10+s7+$0x0], $0xffff;
	s3 =	rddreg [dreg:$0x17];
	v10 =	vadd.s32 $0x3000, v1;
	[tilespmem:s28+$0x0] =	vst v4  }
0x175: {  	v4 =	vadd.s32 $0x3000, v0;
	[tilespmem:s2+$0x0] =	vst v5;
	v11 =	vld.idx.msk [tilespmem:v8+s7+$0x0], $0xffff  }
0x176: {  	v12 =	vadd.s32 $0x3000, v3;
	s29 =	sadd.s32 s11, s3;
	v14 =	vld.idx.msk [tilespmem:v6+s7+$0x0], $0xffff  }
0x177: {  	v15 =	vadd.s32 $0x3000, v2;
	s30 =	sadd.s32 s14, s29  }
0x178: {  	s3 =	sadd.s32 s13, s29;
	[tilespmem:s30+$0x0] =	vst v9  }
0x179: {  	s31 =	sadd.s32 s15, s29;
	v5 =	vadd.s32 $0x5000, v1;
	[tilespmem:s3+$0x0] =	vst v7;
	v10 =	vld.idx.msk [tilespmem:v10+s7+$0x0], $0xffff  }
0x17a: {  	s2 =	sadd.s32 s12, s29;
	v8 =	vadd.s32 $0x4000, v3;
	v6 =	vadd.s32 $0x5000, v3;
	v3 =	vadd.s32 $0x6000, v3;
	s4 =	rddreg [dreg:$0x18];
	v13 =	vld.idx.msk [tilespmem:v4+s7+$0x0], $0xffff;
	[tilespmem:s31+$0x0] =	vst v11  }
0x17b: {  	v9 =	vadd.s32 $0x4000, v1;
	v7 =	vadd.s32 $0x4000, v2;
	v1 =	vadd.s32 $0x6000, v1;
	[tilespmem:s2+$0x0] =	vst v14;
	v11 =	vld.idx.msk [tilespmem:v12+s7+$0x0], $0xffff  }
0x17c: {  	s18 =	sor.u32 $0x9000, s10;
	s19 =	simm.s32 $0x0;
	v4 =	vadd.s32 $0x5000, v2;
	v2 =	vadd.s32 $0x6000, v2;
	v14 =	vadd.s32 $0x4000, v0;
	v12 =	vld.idx.msk [tilespmem:v15+s7+$0x0], $0xffff  }
.LBB2_11:
0x17d: {  	s17 =	sadd.s32 $0x40, s17;
	s19 =	sadd.s32 $0x200, s19  }
0x17e: {  	s25 =	sand.u32 $0x40, s17;
	s26 =	sand.u32 $0x400, s19  }
0x17f: {  	s2 =	sadd.s32 s11, s4;
	s29 =	sor.u32 s26, s16;
	s22 =	sor.u32 $0x20, s25  }
0x180: {  	s3 =	sadd.s32 s13, s2;
	s6 =	sor.u32 s22, s29  }
0x181: {  	s24 =	sor.u32 $0x30, s25;
	[tilespmem:s3+$0x0] =	vst v13;
	v17 =	vld [tilespmem:s6+$0x7000]  }
0x182: {  	s21 =	sor.u32 $0x10, s25;
	s30 =	sor.u32 s24, s29;
	v13 =	vld.idx.msk [tilespmem:v14+s7+$0x0], $0xffff  }
0x183: {  	s3 =	sor.u32 s21, s29;
	v14 =	vld [tilespmem:s30+$0x7000]  }
0x184: {  	v16 =	vadd.s32 $0x5000, v0;
	s28 =	sor.u32 s25, s29;
	s29 =	sadd.s32 s14, s2;
	v15 =	vld [tilespmem:s3+$0x7000]  }
0x185: {  	s31 =	rddreg [dreg:$0x19];
	s23 =	sadd.s32 s12, s2;
	s2 =	sadd.s32 s15, s2;
	[tilespmem:s29+$0x0] =	vst v10;
	v10 =	vld [tilespmem:s28+$0x7000]  }
0x186: {  	s4 =	sadd.s32 s11, s31;
	[tilespmem:s2+$0x0] =	vst v11;
	v11 =	vld.idx.msk [tilespmem:v9+s7+$0x0], $0xffff  }
0x187: {  	[tilespmem:s23+$0x0] =	vst v12;
	s29 =	sadd.s32 s13, s4;
	v12 =	vld.idx.msk [tilespmem:v8+s7+$0x0], $0xffff  }
0x188: {  	v23 =	vld.idx.msk [tilespmem:v7+s7+$0x0], $0xffff;
	[tilespmem:s29+$0x0] =	vst v13  }
0x189: {  	v16 =	vld.idx.msk [tilespmem:v16+s7+$0x0], $0xffff  }
0x18a: {  	v30 =	vld.idx.msk [tilespmem:v17+s7+$0x0], $0xffff  }
0x18b: {  	s31 =	sadd.s32 s15, s4;
	v26 =	vld.idx.msk [tilespmem:v14+s7+$0x0], $0xffff  }
0x18c: {  	v27 =	vadd.s32 $0x6000, v0;
	s23 =	sadd.s32 s14, s4;
	s29 =	rddreg [dreg:$0x1a];
	v0 =	vmov v14;
	[tilespmem:s31+$0x0] =	vst v12;
	v14 =	vld.idx.msk [tilespmem:v15+s7+$0x0], $0xffff  }
0x18d: {  	s2 =	sadd.s32 s12, s4;
	v20 =	vadd.s32 $0x1000, v17;
	s29 =	sadd.s32 s11, s29;
	[tilespmem:s23+$0x0] =	vst v11;
	v11 =	vld.idx.msk [tilespmem:v10+s7+$0x0], $0xffff  }
0x18e: {  	v31 =	vadd.s32 $0x1000, v0;
	s31 =	sadd.s32 s13, s29;
	[tilespmem:s2+$0x0] =	vst v23  }
0x18f: {  	v13 =	vadd.s32 $0x1000, v15;
	v59 =	vld.idx.msk [tilespmem:v6+s7+$0x0], $0xffff;
	[tilespmem:s31+$0x0] =	vst v16  }
0x190: {  	v24 =	vadd.s32 $0x1000, v10;
	v58 =	vld.idx.msk [tilespmem:v5+s7+$0x0], $0xffff;
	[tilespmem:s6+$0x9000] =	vst v30  }
0x191: {  	v16 =	vld.idx.msk [tilespmem:v27+s7+$0x0], $0xffff;
	[tilespmem:s30+$0x9000] =	vst v26  }
0x192: {  	[tilespmem:s28+$0x9000] =	vst v11;
	v11 =	vld.idx.msk [tilespmem:v20+s7+$0x0], $0xffff  }
0x193: {  	s4 =	sadd.s32 s12, s29;
	[tilespmem:s3+$0x9000] =	vst v14;
	v14 =	vld.idx.msk [tilespmem:v31+s7+$0x0], $0xffff  }
0x194: {  	v60 =	vadd.s32 $0x2000, v0;
	s23 =	sadd.s32 s14, s29;
	s29 =	sadd.s32 s15, s29;
	s2 =	rddreg [dreg:$0x1b];
	v13 =	vld.idx.msk [tilespmem:v13+s7+$0x0], $0xffff  }
0x195: {  	v18 =	vadd.s32 $0x2000, v15;
	s2 =	sadd.s32 s11, s2;
	s11 =	smov.u32 s26;
	s31 =	rddreg [dreg:$0x16];
	[tilespmem:s29+$0x0] =	vst v59;
	v24 =	vld.idx.msk [tilespmem:v24+s7+$0x0], $0xffff  }
0x196: {  	v21 =	vadd.s32 $0x2000, v17;
	s26 =	sadd.s32 s11, s31;
	[tilespmem:s23+$0x0] =	vst v58;
	s23 =	sadd.s32 s13, s2;
	v61 =	vld.idx.msk [tilespmem:v4+s7+$0x0], $0xffff  }
0x197: {  	v25 =	vadd.s32 $0x2000, v10;
	s30 =	sadd.s32 s24, s26;
	v62 =	vld.idx.msk [tilespmem:v1+s7+$0x0], $0xffff;
	[tilespmem:s23+$0x0] =	vst v16  }
0x198: {  	v12 =	vadd.s32 $0x6000, v17;
	s28 =	sadd.s32 s21, s26;
	[tilespmem:s30+$0x0] =	vst v14;
	v14 =	vld.idx.msk [tilespmem:v3+s7+$0x0], $0xffff  }
0x199: {  	v19 =	vadd.s32 $0x3000, v15;
	s3 =	sadd.s32 s12, s2;
	s12 =	smov.u32 s25;
	s31 =	sadd.s32 s22, s26;
	v3 =	vmov v12;
	[tilespmem:s28+$0x0] =	vst v13;
	v12 =	vld.idx.msk [tilespmem:v60+s7+$0x0], $0xffff  }
0x19a: {  	v9 =	vadd.s32 $0x4000, v15;
	v29 =	vadd.s32 $0x5000, v15;
	v15 =	vadd.s32 $0x6000, v15;
	s23 =	sadd.s32 s12, s26;
	[tilespmem:s31+$0x0] =	vst v11;
	v13 =	vld.idx.msk [tilespmem:v18+s7+$0x0], $0xffff  }
0x19b: {  	v1 =	vmov v15;
	v15 =	vadd.s32 $0x3000, v0;
	[tilespmem:s23+$0x0] =	vst v24;
	v11 =	vld.idx.msk [tilespmem:v21+s7+$0x0], $0xffff  }
0x19c: {  	s6 =	sadd.s32 s14, s2;
	s26 =	rddreg [dreg:$0x17];
	v63 =	vld.idx.msk [tilespmem:v25+s7+$0x0], $0xffff;
	[tilespmem:s4+$0x0] =	vst v61  }
0x19d: {  	v22 =	vadd.s32 $0x3000, v17;
	s2 =	sadd.s32 s15, s2;
	s13 =	smov.u32 s24;
	s28 =	sadd.s32 s11, s26;
	[tilespmem:s6+$0x0] =	vst v62  }
0x19e: {  	p0 =	slt.u32 s17, $0x78;
	v8 =	vadd.s32 $0x4000, v17;
	v33 =	vadd.s32 $0x5000, v17;
	v28 =	vadd.s32 $0x3000, v10;
	s14 =	smov.u32 s21;
	s30 =	sadd.s32 s13, s28;
	v17 =	vld.idx.msk [tilespmem:v2+s7+$0x0], $0xffff;
	[tilespmem:s2+$0x0] =	vst v14  }
.Ltmp4:
0x19f: {  	s15 =	smov.u32 s22;
	s21 =	sadd.s32 s14, s28;
	[tilespmem:s30+$0x0] =	vst v12;
	(pc) =	sbr.rel @p0 .LBB2_11-.Ltmp4, $4  }
0x1a0: {  	v7 =	vadd.s32 $0x4000, v10;
	v32 =	vadd.s32 $0x5000, v10;
	v10 =	vadd.s32 $0x6000, v10;
	s31 =	sadd.s32 s15, s28;
	[tilespmem:s21+$0x0] =	vst v13;
	v13 =	vld.idx.msk [tilespmem:v15+s7+$0x0], $0xffff  }
0x1a1: {  	s29 =	sadd.s32 s12, s28;
	v2 =	vmov v10;
	[tilespmem:s31+$0x0] =	vst v11;
	v10 =	vld.idx.msk [tilespmem:v19+s7+$0x0], $0xffff  }
0x1a2: {  	[tilespmem:s29+$0x0] =	vst v63;
	v11 =	vld.idx.msk [tilespmem:v22+s7+$0x0], $0xffff  }
0x1a3: {  	v6 =	vmovc v33;
	v5 =	vmov v29;
	v4 =	vmov v32;
	s4 =	rddreg [dreg:$0x18];
	v14 =	vadd.s32 $0x4000, v0;
	v12 =	vld.idx.msk [tilespmem:v28+s7+$0x0], $0xffff;
	[tilespmem:s3+$0x0] =	vst v17  }
0x1a4: {  	_ = 	snop  }
0x1a5: {  	s2 =	sadd.s32 s11, s4  }
0x1a6: {  	s3 =	sadd.s32 s13, s2  }
0x1a7: {  	s4 =	sadd.s32 s14, s2;
	[tilespmem:s3+$0x0] =	vst v13  }
0x1a8: {  	s6 =	sadd.s32 s15, s2;
	v13 =	vld.idx.msk [tilespmem:v14+s7+$0x0], $0xffff;
	s3 =	rddreg [dreg:$0x19];
	[tilespmem:s4+$0x0] =	vst v10  }
0x1a9: {  	v56 =	vadd.s32 $0x5000, v0;
	s2 =	sadd.s32 s12, s2;
	[tilespmem:s6+$0x0] =	vst v11;
	v9 =	vld.idx.msk [tilespmem:v9+s7+$0x0], $0xffff  }
0x1aa: {  	[tilespmem:s2+$0x0] =	vst v12;
	v8 =	vld.idx.msk [tilespmem:v8+s7+$0x0], $0xffff  }
0x1ab: {  	s3 =	sadd.s32 s11, s3;
	v7 =	vld.idx.msk [tilespmem:v7+s7+$0x0], $0xffff  }
0x1ac: {  	s29 =	sadd.s32 s13, s3  }
0x1ad: {  	s30 =	sadd.s32 s14, s3;
	[tilespmem:s29+$0x0] =	vst v13  }
0x1ae: {  	s31 =	sadd.s32 s15, s3;
	v57 =	vld.idx.msk [tilespmem:v56+s7+$0x0], $0xffff;
	s4 =	rddreg [dreg:$0x1a];
	[tilespmem:s30+$0x0] =	vst v9  }
0x1af: {  	v58 =	vadd.s32 $0x6000, v0;
	s16 =	sadd.s32 s12, s3;
	[tilespmem:s31+$0x0] =	vst v8;
	v5 =	vld.idx.msk [tilespmem:v5+s7+$0x0], $0xffff  }
0x1b0: {  	[tilespmem:s16+$0x0] =	vst v7;
	v6 =	vld.idx.msk [tilespmem:v6+s7+$0x0], $0xffff  }
0x1b1: {  	s17 =	sadd.s32 s11, s4;
	v4 =	vld.idx.msk [tilespmem:v4+s7+$0x0], $0xffff  }
0x1b2: {  	s19 =	sadd.s32 s13, s17  }
0x1b3: {  	s21 =	sadd.s32 s14, s17;
	[tilespmem:s19+$0x0] =	vst v57  }
0x1b4: {  	s23 =	sadd.s32 s15, s17;
	s22 =	rddreg [dreg:$0x1b];
	v0 =	vld.idx.msk [tilespmem:v58+s7+$0x0], $0xffff;
	[tilespmem:s21+$0x0] =	vst v5  }
0x1b5: {  	s24 =	sadd.s32 s12, s17;
	[tilespmem:s23+$0x0] =	vst v6;
	v1 =	vld.idx.msk [tilespmem:v1+s7+$0x0], $0xffff  }
0x1b6: {  	v3 =	vld.idx.msk [tilespmem:v3+s7+$0x0], $0xffff;
	[tilespmem:s24+$0x0] =	vst v4  }
0x1b7: {  	s25 =	sadd.s32 s11, s22;
	v2 =	vld.idx.msk [tilespmem:v2+s7+$0x0], $0xffff  }
0x1b8: {  	s26 =	sadd.s32 s13, s25  }
0x1b9: {  	s4 =	sadd.s32 s14, s25;
	[tilespmem:s26+$0x0] =	vst v0  }
0x1ba: {  	s28 =	sadd.s32 s15, s25;
	[tilespmem:s4+$0x0] =	vst v1  }
0x1bb: {  	s29 =	sor.u32 s10, s9;
	s2 =	sadd.s32 s12, s25;
	[tilespmem:s28+$0x0] =	vst v3  }
0x1bc: {  	s30 =	sor.u32 $0x438, s29;
	[tilespmem:s2+$0x0] =	vst v2  }
0x1bd: {  	v0 =	vld [tilespmem:s30+$0x7000];
	_ =	sdelay $0x7  }
0x1be: {  	v1 =	vld.idx.msk [tilespmem:v0+s7+$0x0], $0xffff  }
0x1bf: {  	v59 =	vadd.s32 $0x1000, v0;
	_ =	sdelay $0x3  }
0x1c0: {  	[tilespmem:s30+$0x9000] =	vst v1  }
0x1c1: {  	v1 =	vld.idx.msk [tilespmem:v59+s7+$0x0], $0xffff  }
0x1c2: {  	v60 =	vadd.s32 $0x2000, v0;
	_ =	sdelay $0x2  }
0x1c3: {  	s31 =	sadd.s32 s8, s18  }
0x1c4: {  	[tilespmem:s31+$0x1438] =	vst v1  }
0x1c5: {  	v1 =	vld.idx.msk [tilespmem:v60+s7+$0x0], $0xffff  }
0x1c6: {  	v61 =	vadd.s32 $0x3000, v0;
	_ =	sdelay $0x3  }
0x1c7: {  	[tilespmem:s31+$0x2438] =	vst v1  }
0x1c8: {  	v1 =	vld.idx.msk [tilespmem:v61+s7+$0x0], $0xffff  }
0x1c9: {  	v62 =	vadd.s32 $0x4000, v0;
	_ =	sdelay $0x3  }
0x1ca: {  	[tilespmem:s31+$0x3438] =	vst v1  }
0x1cb: {  	v1 =	vld.idx.msk [tilespmem:v62+s7+$0x0], $0xffff  }
0x1cc: {  	v63 =	vadd.s32 $0x5000, v0;
	_ =	sdelay $0x3  }
0x1cd: {  	[tilespmem:s31+$0x4438] =	vst v1  }
0x1ce: {  	v1 =	vld.idx.msk [tilespmem:v63+s7+$0x0], $0xffff  }
0x1cf: {  	v0 =	vadd.s32 $0x6000, v0;
	_ =	sdelay $0x3  }
0x1d0: {  	s0 =	sadd.s32 $0x1, s0;
	[tilespmem:s31+$0x5438] =	vst v1  }
0x1d1: {  	p0 =	sne.s32 s0, $0x10;
	v0 =	vld.idx.msk [tilespmem:v0+s7+$0x0], $0xffff  }
.Ltmp5:
0x1d2: {  	_ = 	snop;
	(pc) =	sbr.rel @p0 .LBB2_10-.Ltmp5, $2  }
0x1d3: {  	_ =	sdelay $0x2  }
0x1d4: {  	[tilespmem:s31+$0x6438] =	vst v0  }
0x1d5: {  	s0 =	sld [smem:$0x7F3]  }
0x1d6: {  	s2 =	simm.s32 $0x1000  }
0x1d7: {  	s3 =	simm.s32 $0x100000;
	s4 =	simm.s32 $0x9000;
	s29 =	simm.s32 $0x2  }
0x1d8: {  	[hbm4b:s0+s2] =	stream.strided.scatter [tilespmem:s4], [sflag:$0x3], $0x7000, s3, s2, $0x38;
	[tilespmem:$0x17000] =	vst v63  }
0x1d9: {  	_ =	swait.ge [sflag:s29], $0x1000  }
0x1da: {  	s30 =	sld [smem:$0x7F4]  }
0x1db: {  	[sflag:s29] =	ssyncset.done $0x0  }
0x1dc: {  	s5 =	simm.s32 $0x0;
	s31 =	simm.s32 $0x7000;
	[sflag:s29] =	ssyncadd.s32 $0xFFFFF000  }
0x1dd: {  	[tilespmem:s31], [sflag:$0x1] =	stream.linear.gather [hbm4b:s30+s5], $0x1000, $0x38;
	[tilespmem:$0x17000] =	vst v63  }
0x1de: {  	_ =	swait.ge [sflag:s1], $0x7000  }
0x1df: {  	[sflag:s1] =	ssyncset.done $0x0  }
0x1e0: {  	s0 =	simm.s32 $0x0;
	[sflag:s1] =	ssyncadd.s32 $0xFFFF9000  }
.LBB2_14:
0x1e1: {  	s2 =	sshll.u32 s0, $0x8;
	s9 =	sshll.u32 s0, $0x7  }
0x1e2: {  	s10 =	sand.u32 $0x800, s2;
	s8 =	sand.u32 $0x380, s9  }
0x1e3: {  	s16 =	sor.u32 s10, s8  }
0x1e4: {  	s17 =	sor.u32 $0x11000, s16  }
0x1e5: {  	s11 =	sand.u32 $0x400, s5;
	s18 =	sor.u32 $0x12000, s16;
	[dreg:$0x1c] =	wrdreg s17  }
0x1e6: {  	s19 =	sor.u32 $0x13000, s16;
	s21 =	sor.u32 $0x14000, s16;
	[dreg:$0x1d] =	wrdreg s18  }
0x1e7: {  	s22 =	sor.u32 $0x15000, s16;
	[dreg:$0x1e] =	wrdreg s19;
	s17 =	simm.s32 $0x0  }
0x1e8: {  	s23 =	sor.u32 $0x16000, s16;
	[dreg:$0x1f] =	wrdreg s21;
	s12 =	sand.u32 $0x40, s17  }
0x1e9: {  	s3 =	sor.u32 s11, s16;
	[smem:$0x7EB] =	sst s22;
	s13 =	sor.u32 $0x30, s12  }
0x1ea: {  	[smem:$0x7EC] =	sst s23;
	s14 =	sor.u32 $0x10, s12;
	s24 =	sor.u32 s13, s3  }
0x1eb: {  	s4 =	sor.u32 s14, s3;
	v0 =	vld [tilespmem:s24+$0x8000]  }
0x1ec: {  	v1 =	vld [tilespmem:s4+$0x8000]  }
0x1ed: {  	s15 =	sor.u32 $0x20, s12  }
0x1ee: {  	s6 =	sor.u32 s15, s3  }
0x1ef: {  	s3 =	sor.u32 s12, s3;
	v3 =	vld [tilespmem:s6+$0x8000]  }
0x1f0: {  	v2 =	vld [tilespmem:s3+$0x8000];
	_ =	sdelay $0x2  }
0x1f1: {  	v4 =	vld.idx.msk [tilespmem:v0+s7+$0x0], $0xffff  }
0x1f2: {  	v5 =	vld.idx.msk [tilespmem:v1+s7+$0x0], $0xffff  }
0x1f3: {  	v6 =	vadd.s32 $0x1000, v0  }
0x1f4: {  	v7 =	vadd.s32 $0x1000, v1  }
0x1f5: {  	v8 =	vld.idx.msk [tilespmem:v3+s7+$0x0], $0xffff  }
0x1f6: {  	v9 =	vld.idx.msk [tilespmem:v2+s7+$0x0], $0xffff;
	[tilespmem:s24+$0x10000] =	vst v4;
	v4 =	vadd.s32 $0x1000, v3  }
0x1f7: {  	[tilespmem:s4+$0x10000] =	vst v5;
	v5 =	vadd.s32 $0x1000, v2  }
0x1f8: {  	v6 =	vld.idx.msk [tilespmem:v6+s7+$0x0], $0xffff  }
0x1f9: {  	v7 =	vld.idx.msk [tilespmem:v7+s7+$0x0], $0xffff  }
0x1fa: {  	v11 =	vadd.s32 $0x2000, v1;
	s2 =	rddreg [dreg:$0x1c];
	[tilespmem:s6+$0x10000] =	vst v8  }
0x1fb: {  	v10 =	vadd.s32 $0x2000, v0;
	[tilespmem:s3+$0x10000] =	vst v9;
	s2 =	sadd.s32 s11, s2;
	v4 =	vld.idx.msk [tilespmem:v4+s7+$0x0], $0xffff  }
0x1fc: {  	v8 =	vadd.s32 $0x2000, v3;
	s25 =	sadd.s32 s13, s2;
	v5 =	vld.idx.msk [tilespmem:v5+s7+$0x0], $0xffff  }
0x1fd: {  	s26 =	sadd.s32 s14, s2;
	[tilespmem:s25+$0x0] =	vst v6;
	v6 =	vadd.s32 $0x2000, v2  }
0x1fe: {  	[tilespmem:s26+$0x0] =	vst v7  }
0x1ff: {  	s28 =	sadd.s32 s15, s2;
	v9 =	vld.idx.msk [tilespmem:v11+s7+$0x0], $0xffff  }
0x200: {  	s2 =	sadd.s32 s12, s2;
	v7 =	vld.idx.msk [tilespmem:v10+s7+$0x0], $0xffff;
	s3 =	rddreg [dreg:$0x1d];
	v10 =	vadd.s32 $0x3000, v1;
	[tilespmem:s28+$0x0] =	vst v4  }
0x201: {  	v4 =	vadd.s32 $0x3000, v0;
	[tilespmem:s2+$0x0] =	vst v5;
	v11 =	vld.idx.msk [tilespmem:v8+s7+$0x0], $0xffff  }
0x202: {  	v12 =	vadd.s32 $0x3000, v3;
	s29 =	sadd.s32 s11, s3;
	v14 =	vld.idx.msk [tilespmem:v6+s7+$0x0], $0xffff  }
0x203: {  	v15 =	vadd.s32 $0x3000, v2;
	s30 =	sadd.s32 s14, s29  }
0x204: {  	s3 =	sadd.s32 s13, s29;
	[tilespmem:s30+$0x0] =	vst v9  }
0x205: {  	s31 =	sadd.s32 s15, s29;
	v5 =	vadd.s32 $0x5000, v1;
	[tilespmem:s3+$0x0] =	vst v7;
	v10 =	vld.idx.msk [tilespmem:v10+s7+$0x0], $0xffff  }
0x206: {  	s2 =	sadd.s32 s12, s29;
	v8 =	vadd.s32 $0x4000, v3;
	v6 =	vadd.s32 $0x5000, v3;
	v3 =	vadd.s32 $0x6000, v3;
	s4 =	rddreg [dreg:$0x1e];
	v13 =	vld.idx.msk [tilespmem:v4+s7+$0x0], $0xffff;
	[tilespmem:s31+$0x0] =	vst v11  }
0x207: {  	v9 =	vadd.s32 $0x4000, v1;
	v7 =	vadd.s32 $0x4000, v2;
	v1 =	vadd.s32 $0x6000, v1;
	[tilespmem:s2+$0x0] =	vst v14;
	v11 =	vld.idx.msk [tilespmem:v12+s7+$0x0], $0xffff  }
0x208: {  	s18 =	sor.u32 $0x10000, s10;
	s19 =	simm.s32 $0x0;
	v4 =	vadd.s32 $0x5000, v2;
	v2 =	vadd.s32 $0x6000, v2;
	v14 =	vadd.s32 $0x4000, v0;
	v12 =	vld.idx.msk [tilespmem:v15+s7+$0x0], $0xffff  }
.LBB2_15:
0x209: {  	s17 =	sadd.s32 $0x40, s17;
	s19 =	sadd.s32 $0x200, s19  }
0x20a: {  	s25 =	sand.u32 $0x40, s17;
	s26 =	sand.u32 $0x400, s19  }
0x20b: {  	s2 =	sadd.s32 s11, s4;
	s29 =	sor.u32 s26, s16;
	s22 =	sor.u32 $0x20, s25  }
0x20c: {  	s3 =	sadd.s32 s13, s2;
	s6 =	sor.u32 s22, s29  }
0x20d: {  	s24 =	sor.u32 $0x30, s25;
	[tilespmem:s3+$0x0] =	vst v13;
	v17 =	vld [tilespmem:s6+$0x8000]  }
0x20e: {  	s21 =	sor.u32 $0x10, s25;
	s30 =	sor.u32 s24, s29;
	v13 =	vld.idx.msk [tilespmem:v14+s7+$0x0], $0xffff  }
0x20f: {  	s3 =	sor.u32 s21, s29;
	v14 =	vld [tilespmem:s30+$0x8000]  }
0x210: {  	v16 =	vadd.s32 $0x5000, v0;
	s28 =	sor.u32 s25, s29;
	s29 =	sadd.s32 s14, s2;
	v15 =	vld [tilespmem:s3+$0x8000]  }
0x211: {  	s31 =	rddreg [dreg:$0x1f];
	s23 =	sadd.s32 s12, s2;
	s2 =	sadd.s32 s15, s2;
	[tilespmem:s29+$0x0] =	vst v10;
	v10 =	vld [tilespmem:s28+$0x8000]  }
0x212: {  	s4 =	sadd.s32 s11, s31;
	[tilespmem:s2+$0x0] =	vst v11;
	v11 =	vld.idx.msk [tilespmem:v9+s7+$0x0], $0xffff  }
0x213: {  	[tilespmem:s23+$0x0] =	vst v12;
	s29 =	sadd.s32 s13, s4;
	v12 =	vld.idx.msk [tilespmem:v8+s7+$0x0], $0xffff  }
0x214: {  	v23 =	vld.idx.msk [tilespmem:v7+s7+$0x0], $0xffff;
	[tilespmem:s29+$0x0] =	vst v13  }
0x215: {  	v16 =	vld.idx.msk [tilespmem:v16+s7+$0x0], $0xffff  }
0x216: {  	s29 =	sld [smem:$0x7EB];
	v30 =	vld.idx.msk [tilespmem:v17+s7+$0x0], $0xffff  }
0x217: {  	s31 =	sadd.s32 s15, s4;
	v26 =	vld.idx.msk [tilespmem:v14+s7+$0x0], $0xffff  }
0x218: {  	v27 =	vadd.s32 $0x6000, v0;
	s23 =	sadd.s32 s14, s4;
	v0 =	vmov v14;
	[tilespmem:s31+$0x0] =	vst v12;
	v14 =	vld.idx.msk [tilespmem:v15+s7+$0x0], $0xffff  }
0x219: {  	s2 =	sadd.s32 s12, s4;
	v20 =	vadd.s32 $0x1000, v17;
	s29 =	sadd.s32 s11, s29;
	[tilespmem:s23+$0x0] =	vst v11;
	v11 =	vld.idx.msk [tilespmem:v10+s7+$0x0], $0xffff  }
0x21a: {  	v31 =	vadd.s32 $0x1000, v0;
	[tilespmem:s2+$0x0] =	vst v23;
	s31 =	sadd.s32 s13, s29  }
0x21b: {  	v13 =	vadd.s32 $0x1000, v15;
	v59 =	vld.idx.msk [tilespmem:v6+s7+$0x0], $0xffff;
	[tilespmem:s31+$0x0] =	vst v16  }
0x21c: {  	v24 =	vadd.s32 $0x1000, v10;
	v58 =	vld.idx.msk [tilespmem:v5+s7+$0x0], $0xffff;
	[tilespmem:s6+$0x10000] =	vst v30  }
0x21d: {  	v16 =	vld.idx.msk [tilespmem:v27+s7+$0x0], $0xffff;
	[tilespmem:s30+$0x10000] =	vst v26  }
0x21e: {  	s2 =	sld [smem:$0x7EC];
	[tilespmem:s28+$0x10000] =	vst v11;
	v11 =	vld.idx.msk [tilespmem:v20+s7+$0x0], $0xffff  }
0x21f: {  	[tilespmem:s3+$0x10000] =	vst v14;
	v14 =	vld.idx.msk [tilespmem:v31+s7+$0x0], $0xffff  }
0x220: {  	v60 =	vadd.s32 $0x2000, v0;
	s4 =	sadd.s32 s12, s29;
	s23 =	sadd.s32 s14, s29;
	s29 =	sadd.s32 s15, s29;
	v13 =	vld.idx.msk [tilespmem:v13+s7+$0x0], $0xffff  }
0x221: {  	v18 =	vadd.s32 $0x2000, v15;
	s31 =	rddreg [dreg:$0x1c];
	s2 =	sadd.s32 s11, s2;
	s11 =	smov.u32 s26;
	[tilespmem:s29+$0x0] =	vst v59;
	v24 =	vld.idx.msk [tilespmem:v24+s7+$0x0], $0xffff  }
0x222: {  	v21 =	vadd.s32 $0x2000, v17;
	s26 =	sadd.s32 s11, s31;
	[tilespmem:s23+$0x0] =	vst v58;
	s23 =	sadd.s32 s13, s2;
	v61 =	vld.idx.msk [tilespmem:v4+s7+$0x0], $0xffff  }
0x223: {  	v25 =	vadd.s32 $0x2000, v10;
	s30 =	sadd.s32 s24, s26;
	v62 =	vld.idx.msk [tilespmem:v1+s7+$0x0], $0xffff;
	[tilespmem:s23+$0x0] =	vst v16  }
0x224: {  	v12 =	vadd.s32 $0x6000, v17;
	s28 =	sadd.s32 s21, s26;
	[tilespmem:s30+$0x0] =	vst v14;
	v14 =	vld.idx.msk [tilespmem:v3+s7+$0x0], $0xffff  }
0x225: {  	v19 =	vadd.s32 $0x3000, v15;
	s3 =	sadd.s32 s12, s2;
	s12 =	smov.u32 s25;
	s31 =	sadd.s32 s22, s26;
	v3 =	vmov v12;
	[tilespmem:s28+$0x0] =	vst v13;
	v12 =	vld.idx.msk [tilespmem:v60+s7+$0x0], $0xffff  }
0x226: {  	v9 =	vadd.s32 $0x4000, v15;
	v29 =	vadd.s32 $0x5000, v15;
	v15 =	vadd.s32 $0x6000, v15;
	s23 =	sadd.s32 s12, s26;
	[tilespmem:s31+$0x0] =	vst v11;
	v13 =	vld.idx.msk [tilespmem:v18+s7+$0x0], $0xffff  }
0x227: {  	v1 =	vmov v15;
	v15 =	vadd.s32 $0x3000, v0;
	[tilespmem:s23+$0x0] =	vst v24;
	v11 =	vld.idx.msk [tilespmem:v21+s7+$0x0], $0xffff  }
0x228: {  	s6 =	sadd.s32 s14, s2;
	s26 =	rddreg [dreg:$0x1d];
	v63 =	vld.idx.msk [tilespmem:v25+s7+$0x0], $0xffff;
	[tilespmem:s4+$0x0] =	vst v61  }
0x229: {  	v22 =	vadd.s32 $0x3000, v17;
	s2 =	sadd.s32 s15, s2;
	s13 =	smov.u32 s24;
	s28 =	sadd.s32 s11, s26;
	[tilespmem:s6+$0x0] =	vst v62  }
0x22a: {  	p0 =	slt.u32 s17, $0x78;
	v8 =	vadd.s32 $0x4000, v17;
	v33 =	vadd.s32 $0x5000, v17;
	v28 =	vadd.s32 $0x3000, v10;
	s14 =	smov.u32 s21;
	s30 =	sadd.s32 s13, s28;
	v17 =	vld.idx.msk [tilespmem:v2+s7+$0x0], $0xffff;
	[tilespmem:s2+$0x0] =	vst v14  }
.Ltmp6:
0x22b: {  	s15 =	smov.u32 s22;
	s21 =	sadd.s32 s14, s28;
	[tilespmem:s30+$0x0] =	vst v12;
	(pc) =	sbr.rel @p0 .LBB2_15-.Ltmp6, $4  }
0x22c: {  	v7 =	vadd.s32 $0x4000, v10;
	v32 =	vadd.s32 $0x5000, v10;
	v10 =	vadd.s32 $0x6000, v10;
	s31 =	sadd.s32 s15, s28;
	[tilespmem:s21+$0x0] =	vst v13;
	v13 =	vld.idx.msk [tilespmem:v15+s7+$0x0], $0xffff  }
0x22d: {  	s29 =	sadd.s32 s12, s28;
	v2 =	vmov v10;
	[tilespmem:s31+$0x0] =	vst v11;
	v10 =	vld.idx.msk [tilespmem:v19+s7+$0x0], $0xffff  }
0x22e: {  	[tilespmem:s29+$0x0] =	vst v63;
	v11 =	vld.idx.msk [tilespmem:v22+s7+$0x0], $0xffff  }
0x22f: {  	v6 =	vmovc v33;
	v5 =	vmov v29;
	v4 =	vmov v32;
	s4 =	rddreg [dreg:$0x1e];
	v14 =	vadd.s32 $0x4000, v0;
	v12 =	vld.idx.msk [tilespmem:v28+s7+$0x0], $0xffff;
	[tilespmem:s3+$0x0] =	vst v17  }
0x230: {  	_ = 	snop  }
0x231: {  	s2 =	sadd.s32 s11, s4  }
0x232: {  	s3 =	sadd.s32 s13, s2  }
0x233: {  	s4 =	sadd.s32 s14, s2;
	[tilespmem:s3+$0x0] =	vst v13  }
0x234: {  	s6 =	sadd.s32 s15, s2;
	v13 =	vld.idx.msk [tilespmem:v14+s7+$0x0], $0xffff;
	s3 =	rddreg [dreg:$0x1f];
	[tilespmem:s4+$0x0] =	vst v10  }
0x235: {  	v56 =	vadd.s32 $0x5000, v0;
	s2 =	sadd.s32 s12, s2;
	[tilespmem:s6+$0x0] =	vst v11;
	v9 =	vld.idx.msk [tilespmem:v9+s7+$0x0], $0xffff  }
0x236: {  	[tilespmem:s2+$0x0] =	vst v12;
	v8 =	vld.idx.msk [tilespmem:v8+s7+$0x0], $0xffff  }
0x237: {  	s3 =	sadd.s32 s11, s3;
	v7 =	vld.idx.msk [tilespmem:v7+s7+$0x0], $0xffff  }
0x238: {  	s29 =	sadd.s32 s13, s3  }
0x239: {  	s30 =	sadd.s32 s14, s3;
	[tilespmem:s29+$0x0] =	vst v13  }
0x23a: {  	s31 =	sadd.s32 s15, s3;
	v57 =	vld.idx.msk [tilespmem:v56+s7+$0x0], $0xffff;
	s4 =	sld [smem:$0x7EB];
	[tilespmem:s30+$0x0] =	vst v9  }
0x23b: {  	v58 =	vadd.s32 $0x6000, v0;
	s16 =	sadd.s32 s12, s3;
	[tilespmem:s31+$0x0] =	vst v8;
	v5 =	vld.idx.msk [tilespmem:v5+s7+$0x0], $0xffff  }
0x23c: {  	[tilespmem:s16+$0x0] =	vst v7;
	v6 =	vld.idx.msk [tilespmem:v6+s7+$0x0], $0xffff  }
0x23d: {  	v4 =	vld.idx.msk [tilespmem:v4+s7+$0x0], $0xffff;
	s17 =	sadd.s32 s11, s4  }
0x23e: {  	s19 =	sadd.s32 s13, s17  }
0x23f: {  	s21 =	sadd.s32 s14, s17;
	[tilespmem:s19+$0x0] =	vst v57  }
0x240: {  	s23 =	sadd.s32 s15, s17;
	s22 =	sld [smem:$0x7EC];
	v0 =	vld.idx.msk [tilespmem:v58+s7+$0x0], $0xffff;
	[tilespmem:s21+$0x0] =	vst v5  }
0x241: {  	s24 =	sadd.s32 s12, s17;
	[tilespmem:s23+$0x0] =	vst v6;
	v1 =	vld.idx.msk [tilespmem:v1+s7+$0x0], $0xffff  }
0x242: {  	v3 =	vld.idx.msk [tilespmem:v3+s7+$0x0], $0xffff;
	[tilespmem:s24+$0x0] =	vst v4  }
0x243: {  	v2 =	vld.idx.msk [tilespmem:v2+s7+$0x0], $0xffff;
	s25 =	sadd.s32 s11, s22  }
0x244: {  	s26 =	sadd.s32 s13, s25  }
0x245: {  	s4 =	sadd.s32 s14, s25;
	[tilespmem:s26+$0x0] =	vst v0  }
0x246: {  	s28 =	sadd.s32 s15, s25;
	[tilespmem:s4+$0x0] =	vst v1  }
0x247: {  	s29 =	sor.u32 s10, s9;
	s2 =	sadd.s32 s12, s25;
	[tilespmem:s28+$0x0] =	vst v3  }
0x248: {  	s30 =	sor.u32 $0x438, s29;
	[tilespmem:s2+$0x0] =	vst v2  }
0x249: {  	v0 =	vld [tilespmem:s30+$0x8000];
	_ =	sdelay $0x7  }
0x24a: {  	v1 =	vld.idx.msk [tilespmem:v0+s7+$0x0], $0xffff  }
0x24b: {  	v59 =	vadd.s32 $0x1000, v0;
	_ =	sdelay $0x3  }
0x24c: {  	[tilespmem:s30+$0x10000] =	vst v1  }
0x24d: {  	v1 =	vld.idx.msk [tilespmem:v59+s7+$0x0], $0xffff  }
0x24e: {  	v60 =	vadd.s32 $0x2000, v0;
	_ =	sdelay $0x2  }
0x24f: {  	s31 =	sadd.s32 s8, s18  }
0x250: {  	[tilespmem:s31+$0x1438] =	vst v1  }
0x251: {  	v1 =	vld.idx.msk [tilespmem:v60+s7+$0x0], $0xffff  }
0x252: {  	v61 =	vadd.s32 $0x3000, v0;
	_ =	sdelay $0x3  }
0x253: {  	[tilespmem:s31+$0x2438] =	vst v1  }
0x254: {  	v1 =	vld.idx.msk [tilespmem:v61+s7+$0x0], $0xffff  }
0x255: {  	v62 =	vadd.s32 $0x4000, v0;
	_ =	sdelay $0x3  }
0x256: {  	[tilespmem:s31+$0x3438] =	vst v1  }
0x257: {  	v1 =	vld.idx.msk [tilespmem:v62+s7+$0x0], $0xffff  }
0x258: {  	v63 =	vadd.s32 $0x5000, v0;
	_ =	sdelay $0x3  }
0x259: {  	[tilespmem:s31+$0x4438] =	vst v1  }
0x25a: {  	v1 =	vld.idx.msk [tilespmem:v63+s7+$0x0], $0xffff  }
0x25b: {  	v0 =	vadd.s32 $0x6000, v0;
	_ =	sdelay $0x3  }
0x25c: {  	s0 =	sadd.s32 $0x1, s0;
	[tilespmem:s31+$0x5438] =	vst v1  }
0x25d: {  	p0 =	sne.s32 s0, $0x10;
	v0 =	vld.idx.msk [tilespmem:v0+s7+$0x0], $0xffff  }
.Ltmp7:
0x25e: {  	_ = 	snop;
	(pc) =	sbr.rel @p0 .LBB2_14-.Ltmp7, $2  }
0x25f: {  	_ =	sdelay $0x2  }
0x260: {  	[tilespmem:s31+$0x6438] =	vst v0  }
0x261: {  	s0 =	sld [smem:$0x7F5]  }
0x262: {  	s2 =	simm.s32 $0x1000  }
0x263: {  	s3 =	simm.s32 $0x100000;
	s4 =	simm.s32 $0x10000;
	s28 =	simm.s32 $0x1  }
0x264: {  	[hbm4b:s0+s2] =	stream.strided.scatter [tilespmem:s4], [sflag:$0x4], $0x7000, s3, s2, $0x38;
	[tilespmem:$0x17000] =	vst v63  }
0x265: {  	_ =	swait.ge [sflag:s28], $0x1000  }
0x266: {  	s29 =	sld [smem:$0x7F6]  }
0x267: {  	s5 =	simm.s32 $0x0;
	[sflag:s28] =	ssyncset.done $0x0  }
0x268: {  	s30 =	simm.s32 $0x8000;
	s31 =	simm.s32 $0x3;
	[sflag:s28] =	ssyncadd.s32 $0xFFFFF000  }
0x269: {  	[tilespmem:s30], [sflag:$0x2] =	stream.linear.gather [hbm4b:s29+s5], $0x1000, $0x38;
	[tilespmem:$0x17000] =	vst v63  }
0x26a: {  	_ =	swait.ge [sflag:s31], $0x7000  }
0x26b: {  	[sflag:s31] =	ssyncset.done $0x0  }
0x26c: {  	s0 =	simm.s32 $0x0;
	[sflag:s31] =	ssyncadd.s32 $0xFFFF9000  }
.LBB2_18:
0x26d: {  	s2 =	sshll.u32 s0, $0x8;
	s9 =	sshll.u32 s0, $0x7  }
0x26e: {  	s10 =	sand.u32 $0x800, s2;
	s8 =	sand.u32 $0x380, s9  }
0x26f: {  	s16 =	sor.u32 s10, s8  }
0x270: {  	s17 =	sor.u32 $0xA000, s16  }
0x271: {  	s11 =	sand.u32 $0x400, s5;
	s18 =	sor.u32 $0xB000, s16;
	[smem:$0x7E8] =	sst s17  }
0x272: {  	s19 =	sor.u32 $0xC000, s16;
	s21 =	sor.u32 $0xD000, s16;
	[smem:$0x7E9] =	sst s18  }
0x273: {  	s22 =	sor.u32 $0xE000, s16;
	[smem:$0x7EA] =	sst s19;
	s17 =	simm.s32 $0x0  }
0x274: {  	s23 =	sor.u32 $0xF000, s16;
	[smem:$0x7E5] =	sst s21;
	s12 =	sand.u32 $0x40, s17  }
0x275: {  	s3 =	sor.u32 s11, s16;
	[smem:$0x7E6] =	sst s22;
	s13 =	sor.u32 $0x30, s12  }
0x276: {  	[smem:$0x7E7] =	sst s23;
	s14 =	sor.u32 $0x10, s12;
	s24 =	sor.u32 s13, s3  }
0x277: {  	s4 =	sor.u32 s14, s3;
	v0 =	vld [tilespmem:s24+$0x7000]  }
0x278: {  	v1 =	vld [tilespmem:s4+$0x7000]  }
0x279: {  	s15 =	sor.u32 $0x20, s12  }
0x27a: {  	s6 =	sor.u32 s15, s3  }
0x27b: {  	s3 =	sor.u32 s12, s3;
	v3 =	vld [tilespmem:s6+$0x7000]  }
0x27c: {  	v2 =	vld [tilespmem:s3+$0x7000];
	_ =	sdelay $0x2  }
0x27d: {  	v4 =	vld.idx.msk [tilespmem:v0+s7+$0x0], $0xffff  }
0x27e: {  	v5 =	vld.idx.msk [tilespmem:v1+s7+$0x0], $0xffff  }
0x27f: {  	v6 =	vadd.s32 $0x1000, v0  }
0x280: {  	v7 =	vadd.s32 $0x1000, v1  }
0x281: {  	v8 =	vld.idx.msk [tilespmem:v3+s7+$0x0], $0xffff  }
0x282: {  	v9 =	vld.idx.msk [tilespmem:v2+s7+$0x0], $0xffff;
	[tilespmem:s24+$0x9000] =	vst v4;
	v4 =	vadd.s32 $0x1000, v3  }
0x283: {  	[tilespmem:s4+$0x9000] =	vst v5;
	v5 =	vadd.s32 $0x1000, v2  }
0x284: {  	v6 =	vld.idx.msk [tilespmem:v6+s7+$0x0], $0xffff;
	s2 =	sld [smem:$0x7E8]  }
0x285: {  	v7 =	vld.idx.msk [tilespmem:v7+s7+$0x0], $0xffff  }
0x286: {  	v11 =	vadd.s32 $0x2000, v1;
	[tilespmem:s6+$0x9000] =	vst v8  }
0x287: {  	v10 =	vadd.s32 $0x2000, v0;
	[tilespmem:s3+$0x9000] =	vst v9;
	s2 =	sadd.s32 s11, s2;
	v4 =	vld.idx.msk [tilespmem:v4+s7+$0x0], $0xffff  }
0x288: {  	v8 =	vadd.s32 $0x2000, v3;
	s25 =	sadd.s32 s13, s2;
	v5 =	vld.idx.msk [tilespmem:v5+s7+$0x0], $0xffff  }
0x289: {  	s26 =	sadd.s32 s14, s2;
	[tilespmem:s25+$0x0] =	vst v6;
	v6 =	vadd.s32 $0x2000, v2  }
0x28a: {  	[tilespmem:s26+$0x0] =	vst v7  }
0x28b: {  	s28 =	sadd.s32 s15, s2;
	s3 =	sld [smem:$0x7E9];
	v9 =	vld.idx.msk [tilespmem:v11+s7+$0x0], $0xffff  }
0x28c: {  	s2 =	sadd.s32 s12, s2;
	v7 =	vld.idx.msk [tilespmem:v10+s7+$0x0], $0xffff;
	v10 =	vadd.s32 $0x3000, v1;
	[tilespmem:s28+$0x0] =	vst v4  }
0x28d: {  	v4 =	vadd.s32 $0x3000, v0;
	[tilespmem:s2+$0x0] =	vst v5;
	v11 =	vld.idx.msk [tilespmem:v8+s7+$0x0], $0xffff  }
0x28e: {  	v12 =	vadd.s32 $0x3000, v3;
	s29 =	sadd.s32 s11, s3;
	v14 =	vld.idx.msk [tilespmem:v6+s7+$0x0], $0xffff  }
0x28f: {  	v15 =	vadd.s32 $0x3000, v2;
	s30 =	sadd.s32 s14, s29  }
0x290: {  	s3 =	sadd.s32 s13, s29;
	[tilespmem:s30+$0x0] =	vst v9  }
0x291: {  	v5 =	vadd.s32 $0x5000, v1;
	s31 =	sadd.s32 s15, s29;
	[tilespmem:s3+$0x0] =	vst v7;
	v10 =	vld.idx.msk [tilespmem:v10+s7+$0x0], $0xffff  }
0x292: {  	v8 =	vadd.s32 $0x4000, v3;
	s2 =	sadd.s32 s12, s29;
	v6 =	vadd.s32 $0x5000, v3;
	v3 =	vadd.s32 $0x6000, v3;
	s4 =	sld [smem:$0x7EA];
	v13 =	vld.idx.msk [tilespmem:v4+s7+$0x0], $0xffff;
	[tilespmem:s31+$0x0] =	vst v11  }
0x293: {  	v9 =	vadd.s32 $0x4000, v1;
	v7 =	vadd.s32 $0x4000, v2;
	[tilespmem:s2+$0x0] =	vst v14;
	v14 =	vadd.s32 $0x4000, v0;
	v11 =	vld.idx.msk [tilespmem:v12+s7+$0x0], $0xffff  }
0x294: {  	s18 =	sor.u32 $0x9000, s10;
	s19 =	simm.s32 $0x0;
	v1 =	vadd.s32 $0x6000, v1;
	v4 =	vadd.s32 $0x5000, v2;
	v2 =	vadd.s32 $0x6000, v2;
	v12 =	vld.idx.msk [tilespmem:v15+s7+$0x0], $0xffff  }
.LBB2_19:
0x295: {  	s17 =	sadd.s32 $0x40, s17;
	s2 =	sadd.s32 s11, s4;
	s19 =	sadd.s32 $0x200, s19  }
0x296: {  	s25 =	sand.u32 $0x40, s17;
	s26 =	sand.u32 $0x400, s19;
	s3 =	sadd.s32 s13, s2  }
0x297: {  	s4 =	sor.u32 s26, s16;
	s21 =	sor.u32 $0x10, s25;
	s24 =	sor.u32 $0x30, s25;
	[tilespmem:s3+$0x0] =	vst v13  }
0x298: {  	s22 =	sor.u32 $0x20, s25;
	s3 =	sor.u32 s21, s4;
	s30 =	sor.u32 s24, s4;
	v13 =	vld.idx.msk [tilespmem:v14+s7+$0x0], $0xffff  }
0x299: {  	s28 =	sor.u32 s25, s4;
	s6 =	sor.u32 s22, s4;
	v14 =	vld [tilespmem:s30+$0x7000];
	s4 =	sld [smem:$0x7E5]  }
0x29a: {  	v16 =	vadd.s32 $0x5000, v0;
	s23 =	sadd.s32 s12, s2;
	s29 =	sadd.s32 s14, s2;
	s2 =	sadd.s32 s15, s2;
	v15 =	vld [tilespmem:s3+$0x7000]  }
0x29b: {  	p0 =	slt.u32 s17, $0x78;
	v17 =	vld [tilespmem:s6+$0x7000];
	[tilespmem:s29+$0x0] =	vst v10  }
0x29c: {  	v10 =	vld [tilespmem:s28+$0x7000];
	s4 =	sadd.s32 s11, s4;
	[tilespmem:s2+$0x0] =	vst v11  }
0x29d: {  	[tilespmem:s23+$0x0] =	vst v12;
	s2 =	sadd.s32 s12, s4;
	v11 =	vld.idx.msk [tilespmem:v9+s7+$0x0], $0xffff;
	s23 =	sadd.s32 s14, s4;
	s29 =	sadd.s32 s13, s4  }
0x29e: {  	s31 =	sadd.s32 s15, s4;
	v12 =	vld.idx.msk [tilespmem:v8+s7+$0x0], $0xffff;
	[tilespmem:s29+$0x0] =	vst v13  }
0x29f: {  	v13 =	vadd.s32 $0x1000, v15;
	v18 =	vadd.s32 $0x2000, v15;
	v19 =	vadd.s32 $0x3000, v15;
	v16 =	vld.idx.msk [tilespmem:v16+s7+$0x0], $0xffff  }
0x2a0: {  	v20 =	vadd.s32 $0x1000, v17;
	v21 =	vadd.s32 $0x2000, v17;
	v22 =	vadd.s32 $0x3000, v17;
	v23 =	vld.idx.msk [tilespmem:v7+s7+$0x0], $0xffff;
	s4 =	sld [smem:$0x7E6]  }
0x2a1: {  	v27 =	vadd.s32 $0x6000, v0;
	v0 =	vmovc v14;
	v24 =	vadd.s32 $0x1000, v10;
	v25 =	vadd.s32 $0x2000, v10;
	v26 =	vld.idx.msk [tilespmem:v14+s7+$0x0], $0xffff  }
0x2a2: {  	v9 =	vadd.s32 $0x4000, v15;
	v8 =	vadd.s32 $0x4000, v17;
	v28 =	vadd.s32 $0x3000, v10;
	v14 =	vld.idx.msk [tilespmem:v15+s7+$0x0], $0xffff  }
0x2a3: {  	v29 =	vadd.s32 $0x5000, v15;
	v31 =	vadd.s32 $0x1000, v0;
	v7 =	vadd.s32 $0x4000, v10;
	v30 =	vld.idx.msk [tilespmem:v17+s7+$0x0], $0xffff;
	s29 =	sadd.s32 s11, s4;
	[tilespmem:s23+$0x0] =	vst v11  }
0x2a4: {  	v33 =	vadd.s32 $0x5000, v17;
	v32 =	vadd.s32 $0x5000, v10;
	v15 =	vadd.s32 $0x6000, v15;
	v11 =	vld.idx.msk [tilespmem:v10+s7+$0x0], $0xffff;
	s4 =	sadd.s32 s12, s29;
	s23 =	sadd.s32 s14, s29;
	[tilespmem:s31+$0x0] =	vst v12;
	s31 =	sadd.s32 s13, s29  }
0x2a5: {  	v10 =	vadd.s32 $0x6000, v10;
	v12 =	vadd.s32 $0x6000, v17;
	s29 =	sadd.s32 s15, s29;
	v17 =	vld.idx.msk [tilespmem:v5+s7+$0x0], $0xffff;
	[tilespmem:s31+$0x0] =	vst v16;
	v5 =	vmov v29  }
0x2a6: {  	[tilespmem:s2+$0x0] =	vst v23;
	v16 =	vld.idx.msk [tilespmem:v27+s7+$0x0], $0xffff  }
0x2a7: {  	[tilespmem:s30+$0x9000] =	vst v26;
	s2 =	sld [smem:$0x7E7];
	v23 =	vld.idx.msk [tilespmem:v6+s7+$0x0], $0xffff;
	v6 =	vmov v33  }
0x2a8: {  	[tilespmem:s3+$0x9000] =	vst v14;
	v14 =	vld.idx.msk [tilespmem:v31+s7+$0x0], $0xffff  }
0x2a9: {  	s30 =	sld [smem:$0x7E8];
	v13 =	vld.idx.msk [tilespmem:v13+s7+$0x0], $0xffff;
	[tilespmem:s6+$0x9000] =	vst v30  }
0x2aa: {  	[tilespmem:s28+$0x9000] =	vst v11;
	v11 =	vld.idx.msk [tilespmem:v20+s7+$0x0], $0xffff;
	v20 =	vadd.s32 $0x2000, v0;
	s2 =	sadd.s32 s11, s2;
	s11 =	smov.u32 s26  }
0x2ab: {  	v24 =	vld.idx.msk [tilespmem:v24+s7+$0x0], $0xffff;
	s3 =	sadd.s32 s12, s2;
	[tilespmem:s23+$0x0] =	vst v17;
	s6 =	sadd.s32 s14, s2;
	s12 =	sadd.s32 s13, s2  }
0x2ac: {  	s2 =	sadd.s32 s15, s2;
	s13 =	sadd.s32 s11, s30;
	v17 =	vld.idx.msk [tilespmem:v4+s7+$0x0], $0xffff;
	[tilespmem:s12+$0x0] =	vst v16;
	v4 =	vmov v32;
	s12 =	smov.u32 s25  }
0x2ad: {  	s23 =	sadd.s32 s12, s13;
	s15 =	sadd.s32 s21, s13;
	s14 =	sadd.s32 s24, s13;
	v16 =	vld.idx.msk [tilespmem:v1+s7+$0x0], $0xffff;
	[tilespmem:s29+$0x0] =	vst v23;
	v1 =	vmov v15  }
0x2ae: {  	s25 =	sadd.s32 s22, s13;
	s13 =	smov.u32 s24;
	[tilespmem:s14+$0x0] =	vst v14;
	v14 =	vld.idx.msk [tilespmem:v3+s7+$0x0], $0xffff;
	v3 =	vmov v12;
	s14 =	smov.u32 s21  }
0x2af: {  	[tilespmem:s15+$0x0] =	vst v13;
	v12 =	vld.idx.msk [tilespmem:v20+s7+$0x0], $0xffff;
	s15 =	smov.u32 s22  }
0x2b0: {  	s21 =	sld [smem:$0x7E9];
	v13 =	vld.idx.msk [tilespmem:v18+s7+$0x0], $0xffff;
	[tilespmem:s25+$0x0] =	vst v11  }
0x2b1: {  	v15 =	vadd.s32 $0x3000, v0;
	[tilespmem:s23+$0x0] =	vst v24;
	v11 =	vld.idx.msk [tilespmem:v21+s7+$0x0], $0xffff  }
0x2b2: {  	v18 =	vld.idx.msk [tilespmem:v25+s7+$0x0], $0xffff;
	[tilespmem:s4+$0x0] =	vst v17  }
0x2b3: {  	s4 =	sadd.s32 s11, s21;
	v17 =	vld.idx.msk [tilespmem:v2+s7+$0x0], $0xffff;
	[tilespmem:s6+$0x0] =	vst v16;
	v2 =	vmov v10  }
0x2b4: {  	s6 =	sadd.s32 s12, s4;
	s21 =	sadd.s32 s14, s4;
	s22 =	sadd.s32 s13, s4;
	[tilespmem:s2+$0x0] =	vst v14  }
.Ltmp8:
0x2b5: {  	s2 =	sadd.s32 s15, s4;
	[tilespmem:s22+$0x0] =	vst v12;
	(pc) =	sbr.rel @p0 .LBB2_19-.Ltmp8, $4  }
0x2b6: {  	[tilespmem:s21+$0x0] =	vst v13;
	v13 =	vld.idx.msk [tilespmem:v15+s7+$0x0], $0xffff  }
0x2b7: {  	s4 =	sld [smem:$0x7EA];
	v10 =	vld.idx.msk [tilespmem:v19+s7+$0x0], $0xffff;
	[tilespmem:s2+$0x0] =	vst v11  }
0x2b8: {  	v14 =	vadd.s32 $0x4000, v0;
	[tilespmem:s6+$0x0] =	vst v18;
	v11 =	vld.idx.msk [tilespmem:v22+s7+$0x0], $0xffff  }
0x2b9: {  	v12 =	vld.idx.msk [tilespmem:v28+s7+$0x0], $0xffff;
	[tilespmem:s3+$0x0] =	vst v17  }
0x2ba: {  	_ = 	snop  }
0x2bb: {  	s2 =	sadd.s32 s11, s4  }
0x2bc: {  	s3 =	sadd.s32 s13, s2  }
0x2bd: {  	s4 =	sadd.s32 s14, s2;
	[tilespmem:s3+$0x0] =	vst v13  }
0x2be: {  	s6 =	sadd.s32 s15, s2;
	v13 =	vld.idx.msk [tilespmem:v14+s7+$0x0], $0xffff;
	s3 =	sld [smem:$0x7E5];
	[tilespmem:s4+$0x0] =	vst v10  }
0x2bf: {  	v56 =	vadd.s32 $0x5000, v0;
	s2 =	sadd.s32 s12, s2;
	[tilespmem:s6+$0x0] =	vst v11;
	v9 =	vld.idx.msk [tilespmem:v9+s7+$0x0], $0xffff  }
0x2c0: {  	[tilespmem:s2+$0x0] =	vst v12;
	v8 =	vld.idx.msk [tilespmem:v8+s7+$0x0], $0xffff  }
0x2c1: {  	v7 =	vld.idx.msk [tilespmem:v7+s7+$0x0], $0xffff;
	s3 =	sadd.s32 s11, s3  }
0x2c2: {  	s29 =	sadd.s32 s13, s3  }
0x2c3: {  	s30 =	sadd.s32 s14, s3;
	[tilespmem:s29+$0x0] =	vst v13  }
0x2c4: {  	s31 =	sadd.s32 s15, s3;
	v57 =	vld.idx.msk [tilespmem:v56+s7+$0x0], $0xffff;
	s4 =	sld [smem:$0x7E6];
	[tilespmem:s30+$0x0] =	vst v9  }
0x2c5: {  	v58 =	vadd.s32 $0x6000, v0;
	s16 =	sadd.s32 s12, s3;
	[tilespmem:s31+$0x0] =	vst v8;
	v5 =	vld.idx.msk [tilespmem:v5+s7+$0x0], $0xffff  }
0x2c6: {  	[tilespmem:s16+$0x0] =	vst v7;
	v6 =	vld.idx.msk [tilespmem:v6+s7+$0x0], $0xffff  }
0x2c7: {  	v4 =	vld.idx.msk [tilespmem:v4+s7+$0x0], $0xffff;
	s17 =	sadd.s32 s11, s4  }
0x2c8: {  	s19 =	sadd.s32 s13, s17  }
0x2c9: {  	s21 =	sadd.s32 s14, s17;
	[tilespmem:s19+$0x0] =	vst v57  }
0x2ca: {  	s23 =	sadd.s32 s15, s17;
	s22 =	sld [smem:$0x7E7];
	v0 =	vld.idx.msk [tilespmem:v58+s7+$0x0], $0xffff;
	[tilespmem:s21+$0x0] =	vst v5  }
0x2cb: {  	s24 =	sadd.s32 s12, s17;
	[tilespmem:s23+$0x0] =	vst v6;
	v1 =	vld.idx.msk [tilespmem:v1+s7+$0x0], $0xffff  }
0x2cc: {  	v3 =	vld.idx.msk [tilespmem:v3+s7+$0x0], $0xffff;
	[tilespmem:s24+$0x0] =	vst v4  }
0x2cd: {  	v2 =	vld.idx.msk [tilespmem:v2+s7+$0x0], $0xffff;
	s25 =	sadd.s32 s11, s22  }
0x2ce: {  	s26 =	sadd.s32 s13, s25  }
0x2cf: {  	s4 =	sadd.s32 s14, s25;
	[tilespmem:s26+$0x0] =	vst v0  }
0x2d0: {  	s28 =	sadd.s32 s15, s25;
	[tilespmem:s4+$0x0] =	vst v1  }
0x2d1: {  	s29 =	sor.u32 s10, s9;
	s2 =	sadd.s32 s12, s25;
	[tilespmem:s28+$0x0] =	vst v3  }
0x2d2: {  	s30 =	sor.u32 $0x438, s29;
	[tilespmem:s2+$0x0] =	vst v2  }
0x2d3: {  	v0 =	vld [tilespmem:s30+$0x7000];
	_ =	sdelay $0x7  }
0x2d4: {  	v1 =	vld.idx.msk [tilespmem:v0+s7+$0x0], $0xffff  }
0x2d5: {  	v59 =	vadd.s32 $0x1000, v0;
	_ =	sdelay $0x3  }
0x2d6: {  	[tilespmem:s30+$0x9000] =	vst v1  }
0x2d7: {  	v1 =	vld.idx.msk [tilespmem:v59+s7+$0x0], $0xffff  }
0x2d8: {  	v60 =	vadd.s32 $0x2000, v0;
	_ =	sdelay $0x2  }
0x2d9: {  	s31 =	sadd.s32 s8, s18  }
0x2da: {  	[tilespmem:s31+$0x1438] =	vst v1  }
0x2db: {  	v1 =	vld.idx.msk [tilespmem:v60+s7+$0x0], $0xffff  }
0x2dc: {  	v61 =	vadd.s32 $0x3000, v0;
	_ =	sdelay $0x3  }
0x2dd: {  	[tilespmem:s31+$0x2438] =	vst v1  }
0x2de: {  	v1 =	vld.idx.msk [tilespmem:v61+s7+$0x0], $0xffff  }
0x2df: {  	v62 =	vadd.s32 $0x4000, v0;
	_ =	sdelay $0x3  }
0x2e0: {  	[tilespmem:s31+$0x3438] =	vst v1  }
0x2e1: {  	v1 =	vld.idx.msk [tilespmem:v62+s7+$0x0], $0xffff  }
0x2e2: {  	v63 =	vadd.s32 $0x5000, v0;
	_ =	sdelay $0x3  }
0x2e3: {  	[tilespmem:s31+$0x4438] =	vst v1  }
0x2e4: {  	v1 =	vld.idx.msk [tilespmem:v63+s7+$0x0], $0xffff  }
0x2e5: {  	v0 =	vadd.s32 $0x6000, v0;
	_ =	sdelay $0x3  }
0x2e6: {  	s0 =	sadd.s32 $0x1, s0;
	[tilespmem:s31+$0x5438] =	vst v1  }
0x2e7: {  	p0 =	sne.s32 s0, $0x10;
	v0 =	vld.idx.msk [tilespmem:v0+s7+$0x0], $0xffff  }
.Ltmp9:
0x2e8: {  	_ = 	snop;
	(pc) =	sbr.rel @p0 .LBB2_18-.Ltmp9, $2  }
0x2e9: {  	_ =	sdelay $0x2  }
0x2ea: {  	[tilespmem:s31+$0x6438] =	vst v0  }
0x2eb: {  	s0 =	sld [smem:$0x7F7]  }
0x2ec: {  	s2 =	simm.s32 $0x1000  }
0x2ed: {  	s3 =	simm.s32 $0x100000;
	s4 =	simm.s32 $0x9000;
	s29 =	simm.s32 $0x2  }
0x2ee: {  	[hbm4b:s0+s2] =	stream.strided.scatter [tilespmem:s4], [sflag:$0x3], $0x7000, s3, s2, $0x38;
	[tilespmem:$0x17000] =	vst v63  }
0x2ef: {  	_ =	swait.ge [sflag:s29], $0x1000  }
0x2f0: {  	s30 =	sld [smem:$0x7F8]  }
0x2f1: {  	[sflag:s29] =	ssyncset.done $0x0  }
0x2f2: {  	s5 =	simm.s32 $0x0;
	s31 =	simm.s32 $0x7000;
	[sflag:s29] =	ssyncadd.s32 $0xFFFFF000  }
0x2f3: {  	[tilespmem:s31], [sflag:$0x1] =	stream.linear.gather [hbm4b:s30+s5], $0x1000, $0x38;
	[tilespmem:$0x17000] =	vst v63  }
0x2f4: {  	_ =	swait.ge [sflag:s1], $0x7000  }
0x2f5: {  	[sflag:s1] =	ssyncset.done $0x0  }
0x2f6: {  	s0 =	simm.s32 $0x0;
	[sflag:s1] =	ssyncadd.s32 $0xFFFF9000  }
.LBB2_22:
0x2f7: {  	s2 =	sshll.u32 s0, $0x8;
	s9 =	sshll.u32 s0, $0x7  }
0x2f8: {  	s10 =	sand.u32 $0x800, s2;
	s8 =	sand.u32 $0x380, s9  }
0x2f9: {  	s16 =	sor.u32 s10, s8  }
0x2fa: {  	s17 =	sor.u32 $0x11000, s16  }
0x2fb: {  	s11 =	sand.u32 $0x400, s5;
	s18 =	sor.u32 $0x12000, s16;
	[smem:$0x7E2] =	sst s17  }
0x2fc: {  	s19 =	sor.u32 $0x13000, s16;
	s21 =	sor.u32 $0x14000, s16;
	[smem:$0x7E3] =	sst s18  }
0x2fd: {  	s22 =	sor.u32 $0x15000, s16;
	[smem:$0x7E4] =	sst s19;
	s17 =	simm.s32 $0x0  }
0x2fe: {  	s23 =	sor.u32 $0x16000, s16;
	[smem:$0x7DF] =	sst s21;
	s12 =	sand.u32 $0x40, s17  }
0x2ff: {  	s3 =	sor.u32 s11, s16;
	[smem:$0x7E0] =	sst s22;
	s13 =	sor.u32 $0x30, s12  }
0x300: {  	[smem:$0x7E1] =	sst s23;
	s14 =	sor.u32 $0x10, s12;
	s24 =	sor.u32 s13, s3  }
0x301: {  	s4 =	sor.u32 s14, s3;
	v0 =	vld [tilespmem:s24+$0x8000]  }
0x302: {  	v1 =	vld [tilespmem:s4+$0x8000]  }
0x303: {  	s15 =	sor.u32 $0x20, s12  }
0x304: {  	s6 =	sor.u32 s15, s3  }
0x305: {  	s3 =	sor.u32 s12, s3;
	v3 =	vld [tilespmem:s6+$0x8000]  }
0x306: {  	v2 =	vld [tilespmem:s3+$0x8000];
	_ =	sdelay $0x2  }
0x307: {  	v4 =	vld.idx.msk [tilespmem:v0+s7+$0x0], $0xffff  }
0x308: {  	v5 =	vld.idx.msk [tilespmem:v1+s7+$0x0], $0xffff  }
0x309: {  	v6 =	vadd.s32 $0x1000, v0  }
0x30a: {  	v7 =	vadd.s32 $0x1000, v1  }
0x30b: {  	v8 =	vld.idx.msk [tilespmem:v3+s7+$0x0], $0xffff  }
0x30c: {  	v9 =	vld.idx.msk [tilespmem:v2+s7+$0x0], $0xffff;
	[tilespmem:s24+$0x10000] =	vst v4;
	v4 =	vadd.s32 $0x1000, v3  }
0x30d: {  	[tilespmem:s4+$0x10000] =	vst v5;
	v5 =	vadd.s32 $0x1000, v2  }
0x30e: {  	v6 =	vld.idx.msk [tilespmem:v6+s7+$0x0], $0xffff;
	s2 =	sld [smem:$0x7E2]  }
0x30f: {  	v7 =	vld.idx.msk [tilespmem:v7+s7+$0x0], $0xffff  }
0x310: {  	v11 =	vadd.s32 $0x2000, v1;
	[tilespmem:s6+$0x10000] =	vst v8  }
0x311: {  	v10 =	vadd.s32 $0x2000, v0;
	[tilespmem:s3+$0x10000] =	vst v9;
	s2 =	sadd.s32 s11, s2;
	v4 =	vld.idx.msk [tilespmem:v4+s7+$0x0], $0xffff  }
0x312: {  	v8 =	vadd.s32 $0x2000, v3;
	s25 =	sadd.s32 s13, s2;
	v5 =	vld.idx.msk [tilespmem:v5+s7+$0x0], $0xffff  }
0x313: {  	s26 =	sadd.s32 s14, s2;
	[tilespmem:s25+$0x0] =	vst v6;
	v6 =	vadd.s32 $0x2000, v2  }
0x314: {  	[tilespmem:s26+$0x0] =	vst v7  }
0x315: {  	s28 =	sadd.s32 s15, s2;
	s3 =	sld [smem:$0x7E3];
	v9 =	vld.idx.msk [tilespmem:v11+s7+$0x0], $0xffff  }
0x316: {  	s2 =	sadd.s32 s12, s2;
	v7 =	vld.idx.msk [tilespmem:v10+s7+$0x0], $0xffff;
	v10 =	vadd.s32 $0x3000, v1;
	[tilespmem:s28+$0x0] =	vst v4  }
0x317: {  	v4 =	vadd.s32 $0x3000, v0;
	[tilespmem:s2+$0x0] =	vst v5;
	v11 =	vld.idx.msk [tilespmem:v8+s7+$0x0], $0xffff  }
0x318: {  	v12 =	vadd.s32 $0x3000, v3;
	s29 =	sadd.s32 s11, s3;
	v14 =	vld.idx.msk [tilespmem:v6+s7+$0x0], $0xffff  }
0x319: {  	v15 =	vadd.s32 $0x3000, v2;
	s30 =	sadd.s32 s14, s29  }
0x31a: {  	s3 =	sadd.s32 s13, s29;
	[tilespmem:s30+$0x0] =	vst v9  }
0x31b: {  	v5 =	vadd.s32 $0x5000, v1;
	s31 =	sadd.s32 s15, s29;
	[tilespmem:s3+$0x0] =	vst v7;
	v10 =	vld.idx.msk [tilespmem:v10+s7+$0x0], $0xffff  }
0x31c: {  	v8 =	vadd.s32 $0x4000, v3;
	s2 =	sadd.s32 s12, s29;
	v6 =	vadd.s32 $0x5000, v3;
	v3 =	vadd.s32 $0x6000, v3;
	s4 =	sld [smem:$0x7E4];
	v13 =	vld.idx.msk [tilespmem:v4+s7+$0x0], $0xffff;
	[tilespmem:s31+$0x0] =	vst v11  }
0x31d: {  	v9 =	vadd.s32 $0x4000, v1;
	v7 =	vadd.s32 $0x4000, v2;
	[tilespmem:s2+$0x0] =	vst v14;
	v14 =	vadd.s32 $0x4000, v0;
	v11 =	vld.idx.msk [tilespmem:v12+s7+$0x0], $0xffff  }
0x31e: {  	s18 =	sor.u32 $0x10000, s10;
	s19 =	simm.s32 $0x0;
	v1 =	vadd.s32 $0x6000, v1;
	v4 =	vadd.s32 $0x5000, v2;
	v2 =	vadd.s32 $0x6000, v2;
	v12 =	vld.idx.msk [tilespmem:v15+s7+$0x0], $0xffff  }
.LBB2_23:
0x31f: {  	s17 =	sadd.s32 $0x40, s17;
	s2 =	sadd.s32 s11, s4;
	s19 =	sadd.s32 $0x200, s19  }
0x320: {  	s25 =	sand.u32 $0x40, s17;
	s26 =	sand.u32 $0x400, s19;
	s3 =	sadd.s32 s13, s2  }
0x321: {  	s4 =	sor.u32 s26, s16;
	s21 =	sor.u32 $0x10, s25;
	s24 =	sor.u32 $0x30, s25;
	[tilespmem:s3+$0x0] =	vst v13  }
0x322: {  	s22 =	sor.u32 $0x20, s25;
	s3 =	sor.u32 s21, s4;
	s30 =	sor.u32 s24, s4;
	v13 =	vld.idx.msk [tilespmem:v14+s7+$0x0], $0xffff  }
0x323: {  	s28 =	sor.u32 s25, s4;
	s6 =	sor.u32 s22, s4;
	v14 =	vld [tilespmem:s30+$0x8000];
	s4 =	sld [smem:$0x7DF]  }
0x324: {  	v16 =	vadd.s32 $0x5000, v0;
	s23 =	sadd.s32 s12, s2;
	s29 =	sadd.s32 s14, s2;
	s2 =	sadd.s32 s15, s2;
	v15 =	vld [tilespmem:s3+$0x8000]  }
0x325: {  	p0 =	slt.u32 s17, $0x78;
	v17 =	vld [tilespmem:s6+$0x8000];
	[tilespmem:s29+$0x0] =	vst v10  }
0x326: {  	v10 =	vld [tilespmem:s28+$0x8000];
	s4 =	sadd.s32 s11, s4;
	[tilespmem:s2+$0x0] =	vst v11  }
0x327: {  	[tilespmem:s23+$0x0] =	vst v12;
	s2 =	sadd.s32 s12, s4;
	v11 =	vld.idx.msk [tilespmem:v9+s7+$0x0], $0xffff;
	s23 =	sadd.s32 s14, s4;
	s29 =	sadd.s32 s13, s4  }
0x328: {  	s31 =	sadd.s32 s15, s4;
	v12 =	vld.idx.msk [tilespmem:v8+s7+$0x0], $0xffff;
	[tilespmem:s29+$0x0] =	vst v13  }
0x329: {  	v13 =	vadd.s32 $0x1000, v15;
	v18 =	vadd.s32 $0x2000, v15;
	v19 =	vadd.s32 $0x3000, v15;
	v16 =	vld.idx.msk [tilespmem:v16+s7+$0x0], $0xffff  }
0x32a: {  	v20 =	vadd.s32 $0x1000, v17;
	v21 =	vadd.s32 $0x2000, v17;
	v22 =	vadd.s32 $0x3000, v17;
	v23 =	vld.idx.msk [tilespmem:v7+s7+$0x0], $0xffff;
	s4 =	sld [smem:$0x7E0]  }
0x32b: {  	v27 =	vadd.s32 $0x6000, v0;
	v0 =	vmovc v14;
	v24 =	vadd.s32 $0x1000, v10;
	v25 =	vadd.s32 $0x2000, v10;
	v26 =	vld.idx.msk [tilespmem:v14+s7+$0x0], $0xffff  }
0x32c: {  	v9 =	vadd.s32 $0x4000, v15;
	v8 =	vadd.s32 $0x4000, v17;
	v28 =	vadd.s32 $0x3000, v10;
	v14 =	vld.idx.msk [tilespmem:v15+s7+$0x0], $0xffff  }
0x32d: {  	v29 =	vadd.s32 $0x5000, v15;
	v31 =	vadd.s32 $0x1000, v0;
	v7 =	vadd.s32 $0x4000, v10;
	v30 =	vld.idx.msk [tilespmem:v17+s7+$0x0], $0xffff;
	s29 =	sadd.s32 s11, s4;
	[tilespmem:s23+$0x0] =	vst v11  }
0x32e: {  	v33 =	vadd.s32 $0x5000, v17;
	v32 =	vadd.s32 $0x5000, v10;
	v15 =	vadd.s32 $0x6000, v15;
	v11 =	vld.idx.msk [tilespmem:v10+s7+$0x0], $0xffff;
	s4 =	sadd.s32 s12, s29;
	s23 =	sadd.s32 s14, s29;
	[tilespmem:s31+$0x0] =	vst v12;
	s31 =	sadd.s32 s13, s29  }
0x32f: {  	v10 =	vadd.s32 $0x6000, v10;
	v12 =	vadd.s32 $0x6000, v17;
	s29 =	sadd.s32 s15, s29;
	v17 =	vld.idx.msk [tilespmem:v5+s7+$0x0], $0xffff;
	[tilespmem:s31+$0x0] =	vst v16;
	v5 =	vmov v29  }
0x330: {  	[tilespmem:s2+$0x0] =	vst v23;
	v16 =	vld.idx.msk [tilespmem:v27+s7+$0x0], $0xffff  }
0x331: {  	[tilespmem:s30+$0x10000] =	vst v26;
	s2 =	sld [smem:$0x7E1];
	v23 =	vld.idx.msk [tilespmem:v6+s7+$0x0], $0xffff;
	v6 =	vmov v33  }
0x332: {  	[tilespmem:s3+$0x10000] =	vst v14;
	v14 =	vld.idx.msk [tilespmem:v31+s7+$0x0], $0xffff  }
0x333: {  	s30 =	sld [smem:$0x7E2];
	v13 =	vld.idx.msk [tilespmem:v13+s7+$0x0], $0xffff;
	[tilespmem:s6+$0x10000] =	vst v30  }
0x334: {  	[tilespmem:s28+$0x10000] =	vst v11;
	v11 =	vld.idx.msk [tilespmem:v20+s7+$0x0], $0xffff;
	v20 =	vadd.s32 $0x2000, v0;
	s2 =	sadd.s32 s11, s2;
	s11 =	smov.u32 s26  }
0x335: {  	v24 =	vld.idx.msk [tilespmem:v24+s7+$0x0], $0xffff;
	s3 =	sadd.s32 s12, s2;
	[tilespmem:s23+$0x0] =	vst v17;
	s6 =	sadd.s32 s14, s2;
	s12 =	sadd.s32 s13, s2  }
0x336: {  	s2 =	sadd.s32 s15, s2;
	s13 =	sadd.s32 s11, s30;
	v17 =	vld.idx.msk [tilespmem:v4+s7+$0x0], $0xffff;
	[tilespmem:s12+$0x0] =	vst v16;
	v4 =	vmov v32;
	s12 =	smov.u32 s25  }
0x337: {  	s23 =	sadd.s32 s12, s13;
	s15 =	sadd.s32 s21, s13;
	s14 =	sadd.s32 s24, s13;
	v16 =	vld.idx.msk [tilespmem:v1+s7+$0x0], $0xffff;
	[tilespmem:s29+$0x0] =	vst v23;
	v1 =	vmov v15  }
0x338: {  	s25 =	sadd.s32 s22, s13;
	s13 =	smov.u32 s24;
	[tilespmem:s14+$0x0] =	vst v14;
	v14 =	vld.idx.msk [tilespmem:v3+s7+$0x0], $0xffff;
	v3 =	vmov v12;
	s14 =	smov.u32 s21  }
0x339: {  	[tilespmem:s15+$0x0] =	vst v13;
	v12 =	vld.idx.msk [tilespmem:v20+s7+$0x0], $0xffff;
	s15 =	smov.u32 s22  }
0x33a: {  	s21 =	sld [smem:$0x7E3];
	v13 =	vld.idx.msk [tilespmem:v18+s7+$0x0], $0xffff;
	[tilespmem:s25+$0x0] =	vst v11  }
0x33b: {  	v15 =	vadd.s32 $0x3000, v0;
	[tilespmem:s23+$0x0] =	vst v24;
	v11 =	vld.idx.msk [tilespmem:v21+s7+$0x0], $0xffff  }
0x33c: {  	v18 =	vld.idx.msk [tilespmem:v25+s7+$0x0], $0xffff;
	[tilespmem:s4+$0x0] =	vst v17  }
0x33d: {  	s4 =	sadd.s32 s11, s21;
	v17 =	vld.idx.msk [tilespmem:v2+s7+$0x0], $0xffff;
	[tilespmem:s6+$0x0] =	vst v16;
	v2 =	vmov v10  }
0x33e: {  	s6 =	sadd.s32 s12, s4;
	s21 =	sadd.s32 s14, s4;
	s22 =	sadd.s32 s13, s4;
	[tilespmem:s2+$0x0] =	vst v14  }
.Ltmp10:
0x33f: {  	s2 =	sadd.s32 s15, s4;
	[tilespmem:s22+$0x0] =	vst v12;
	(pc) =	sbr.rel @p0 .LBB2_23-.Ltmp10, $4  }
0x340: {  	[tilespmem:s21+$0x0] =	vst v13;
	v13 =	vld.idx.msk [tilespmem:v15+s7+$0x0], $0xffff  }
0x341: {  	s4 =	sld [smem:$0x7E4];
	v10 =	vld.idx.msk [tilespmem:v19+s7+$0x0], $0xffff;
	[tilespmem:s2+$0x0] =	vst v11  }
0x342: {  	v14 =	vadd.s32 $0x4000, v0;
	[tilespmem:s6+$0x0] =	vst v18;
	v11 =	vld.idx.msk [tilespmem:v22+s7+$0x0], $0xffff  }
0x343: {  	v12 =	vld.idx.msk [tilespmem:v28+s7+$0x0], $0xffff;
	[tilespmem:s3+$0x0] =	vst v17  }
0x344: {  	_ = 	snop  }
0x345: {  	s2 =	sadd.s32 s11, s4  }
0x346: {  	s3 =	sadd.s32 s13, s2  }
0x347: {  	s4 =	sadd.s32 s14, s2;
	[tilespmem:s3+$0x0] =	vst v13  }
0x348: {  	s6 =	sadd.s32 s15, s2;
	v13 =	vld.idx.msk [tilespmem:v14+s7+$0x0], $0xffff;
	s3 =	sld [smem:$0x7DF];
	[tilespmem:s4+$0x0] =	vst v10  }
0x349: {  	v56 =	vadd.s32 $0x5000, v0;
	s2 =	sadd.s32 s12, s2;
	[tilespmem:s6+$0x0] =	vst v11;
	v9 =	vld.idx.msk [tilespmem:v9+s7+$0x0], $0xffff  }
0x34a: {  	[tilespmem:s2+$0x0] =	vst v12;
	v8 =	vld.idx.msk [tilespmem:v8+s7+$0x0], $0xffff  }
0x34b: {  	v7 =	vld.idx.msk [tilespmem:v7+s7+$0x0], $0xffff;
	s3 =	sadd.s32 s11, s3  }
0x34c: {  	s29 =	sadd.s32 s13, s3  }
0x34d: {  	s30 =	sadd.s32 s14, s3;
	[tilespmem:s29+$0x0] =	vst v13  }
0x34e: {  	s31 =	sadd.s32 s15, s3;
	v57 =	vld.idx.msk [tilespmem:v56+s7+$0x0], $0xffff;
	s4 =	sld [smem:$0x7E0];
	[tilespmem:s30+$0x0] =	vst v9  }
0x34f: {  	v58 =	vadd.s32 $0x6000, v0;
	s16 =	sadd.s32 s12, s3;
	[tilespmem:s31+$0x0] =	vst v8;
	v5 =	vld.idx.msk [tilespmem:v5+s7+$0x0], $0xffff  }
0x350: {  	[tilespmem:s16+$0x0] =	vst v7;
	v6 =	vld.idx.msk [tilespmem:v6+s7+$0x0], $0xffff  }
0x351: {  	v4 =	vld.idx.msk [tilespmem:v4+s7+$0x0], $0xffff;
	s17 =	sadd.s32 s11, s4  }
0x352: {  	s19 =	sadd.s32 s13, s17  }
0x353: {  	s21 =	sadd.s32 s14, s17;
	[tilespmem:s19+$0x0] =	vst v57  }
0x354: {  	s23 =	sadd.s32 s15, s17;
	s22 =	sld [smem:$0x7E1];
	v0 =	vld.idx.msk [tilespmem:v58+s7+$0x0], $0xffff;
	[tilespmem:s21+$0x0] =	vst v5  }
0x355: {  	s24 =	sadd.s32 s12, s17;
	[tilespmem:s23+$0x0] =	vst v6;
	v1 =	vld.idx.msk [tilespmem:v1+s7+$0x0], $0xffff  }
0x356: {  	v3 =	vld.idx.msk [tilespmem:v3+s7+$0x0], $0xffff;
	[tilespmem:s24+$0x0] =	vst v4  }
0x357: {  	v2 =	vld.idx.msk [tilespmem:v2+s7+$0x0], $0xffff;
	s25 =	sadd.s32 s11, s22  }
0x358: {  	s26 =	sadd.s32 s13, s25  }
0x359: {  	s4 =	sadd.s32 s14, s25;
	[tilespmem:s26+$0x0] =	vst v0  }
0x35a: {  	s28 =	sadd.s32 s15, s25;
	[tilespmem:s4+$0x0] =	vst v1  }
0x35b: {  	s29 =	sor.u32 s10, s9;
	s2 =	sadd.s32 s12, s25;
	[tilespmem:s28+$0x0] =	vst v3  }
0x35c: {  	s30 =	sor.u32 $0x438, s29;
	[tilespmem:s2+$0x0] =	vst v2  }
0x35d: {  	v0 =	vld [tilespmem:s30+$0x8000];
	_ =	sdelay $0x7  }
0x35e: {  	v1 =	vld.idx.msk [tilespmem:v0+s7+$0x0], $0xffff  }
0x35f: {  	v59 =	vadd.s32 $0x1000, v0;
	_ =	sdelay $0x3  }
0x360: {  	[tilespmem:s30+$0x10000] =	vst v1  }
0x361: {  	v1 =	vld.idx.msk [tilespmem:v59+s7+$0x0], $0xffff  }
0x362: {  	v60 =	vadd.s32 $0x2000, v0;
	_ =	sdelay $0x2  }
0x363: {  	s31 =	sadd.s32 s8, s18  }
0x364: {  	[tilespmem:s31+$0x1438] =	vst v1  }
0x365: {  	v1 =	vld.idx.msk [tilespmem:v60+s7+$0x0], $0xffff  }
0x366: {  	v61 =	vadd.s32 $0x3000, v0;
	_ =	sdelay $0x3  }
0x367: {  	[tilespmem:s31+$0x2438] =	vst v1  }
0x368: {  	v1 =	vld.idx.msk [tilespmem:v61+s7+$0x0], $0xffff  }
0x369: {  	v62 =	vadd.s32 $0x4000, v0;
	_ =	sdelay $0x3  }
0x36a: {  	[tilespmem:s31+$0x3438] =	vst v1  }
0x36b: {  	v1 =	vld.idx.msk [tilespmem:v62+s7+$0x0], $0xffff  }
0x36c: {  	v63 =	vadd.s32 $0x5000, v0;
	_ =	sdelay $0x3  }
0x36d: {  	[tilespmem:s31+$0x4438] =	vst v1  }
0x36e: {  	v1 =	vld.idx.msk [tilespmem:v63+s7+$0x0], $0xffff  }
0x36f: {  	v0 =	vadd.s32 $0x6000, v0;
	_ =	sdelay $0x3  }
0x370: {  	s0 =	sadd.s32 $0x1, s0;
	[tilespmem:s31+$0x5438] =	vst v1  }
0x371: {  	p0 =	sne.s32 s0, $0x10;
	v0 =	vld.idx.msk [tilespmem:v0+s7+$0x0], $0xffff  }
.Ltmp11:
0x372: {  	_ = 	snop;
	(pc) =	sbr.rel @p0 .LBB2_22-.Ltmp11, $2  }
0x373: {  	_ =	sdelay $0x2  }
0x374: {  	[tilespmem:s31+$0x6438] =	vst v0  }
0x375: {  	s0 =	sld [smem:$0x7F9]  }
0x376: {  	s2 =	simm.s32 $0x1000  }
0x377: {  	s3 =	simm.s32 $0x100000;
	s4 =	simm.s32 $0x10000;
	s28 =	simm.s32 $0x1  }
0x378: {  	[hbm4b:s0+s2] =	stream.strided.scatter [tilespmem:s4], [sflag:$0x4], $0x7000, s3, s2, $0x38;
	[tilespmem:$0x17000] =	vst v63  }
0x379: {  	_ =	swait.ge [sflag:s28], $0x1000  }
0x37a: {  	s29 =	sld [smem:$0x7FA]  }
0x37b: {  	s5 =	simm.s32 $0x0;
	[sflag:s28] =	ssyncset.done $0x0  }
0x37c: {  	s30 =	simm.s32 $0x8000;
	s31 =	simm.s32 $0x3;
	[sflag:s28] =	ssyncadd.s32 $0xFFFFF000  }
0x37d: {  	[tilespmem:s30], [sflag:$0x2] =	stream.linear.gather [hbm4b:s29+s5], $0x1000, $0x38;
	[tilespmem:$0x17000] =	vst v63  }
0x37e: {  	_ =	swait.ge [sflag:s31], $0x7000  }
0x37f: {  	[sflag:s31] =	ssyncset.done $0x0  }
0x380: {  	s0 =	simm.s32 $0x0;
	[sflag:s31] =	ssyncadd.s32 $0xFFFF9000  }
.LBB2_26:
0x381: {  	s2 =	sshll.u32 s0, $0x8;
	s9 =	sshll.u32 s0, $0x7  }
0x382: {  	s10 =	sand.u32 $0x800, s2;
	s8 =	sand.u32 $0x380, s9  }
0x383: {  	s16 =	sor.u32 s10, s8  }
0x384: {  	s17 =	sor.u32 $0xA000, s16  }
0x385: {  	s11 =	sand.u32 $0x400, s5;
	s18 =	sor.u32 $0xB000, s16;
	[smem:$0x7DC] =	sst s17  }
0x386: {  	s19 =	sor.u32 $0xC000, s16;
	s21 =	sor.u32 $0xD000, s16;
	[smem:$0x7DD] =	sst s18  }
0x387: {  	s22 =	sor.u32 $0xE000, s16;
	[smem:$0x7DE] =	sst s19;
	s17 =	simm.s32 $0x0  }
0x388: {  	s23 =	sor.u32 $0xF000, s16;
	[smem:$0x7D9] =	sst s21;
	s12 =	sand.u32 $0x40, s17  }
0x389: {  	s3 =	sor.u32 s11, s16;
	[smem:$0x7DA] =	sst s22;
	s13 =	sor.u32 $0x30, s12  }
0x38a: {  	[smem:$0x7DB] =	sst s23;
	s14 =	sor.u32 $0x10, s12;
	s24 =	sor.u32 s13, s3  }
0x38b: {  	s4 =	sor.u32 s14, s3;
	v0 =	vld [tilespmem:s24+$0x7000]  }
0x38c: {  	v1 =	vld [tilespmem:s4+$0x7000]  }
0x38d: {  	s15 =	sor.u32 $0x20, s12  }
0x38e: {  	s6 =	sor.u32 s15, s3  }
0x38f: {  	s3 =	sor.u32 s12, s3;
	v3 =	vld [tilespmem:s6+$0x7000]  }
0x390: {  	v2 =	vld [tilespmem:s3+$0x7000];
	_ =	sdelay $0x2  }
0x391: {  	v4 =	vld.idx.msk [tilespmem:v0+s7+$0x0], $0xffff  }
0x392: {  	v5 =	vld.idx.msk [tilespmem:v1+s7+$0x0], $0xffff  }
0x393: {  	v6 =	vadd.s32 $0x1000, v0  }
0x394: {  	v7 =	vadd.s32 $0x1000, v1  }
0x395: {  	v8 =	vld.idx.msk [tilespmem:v3+s7+$0x0], $0xffff  }
0x396: {  	v9 =	vld.idx.msk [tilespmem:v2+s7+$0x0], $0xffff;
	[tilespmem:s24+$0x9000] =	vst v4;
	v4 =	vadd.s32 $0x1000, v3  }
0x397: {  	[tilespmem:s4+$0x9000] =	vst v5;
	v5 =	vadd.s32 $0x1000, v2  }
0x398: {  	v6 =	vld.idx.msk [tilespmem:v6+s7+$0x0], $0xffff;
	s2 =	sld [smem:$0x7DC]  }
0x399: {  	v7 =	vld.idx.msk [tilespmem:v7+s7+$0x0], $0xffff  }
0x39a: {  	v11 =	vadd.s32 $0x2000, v1;
	[tilespmem:s6+$0x9000] =	vst v8  }
0x39b: {  	v10 =	vadd.s32 $0x2000, v0;
	[tilespmem:s3+$0x9000] =	vst v9;
	s2 =	sadd.s32 s11, s2;
	v4 =	vld.idx.msk [tilespmem:v4+s7+$0x0], $0xffff  }
0x39c: {  	v8 =	vadd.s32 $0x2000, v3;
	s25 =	sadd.s32 s13, s2;
	v5 =	vld.idx.msk [tilespmem:v5+s7+$0x0], $0xffff  }
0x39d: {  	s26 =	sadd.s32 s14, s2;
	[tilespmem:s25+$0x0] =	vst v6;
	v6 =	vadd.s32 $0x2000, v2  }
0x39e: {  	[tilespmem:s26+$0x0] =	vst v7  }
0x39f: {  	s28 =	sadd.s32 s15, s2;
	s3 =	sld [smem:$0x7DD];
	v9 =	vld.idx.msk [tilespmem:v11+s7+$0x0], $0xffff  }
0x3a0: {  	s2 =	sadd.s32 s12, s2;
	v7 =	vld.idx.msk [tilespmem:v10+s7+$0x0], $0xffff;
	v10 =	vadd.s32 $0x3000, v1;
	[tilespmem:s28+$0x0] =	vst v4  }
0x3a1: {  	v4 =	vadd.s32 $0x3000, v0;
	[tilespmem:s2+$0x0] =	vst v5;
	v11 =	vld.idx.msk [tilespmem:v8+s7+$0x0], $0xffff  }
0x3a2: {  	v12 =	vadd.s32 $0x3000, v3;
	s29 =	sadd.s32 s11, s3;
	v14 =	vld.idx.msk [tilespmem:v6+s7+$0x0], $0xffff  }
0x3a3: {  	v15 =	vadd.s32 $0x3000, v2;
	s30 =	sadd.s32 s14, s29  }
0x3a4: {  	s3 =	sadd.s32 s13, s29;
	[tilespmem:s30+$0x0] =	vst v9  }
0x3a5: {  	v5 =	vadd.s32 $0x5000, v1;
	s31 =	sadd.s32 s15, s29;
	[tilespmem:s3+$0x0] =	vst v7;
	v10 =	vld.idx.msk [tilespmem:v10+s7+$0x0], $0xffff  }
0x3a6: {  	v8 =	vadd.s32 $0x4000, v3;
	s2 =	sadd.s32 s12, s29;
	v6 =	vadd.s32 $0x5000, v3;
	v3 =	vadd.s32 $0x6000, v3;
	s4 =	sld [smem:$0x7DE];
	v13 =	vld.idx.msk [tilespmem:v4+s7+$0x0], $0xffff;
	[tilespmem:s31+$0x0] =	vst v11  }
0x3a7: {  	v9 =	vadd.s32 $0x4000, v1;
	v7 =	vadd.s32 $0x4000, v2;
	[tilespmem:s2+$0x0] =	vst v14;
	v14 =	vadd.s32 $0x4000, v0;
	v11 =	vld.idx.msk [tilespmem:v12+s7+$0x0], $0xffff  }
0x3a8: {  	s18 =	sor.u32 $0x9000, s10;
	s19 =	simm.s32 $0x0;
	v1 =	vadd.s32 $0x6000, v1;
	v4 =	vadd.s32 $0x5000, v2;
	v2 =	vadd.s32 $0x6000, v2;
	v12 =	vld.idx.msk [tilespmem:v15+s7+$0x0], $0xffff  }
.LBB2_27:
0x3a9: {  	s17 =	sadd.s32 $0x40, s17;
	s2 =	sadd.s32 s11, s4;
	s19 =	sadd.s32 $0x200, s19  }
0x3aa: {  	s25 =	sand.u32 $0x40, s17;
	s26 =	sand.u32 $0x400, s19;
	s3 =	sadd.s32 s13, s2  }
0x3ab: {  	s4 =	sor.u32 s26, s16;
	s21 =	sor.u32 $0x10, s25;
	s24 =	sor.u32 $0x30, s25;
	[tilespmem:s3+$0x0] =	vst v13  }
0x3ac: {  	s22 =	sor.u32 $0x20, s25;
	s3 =	sor.u32 s21, s4;
	s30 =	sor.u32 s24, s4;
	v13 =	vld.idx.msk [tilespmem:v14+s7+$0x0], $0xffff  }
0x3ad: {  	s28 =	sor.u32 s25, s4;
	s6 =	sor.u32 s22, s4;
	v14 =	vld [tilespmem:s30+$0x7000];
	s4 =	sld [smem:$0x7D9]  }
0x3ae: {  	v16 =	vadd.s32 $0x5000, v0;
	s23 =	sadd.s32 s12, s2;
	s29 =	sadd.s32 s14, s2;
	s2 =	sadd.s32 s15, s2;
	v15 =	vld [tilespmem:s3+$0x7000]  }
0x3af: {  	p0 =	slt.u32 s17, $0x78;
	v17 =	vld [tilespmem:s6+$0x7000];
	[tilespmem:s29+$0x0] =	vst v10  }
0x3b0: {  	v10 =	vld [tilespmem:s28+$0x7000];
	s4 =	sadd.s32 s11, s4;
	[tilespmem:s2+$0x0] =	vst v11  }
0x3b1: {  	[tilespmem:s23+$0x0] =	vst v12;
	s2 =	sadd.s32 s12, s4;
	v11 =	vld.idx.msk [tilespmem:v9+s7+$0x0], $0xffff;
	s23 =	sadd.s32 s14, s4;
	s29 =	sadd.s32 s13, s4  }
0x3b2: {  	s31 =	sadd.s32 s15, s4;
	v12 =	vld.idx.msk [tilespmem:v8+s7+$0x0], $0xffff;
	[tilespmem:s29+$0x0] =	vst v13  }
0x3b3: {  	v13 =	vadd.s32 $0x1000, v15;
	v18 =	vadd.s32 $0x2000, v15;
	v19 =	vadd.s32 $0x3000, v15;
	v16 =	vld.idx.msk [tilespmem:v16+s7+$0x0], $0xffff  }
0x3b4: {  	v20 =	vadd.s32 $0x1000, v17;
	v21 =	vadd.s32 $0x2000, v17;
	v22 =	vadd.s32 $0x3000, v17;
	v23 =	vld.idx.msk [tilespmem:v7+s7+$0x0], $0xffff;
	s4 =	sld [smem:$0x7DA]  }
0x3b5: {  	v27 =	vadd.s32 $0x6000, v0;
	v0 =	vmovc v14;
	v24 =	vadd.s32 $0x1000, v10;
	v25 =	vadd.s32 $0x2000, v10;
	v26 =	vld.idx.msk [tilespmem:v14+s7+$0x0], $0xffff  }
0x3b6: {  	v9 =	vadd.s32 $0x4000, v15;
	v8 =	vadd.s32 $0x4000, v17;
	v28 =	vadd.s32 $0x3000, v10;
	v14 =	vld.idx.msk [tilespmem:v15+s7+$0x0], $0xffff  }
0x3b7: {  	v29 =	vadd.s32 $0x5000, v15;
	v31 =	vadd.s32 $0x1000, v0;
	v7 =	vadd.s32 $0x4000, v10;
	v30 =	vld.idx.msk [tilespmem:v17+s7+$0x0], $0xffff;
	s29 =	sadd.s32 s11, s4;
	[tilespmem:s23+$0x0] =	vst v11  }
0x3b8: {  	v33 =	vadd.s32 $0x5000, v17;
	v32 =	vadd.s32 $0x5000, v10;
	v15 =	vadd.s32 $0x6000, v15;
	v11 =	vld.idx.msk [tilespmem:v10+s7+$0x0], $0xffff;
	s4 =	sadd.s32 s12, s29;
	s23 =	sadd.s32 s14, s29;
	[tilespmem:s31+$0x0] =	vst v12;
	s31 =	sadd.s32 s13, s29  }
0x3b9: {  	v10 =	vadd.s32 $0x6000, v10;
	v12 =	vadd.s32 $0x6000, v17;
	s29 =	sadd.s32 s15, s29;
	v17 =	vld.idx.msk [tilespmem:v5+s7+$0x0], $0xffff;
	[tilespmem:s31+$0x0] =	vst v16;
	v5 =	vmov v29  }
0x3ba: {  	[tilespmem:s2+$0x0] =	vst v23;
	v16 =	vld.idx.msk [tilespmem:v27+s7+$0x0], $0xffff  }
0x3bb: {  	[tilespmem:s30+$0x9000] =	vst v26;
	s2 =	sld [smem:$0x7DB];
	v23 =	vld.idx.msk [tilespmem:v6+s7+$0x0], $0xffff;
	v6 =	vmov v33  }
0x3bc: {  	[tilespmem:s3+$0x9000] =	vst v14;
	v14 =	vld.idx.msk [tilespmem:v31+s7+$0x0], $0xffff  }
0x3bd: {  	s30 =	sld [smem:$0x7DC];
	v13 =	vld.idx.msk [tilespmem:v13+s7+$0x0], $0xffff;
	[tilespmem:s6+$0x9000] =	vst v30  }
0x3be: {  	[tilespmem:s28+$0x9000] =	vst v11;
	v11 =	vld.idx.msk [tilespmem:v20+s7+$0x0], $0xffff;
	v20 =	vadd.s32 $0x2000, v0;
	s2 =	sadd.s32 s11, s2;
	s11 =	smov.u32 s26  }
0x3bf: {  	v24 =	vld.idx.msk [tilespmem:v24+s7+$0x0], $0xffff;
	s3 =	sadd.s32 s12, s2;
	[tilespmem:s23+$0x0] =	vst v17;
	s6 =	sadd.s32 s14, s2;
	s12 =	sadd.s32 s13, s2  }
0x3c0: {  	s2 =	sadd.s32 s15, s2;
	s13 =	sadd.s32 s11, s30;
	v17 =	vld.idx.msk [tilespmem:v4+s7+$0x0], $0xffff;
	[tilespmem:s12+$0x0] =	vst v16;
	v4 =	vmov v32;
	s12 =	smov.u32 s25  }
0x3c1: {  	s23 =	sadd.s32 s12, s13;
	s15 =	sadd.s32 s21, s13;
	s14 =	sadd.s32 s24, s13;
	v16 =	vld.idx.msk [tilespmem:v1+s7+$0x0], $0xffff;
	[tilespmem:s29+$0x0] =	vst v23;
	v1 =	vmov v15  }
0x3c2: {  	s25 =	sadd.s32 s22, s13;
	s13 =	smov.u32 s24;
	[tilespmem:s14+$0x0] =	vst v14;
	v14 =	vld.idx.msk [tilespmem:v3+s7+$0x0], $0xffff;
	v3 =	vmov v12;
	s14 =	smov.u32 s21  }
0x3c3: {  	[tilespmem:s15+$0x0] =	vst v13;
	v12 =	vld.idx.msk [tilespmem:v20+s7+$0x0], $0xffff;
	s15 =	smov.u32 s22  }
0x3c4: {  	s21 =	sld [smem:$0x7DD];
	v13 =	vld.idx.msk [tilespmem:v18+s7+$0x0], $0xffff;
	[tilespmem:s25+$0x0] =	vst v11  }
0x3c5: {  	v15 =	vadd.s32 $0x3000, v0;
	[tilespmem:s23+$0x0] =	vst v24;
	v11 =	vld.idx.msk [tilespmem:v21+s7+$0x0], $0xffff  }
0x3c6: {  	v18 =	vld.idx.msk [tilespmem:v25+s7+$0x0], $0xffff;
	[tilespmem:s4+$0x0] =	vst v17  }
0x3c7: {  	s4 =	sadd.s32 s11, s21;
	v17 =	vld.idx.msk [tilespmem:v2+s7+$0x0], $0xffff;
	[tilespmem:s6+$0x0] =	vst v16;
	v2 =	vmov v10  }
0x3c8: {  	s6 =	sadd.s32 s12, s4;
	s21 =	sadd.s32 s14, s4;
	s22 =	sadd.s32 s13, s4;
	[tilespmem:s2+$0x0] =	vst v14  }
.Ltmp12:
0x3c9: {  	s2 =	sadd.s32 s15, s4;
	[tilespmem:s22+$0x0] =	vst v12;
	(pc) =	sbr.rel @p0 .LBB2_27-.Ltmp12, $4  }
0x3ca: {  	[tilespmem:s21+$0x0] =	vst v13;
	v13 =	vld.idx.msk [tilespmem:v15+s7+$0x0], $0xffff  }
0x3cb: {  	s4 =	sld [smem:$0x7DE];
	v10 =	vld.idx.msk [tilespmem:v19+s7+$0x0], $0xffff;
	[tilespmem:s2+$0x0] =	vst v11  }
0x3cc: {  	v14 =	vadd.s32 $0x4000, v0;
	[tilespmem:s6+$0x0] =	vst v18;
	v11 =	vld.idx.msk [tilespmem:v22+s7+$0x0], $0xffff  }
0x3cd: {  	v12 =	vld.idx.msk [tilespmem:v28+s7+$0x0], $0xffff;
	[tilespmem:s3+$0x0] =	vst v17  }
0x3ce: {  	_ = 	snop  }
0x3cf: {  	s2 =	sadd.s32 s11, s4  }
0x3d0: {  	s3 =	sadd.s32 s13, s2  }
0x3d1: {  	s4 =	sadd.s32 s14, s2;
	[tilespmem:s3+$0x0] =	vst v13  }
0x3d2: {  	s6 =	sadd.s32 s15, s2;
	v13 =	vld.idx.msk [tilespmem:v14+s7+$0x0], $0xffff;
	s3 =	sld [smem:$0x7D9];
	[tilespmem:s4+$0x0] =	vst v10  }
0x3d3: {  	v56 =	vadd.s32 $0x5000, v0;
	s2 =	sadd.s32 s12, s2;
	[tilespmem:s6+$0x0] =	vst v11;
	v9 =	vld.idx.msk [tilespmem:v9+s7+$0x0], $0xffff  }
0x3d4: {  	[tilespmem:s2+$0x0] =	vst v12;
	v8 =	vld.idx.msk [tilespmem:v8+s7+$0x0], $0xffff  }
0x3d5: {  	v7 =	vld.idx.msk [tilespmem:v7+s7+$0x0], $0xffff;
	s3 =	sadd.s32 s11, s3  }
0x3d6: {  	s29 =	sadd.s32 s13, s3  }
0x3d7: {  	s30 =	sadd.s32 s14, s3;
	[tilespmem:s29+$0x0] =	vst v13  }
0x3d8: {  	s31 =	sadd.s32 s15, s3;
	v57 =	vld.idx.msk [tilespmem:v56+s7+$0x0], $0xffff;
	s4 =	sld [smem:$0x7DA];
	[tilespmem:s30+$0x0] =	vst v9  }
0x3d9: {  	v58 =	vadd.s32 $0x6000, v0;
	s16 =	sadd.s32 s12, s3;
	[tilespmem:s31+$0x0] =	vst v8;
	v5 =	vld.idx.msk [tilespmem:v5+s7+$0x0], $0xffff  }
0x3da: {  	[tilespmem:s16+$0x0] =	vst v7;
	v6 =	vld.idx.msk [tilespmem:v6+s7+$0x0], $0xffff  }
0x3db: {  	v4 =	vld.idx.msk [tilespmem:v4+s7+$0x0], $0xffff;
	s17 =	sadd.s32 s11, s4  }
0x3dc: {  	s19 =	sadd.s32 s13, s17  }
0x3dd: {  	s21 =	sadd.s32 s14, s17;
	[tilespmem:s19+$0x0] =	vst v57  }
0x3de: {  	s23 =	sadd.s32 s15, s17;
	s22 =	sld [smem:$0x7DB];
	v0 =	vld.idx.msk [tilespmem:v58+s7+$0x0], $0xffff;
	[tilespmem:s21+$0x0] =	vst v5  }
0x3df: {  	s24 =	sadd.s32 s12, s17;
	[tilespmem:s23+$0x0] =	vst v6;
	v1 =	vld.idx.msk [tilespmem:v1+s7+$0x0], $0xffff  }
0x3e0: {  	v3 =	vld.idx.msk [tilespmem:v3+s7+$0x0], $0xffff;
	[tilespmem:s24+$0x0] =	vst v4  }
0x3e1: {  	v2 =	vld.idx.msk [tilespmem:v2+s7+$0x0], $0xffff;
	s25 =	sadd.s32 s11, s22  }
0x3e2: {  	s26 =	sadd.s32 s13, s25  }
0x3e3: {  	s4 =	sadd.s32 s14, s25;
	[tilespmem:s26+$0x0] =	vst v0  }
0x3e4: {  	s28 =	sadd.s32 s15, s25;
	[tilespmem:s4+$0x0] =	vst v1  }
0x3e5: {  	s29 =	sor.u32 s10, s9;
	s2 =	sadd.s32 s12, s25;
	[tilespmem:s28+$0x0] =	vst v3  }
0x3e6: {  	s30 =	sor.u32 $0x438, s29;
	[tilespmem:s2+$0x0] =	vst v2  }
0x3e7: {  	v0 =	vld [tilespmem:s30+$0x7000];
	_ =	sdelay $0x7  }
0x3e8: {  	v1 =	vld.idx.msk [tilespmem:v0+s7+$0x0], $0xffff  }
0x3e9: {  	v59 =	vadd.s32 $0x1000, v0;
	_ =	sdelay $0x3  }
0x3ea: {  	[tilespmem:s30+$0x9000] =	vst v1  }
0x3eb: {  	v1 =	vld.idx.msk [tilespmem:v59+s7+$0x0], $0xffff  }
0x3ec: {  	v60 =	vadd.s32 $0x2000, v0;
	_ =	sdelay $0x2  }
0x3ed: {  	s31 =	sadd.s32 s8, s18  }
0x3ee: {  	[tilespmem:s31+$0x1438] =	vst v1  }
0x3ef: {  	v1 =	vld.idx.msk [tilespmem:v60+s7+$0x0], $0xffff  }
0x3f0: {  	v61 =	vadd.s32 $0x3000, v0;
	_ =	sdelay $0x3  }
0x3f1: {  	[tilespmem:s31+$0x2438] =	vst v1  }
0x3f2: {  	v1 =	vld.idx.msk [tilespmem:v61+s7+$0x0], $0xffff  }
0x3f3: {  	v62 =	vadd.s32 $0x4000, v0;
	_ =	sdelay $0x3  }
0x3f4: {  	[tilespmem:s31+$0x3438] =	vst v1  }
0x3f5: {  	v1 =	vld.idx.msk [tilespmem:v62+s7+$0x0], $0xffff  }
0x3f6: {  	v63 =	vadd.s32 $0x5000, v0;
	_ =	sdelay $0x3  }
0x3f7: {  	[tilespmem:s31+$0x4438] =	vst v1  }
0x3f8: {  	v1 =	vld.idx.msk [tilespmem:v63+s7+$0x0], $0xffff  }
0x3f9: {  	v0 =	vadd.s32 $0x6000, v0;
	_ =	sdelay $0x3  }
0x3fa: {  	s0 =	sadd.s32 $0x1, s0;
	[tilespmem:s31+$0x5438] =	vst v1  }
0x3fb: {  	p0 =	sne.s32 s0, $0x10;
	v0 =	vld.idx.msk [tilespmem:v0+s7+$0x0], $0xffff  }
.Ltmp13:
0x3fc: {  	_ = 	snop;
	(pc) =	sbr.rel @p0 .LBB2_26-.Ltmp13, $2  }
0x3fd: {  	_ =	sdelay $0x2  }
0x3fe: {  	[tilespmem:s31+$0x6438] =	vst v0  }
0x3ff: {  	s0 =	sld [smem:$0x7FB]  }
0x400: {  	s2 =	simm.s32 $0x1000  }
0x401: {  	s3 =	simm.s32 $0x100000;
	s4 =	simm.s32 $0x9000;
	s31 =	simm.s32 $0x2  }
0x402: {  	[hbm4b:s0+s2] =	stream.strided.scatter [tilespmem:s4], [sflag:$0x3], $0x7000, s3, s2, $0x38;
	[tilespmem:$0x17000] =	vst v63  }
0x403: {  	_ =	swait.ge [sflag:s31], $0x1000  }
0x404: {  	[sflag:s31] =	ssyncset.done $0x0  }
0x405: {  	[sflag:s31] =	ssyncadd.s32 $0xFFFFF000  }
0x406: {  	_ =	swait.ge [sflag:s1], $0x7000  }
0x407: {  	[sflag:s1] =	ssyncset.done $0x0  }
0x408: {  	s5 =	simm.s32 $0x0;
	s0 =	simm.s32 $0x0;
	[sflag:s1] =	ssyncadd.s32 $0xFFFF9000  }
.LBB2_30:
0x409: {  	s2 =	sshll.u32 s0, $0x8;
	s9 =	sshll.u32 s0, $0x7  }
0x40a: {  	s10 =	sand.u32 $0x800, s2;
	s8 =	sand.u32 $0x380, s9  }
0x40b: {  	s16 =	sor.u32 s10, s8  }
0x40c: {  	s17 =	sor.u32 $0x11000, s16  }
0x40d: {  	s11 =	sand.u32 $0x400, s5;
	s18 =	sor.u32 $0x12000, s16;
	[smem:$0x7D6] =	sst s17  }
0x40e: {  	s19 =	sor.u32 $0x13000, s16;
	s21 =	sor.u32 $0x14000, s16;
	[smem:$0x7D7] =	sst s18  }
0x40f: {  	s22 =	sor.u32 $0x15000, s16;
	[smem:$0x7D8] =	sst s19;
	s17 =	simm.s32 $0x0  }
0x410: {  	s23 =	sor.u32 $0x16000, s16;
	[smem:$0x7D3] =	sst s21;
	s12 =	sand.u32 $0x40, s17  }
0x411: {  	s3 =	sor.u32 s11, s16;
	[smem:$0x7D4] =	sst s22;
	s13 =	sor.u32 $0x30, s12  }
0x412: {  	[smem:$0x7D5] =	sst s23;
	s14 =	sor.u32 $0x10, s12;
	s24 =	sor.u32 s13, s3  }
0x413: {  	s4 =	sor.u32 s14, s3;
	v0 =	vld [tilespmem:s24+$0x8000]  }
0x414: {  	v1 =	vld [tilespmem:s4+$0x8000]  }
0x415: {  	s15 =	sor.u32 $0x20, s12  }
0x416: {  	s6 =	sor.u32 s15, s3  }
0x417: {  	s3 =	sor.u32 s12, s3;
	v3 =	vld [tilespmem:s6+$0x8000]  }
0x418: {  	v2 =	vld [tilespmem:s3+$0x8000];
	_ =	sdelay $0x2  }
0x419: {  	v4 =	vld.idx.msk [tilespmem:v0+s7+$0x0], $0xffff  }
0x41a: {  	v5 =	vld.idx.msk [tilespmem:v1+s7+$0x0], $0xffff  }
0x41b: {  	v6 =	vadd.s32 $0x1000, v0  }
0x41c: {  	v7 =	vadd.s32 $0x1000, v1  }
0x41d: {  	v8 =	vld.idx.msk [tilespmem:v3+s7+$0x0], $0xffff  }
0x41e: {  	v9 =	vld.idx.msk [tilespmem:v2+s7+$0x0], $0xffff;
	[tilespmem:s24+$0x10000] =	vst v4;
	v4 =	vadd.s32 $0x1000, v3  }
0x41f: {  	[tilespmem:s4+$0x10000] =	vst v5;
	v5 =	vadd.s32 $0x1000, v2  }
0x420: {  	v6 =	vld.idx.msk [tilespmem:v6+s7+$0x0], $0xffff;
	s2 =	sld [smem:$0x7D6]  }
0x421: {  	v7 =	vld.idx.msk [tilespmem:v7+s7+$0x0], $0xffff  }
0x422: {  	v11 =	vadd.s32 $0x2000, v1;
	[tilespmem:s6+$0x10000] =	vst v8  }
0x423: {  	v10 =	vadd.s32 $0x2000, v0;
	[tilespmem:s3+$0x10000] =	vst v9;
	s2 =	sadd.s32 s11, s2;
	v4 =	vld.idx.msk [tilespmem:v4+s7+$0x0], $0xffff  }
0x424: {  	v8 =	vadd.s32 $0x2000, v3;
	s25 =	sadd.s32 s13, s2;
	v5 =	vld.idx.msk [tilespmem:v5+s7+$0x0], $0xffff  }
0x425: {  	s26 =	sadd.s32 s14, s2;
	[tilespmem:s25+$0x0] =	vst v6;
	v6 =	vadd.s32 $0x2000, v2  }
0x426: {  	[tilespmem:s26+$0x0] =	vst v7  }
0x427: {  	s28 =	sadd.s32 s15, s2;
	s3 =	sld [smem:$0x7D7];
	v9 =	vld.idx.msk [tilespmem:v11+s7+$0x0], $0xffff  }
0x428: {  	s2 =	sadd.s32 s12, s2;
	v7 =	vld.idx.msk [tilespmem:v10+s7+$0x0], $0xffff;
	v10 =	vadd.s32 $0x3000, v1;
	[tilespmem:s28+$0x0] =	vst v4  }
0x429: {  	v4 =	vadd.s32 $0x3000, v0;
	[tilespmem:s2+$0x0] =	vst v5;
	v11 =	vld.idx.msk [tilespmem:v8+s7+$0x0], $0xffff  }
0x42a: {  	v12 =	vadd.s32 $0x3000, v3;
	s29 =	sadd.s32 s11, s3;
	v14 =	vld.idx.msk [tilespmem:v6+s7+$0x0], $0xffff  }
0x42b: {  	v15 =	vadd.s32 $0x3000, v2;
	s30 =	sadd.s32 s14, s29  }
0x42c: {  	s3 =	sadd.s32 s13, s29;
	[tilespmem:s30+$0x0] =	vst v9  }
0x42d: {  	v5 =	vadd.s32 $0x5000, v1;
	s31 =	sadd.s32 s15, s29;
	[tilespmem:s3+$0x0] =	vst v7;
	v10 =	vld.idx.msk [tilespmem:v10+s7+$0x0], $0xffff  }
0x42e: {  	v8 =	vadd.s32 $0x4000, v3;
	s2 =	sadd.s32 s12, s29;
	v6 =	vadd.s32 $0x5000, v3;
	v3 =	vadd.s32 $0x6000, v3;
	s4 =	sld [smem:$0x7D8];
	v13 =	vld.idx.msk [tilespmem:v4+s7+$0x0], $0xffff;
	[tilespmem:s31+$0x0] =	vst v11  }
0x42f: {  	v9 =	vadd.s32 $0x4000, v1;
	v7 =	vadd.s32 $0x4000, v2;
	[tilespmem:s2+$0x0] =	vst v14;
	v14 =	vadd.s32 $0x4000, v0;
	v11 =	vld.idx.msk [tilespmem:v12+s7+$0x0], $0xffff  }
0x430: {  	s18 =	sor.u32 $0x10000, s10;
	s19 =	simm.s32 $0x0;
	v1 =	vadd.s32 $0x6000, v1;
	v4 =	vadd.s32 $0x5000, v2;
	v2 =	vadd.s32 $0x6000, v2;
	v12 =	vld.idx.msk [tilespmem:v15+s7+$0x0], $0xffff  }
.LBB2_31:
0x431: {  	s17 =	sadd.s32 $0x40, s17;
	s2 =	sadd.s32 s11, s4;
	s19 =	sadd.s32 $0x200, s19  }
0x432: {  	s25 =	sand.u32 $0x40, s17;
	s26 =	sand.u32 $0x400, s19;
	s3 =	sadd.s32 s13, s2  }
0x433: {  	s4 =	sor.u32 s26, s16;
	s21 =	sor.u32 $0x10, s25;
	s24 =	sor.u32 $0x30, s25;
	[tilespmem:s3+$0x0] =	vst v13  }
0x434: {  	s22 =	sor.u32 $0x20, s25;
	s3 =	sor.u32 s21, s4;
	s30 =	sor.u32 s24, s4;
	v13 =	vld.idx.msk [tilespmem:v14+s7+$0x0], $0xffff  }
0x435: {  	s28 =	sor.u32 s25, s4;
	s6 =	sor.u32 s22, s4;
	v14 =	vld [tilespmem:s30+$0x8000];
	s4 =	sld [smem:$0x7D3]  }
0x436: {  	v16 =	vadd.s32 $0x5000, v0;
	s23 =	sadd.s32 s12, s2;
	s29 =	sadd.s32 s14, s2;
	s2 =	sadd.s32 s15, s2;
	v15 =	vld [tilespmem:s3+$0x8000]  }
0x437: {  	p0 =	slt.u32 s17, $0x78;
	v17 =	vld [tilespmem:s6+$0x8000];
	[tilespmem:s29+$0x0] =	vst v10  }
0x438: {  	v10 =	vld [tilespmem:s28+$0x8000];
	s4 =	sadd.s32 s11, s4;
	[tilespmem:s2+$0x0] =	vst v11  }
0x439: {  	[tilespmem:s23+$0x0] =	vst v12;
	s2 =	sadd.s32 s12, s4;
	v11 =	vld.idx.msk [tilespmem:v9+s7+$0x0], $0xffff;
	s23 =	sadd.s32 s14, s4;
	s29 =	sadd.s32 s13, s4  }
0x43a: {  	s31 =	sadd.s32 s15, s4;
	v12 =	vld.idx.msk [tilespmem:v8+s7+$0x0], $0xffff;
	[tilespmem:s29+$0x0] =	vst v13  }
0x43b: {  	v13 =	vadd.s32 $0x1000, v15;
	v18 =	vadd.s32 $0x2000, v15;
	v19 =	vadd.s32 $0x3000, v15;
	v16 =	vld.idx.msk [tilespmem:v16+s7+$0x0], $0xffff  }
0x43c: {  	v20 =	vadd.s32 $0x1000, v17;
	v21 =	vadd.s32 $0x2000, v17;
	v22 =	vadd.s32 $0x3000, v17;
	v23 =	vld.idx.msk [tilespmem:v7+s7+$0x0], $0xffff;
	s4 =	sld [smem:$0x7D4]  }
0x43d: {  	v27 =	vadd.s32 $0x6000, v0;
	v0 =	vmovc v14;
	v24 =	vadd.s32 $0x1000, v10;
	v25 =	vadd.s32 $0x2000, v10;
	v26 =	vld.idx.msk [tilespmem:v14+s7+$0x0], $0xffff  }
0x43e: {  	v9 =	vadd.s32 $0x4000, v15;
	v8 =	vadd.s32 $0x4000, v17;
	v28 =	vadd.s32 $0x3000, v10;
	v14 =	vld.idx.msk [tilespmem:v15+s7+$0x0], $0xffff  }
0x43f: {  	v29 =	vadd.s32 $0x5000, v15;
	v31 =	vadd.s32 $0x1000, v0;
	v7 =	vadd.s32 $0x4000, v10;
	v30 =	vld.idx.msk [tilespmem:v17+s7+$0x0], $0xffff;
	s29 =	sadd.s32 s11, s4;
	[tilespmem:s23+$0x0] =	vst v11  }
0x440: {  	v33 =	vadd.s32 $0x5000, v17;
	v32 =	vadd.s32 $0x5000, v10;
	v15 =	vadd.s32 $0x6000, v15;
	v11 =	vld.idx.msk [tilespmem:v10+s7+$0x0], $0xffff;
	s4 =	sadd.s32 s12, s29;
	s23 =	sadd.s32 s14, s29;
	[tilespmem:s31+$0x0] =	vst v12;
	s31 =	sadd.s32 s13, s29  }
0x441: {  	v10 =	vadd.s32 $0x6000, v10;
	v12 =	vadd.s32 $0x6000, v17;
	s29 =	sadd.s32 s15, s29;
	v17 =	vld.idx.msk [tilespmem:v5+s7+$0x0], $0xffff;
	[tilespmem:s31+$0x0] =	vst v16;
	v5 =	vmov v29  }
0x442: {  	[tilespmem:s2+$0x0] =	vst v23;
	v16 =	vld.idx.msk [tilespmem:v27+s7+$0x0], $0xffff  }
0x443: {  	[tilespmem:s30+$0x10000] =	vst v26;
	s2 =	sld [smem:$0x7D5];
	v23 =	vld.idx.msk [tilespmem:v6+s7+$0x0], $0xffff;
	v6 =	vmov v33  }
0x444: {  	[tilespmem:s3+$0x10000] =	vst v14;
	v14 =	vld.idx.msk [tilespmem:v31+s7+$0x0], $0xffff  }
0x445: {  	s30 =	sld [smem:$0x7D6];
	v13 =	vld.idx.msk [tilespmem:v13+s7+$0x0], $0xffff;
	[tilespmem:s6+$0x10000] =	vst v30  }
0x446: {  	[tilespmem:s28+$0x10000] =	vst v11;
	v11 =	vld.idx.msk [tilespmem:v20+s7+$0x0], $0xffff;
	v20 =	vadd.s32 $0x2000, v0;
	s2 =	sadd.s32 s11, s2;
	s11 =	smov.u32 s26  }
0x447: {  	v24 =	vld.idx.msk [tilespmem:v24+s7+$0x0], $0xffff;
	s3 =	sadd.s32 s12, s2;
	[tilespmem:s23+$0x0] =	vst v17;
	s6 =	sadd.s32 s14, s2;
	s12 =	sadd.s32 s13, s2  }
0x448: {  	s2 =	sadd.s32 s15, s2;
	s13 =	sadd.s32 s11, s30;
	v17 =	vld.idx.msk [tilespmem:v4+s7+$0x0], $0xffff;
	[tilespmem:s12+$0x0] =	vst v16;
	v4 =	vmov v32;
	s12 =	smov.u32 s25  }
0x449: {  	s23 =	sadd.s32 s12, s13;
	s15 =	sadd.s32 s21, s13;
	s14 =	sadd.s32 s24, s13;
	v16 =	vld.idx.msk [tilespmem:v1+s7+$0x0], $0xffff;
	[tilespmem:s29+$0x0] =	vst v23;
	v1 =	vmov v15  }
0x44a: {  	s25 =	sadd.s32 s22, s13;
	s13 =	smov.u32 s24;
	[tilespmem:s14+$0x0] =	vst v14;
	v14 =	vld.idx.msk [tilespmem:v3+s7+$0x0], $0xffff;
	v3 =	vmov v12;
	s14 =	smov.u32 s21  }
0x44b: {  	[tilespmem:s15+$0x0] =	vst v13;
	v12 =	vld.idx.msk [tilespmem:v20+s7+$0x0], $0xffff;
	s15 =	smov.u32 s22  }
0x44c: {  	s21 =	sld [smem:$0x7D7];
	v13 =	vld.idx.msk [tilespmem:v18+s7+$0x0], $0xffff;
	[tilespmem:s25+$0x0] =	vst v11  }
0x44d: {  	v15 =	vadd.s32 $0x3000, v0;
	[tilespmem:s23+$0x0] =	vst v24;
	v11 =	vld.idx.msk [tilespmem:v21+s7+$0x0], $0xffff  }
0x44e: {  	v18 =	vld.idx.msk [tilespmem:v25+s7+$0x0], $0xffff;
	[tilespmem:s4+$0x0] =	vst v17  }
0x44f: {  	s4 =	sadd.s32 s11, s21;
	v17 =	vld.idx.msk [tilespmem:v2+s7+$0x0], $0xffff;
	[tilespmem:s6+$0x0] =	vst v16;
	v2 =	vmov v10  }
0x450: {  	s6 =	sadd.s32 s12, s4;
	s21 =	sadd.s32 s14, s4;
	s22 =	sadd.s32 s13, s4;
	[tilespmem:s2+$0x0] =	vst v14  }
.Ltmp14:
0x451: {  	s2 =	sadd.s32 s15, s4;
	[tilespmem:s22+$0x0] =	vst v12;
	(pc) =	sbr.rel @p0 .LBB2_31-.Ltmp14, $4  }
0x452: {  	[tilespmem:s21+$0x0] =	vst v13;
	v13 =	vld.idx.msk [tilespmem:v15+s7+$0x0], $0xffff  }
0x453: {  	s4 =	sld [smem:$0x7D8];
	v10 =	vld.idx.msk [tilespmem:v19+s7+$0x0], $0xffff;
	[tilespmem:s2+$0x0] =	vst v11  }
0x454: {  	v14 =	vadd.s32 $0x4000, v0;
	[tilespmem:s6+$0x0] =	vst v18;
	v11 =	vld.idx.msk [tilespmem:v22+s7+$0x0], $0xffff  }
0x455: {  	v12 =	vld.idx.msk [tilespmem:v28+s7+$0x0], $0xffff;
	[tilespmem:s3+$0x0] =	vst v17  }
0x456: {  	_ = 	snop  }
0x457: {  	s2 =	sadd.s32 s11, s4  }
0x458: {  	s3 =	sadd.s32 s13, s2  }
0x459: {  	s4 =	sadd.s32 s14, s2;
	[tilespmem:s3+$0x0] =	vst v13  }
0x45a: {  	s6 =	sadd.s32 s15, s2;
	v13 =	vld.idx.msk [tilespmem:v14+s7+$0x0], $0xffff;
	s3 =	sld [smem:$0x7D3];
	[tilespmem:s4+$0x0] =	vst v10  }
0x45b: {  	v56 =	vadd.s32 $0x5000, v0;
	s2 =	sadd.s32 s12, s2;
	[tilespmem:s6+$0x0] =	vst v11;
	v9 =	vld.idx.msk [tilespmem:v9+s7+$0x0], $0xffff  }
0x45c: {  	[tilespmem:s2+$0x0] =	vst v12;
	v8 =	vld.idx.msk [tilespmem:v8+s7+$0x0], $0xffff  }
0x45d: {  	v7 =	vld.idx.msk [tilespmem:v7+s7+$0x0], $0xffff;
	s3 =	sadd.s32 s11, s3  }
0x45e: {  	s29 =	sadd.s32 s13, s3  }
0x45f: {  	s30 =	sadd.s32 s14, s3;
	[tilespmem:s29+$0x0] =	vst v13  }
0x460: {  	s31 =	sadd.s32 s15, s3;
	v57 =	vld.idx.msk [tilespmem:v56+s7+$0x0], $0xffff;
	s4 =	sld [smem:$0x7D4];
	[tilespmem:s30+$0x0] =	vst v9  }
0x461: {  	v58 =	vadd.s32 $0x6000, v0;
	s16 =	sadd.s32 s12, s3;
	[tilespmem:s31+$0x0] =	vst v8;
	v5 =	vld.idx.msk [tilespmem:v5+s7+$0x0], $0xffff  }
0x462: {  	[tilespmem:s16+$0x0] =	vst v7;
	v6 =	vld.idx.msk [tilespmem:v6+s7+$0x0], $0xffff  }
0x463: {  	v4 =	vld.idx.msk [tilespmem:v4+s7+$0x0], $0xffff;
	s17 =	sadd.s32 s11, s4  }
0x464: {  	s19 =	sadd.s32 s13, s17  }
0x465: {  	s21 =	sadd.s32 s14, s17;
	[tilespmem:s19+$0x0] =	vst v57  }
0x466: {  	s23 =	sadd.s32 s15, s17;
	s22 =	sld [smem:$0x7D5];
	v0 =	vld.idx.msk [tilespmem:v58+s7+$0x0], $0xffff;
	[tilespmem:s21+$0x0] =	vst v5  }
0x467: {  	s24 =	sadd.s32 s12, s17;
	[tilespmem:s23+$0x0] =	vst v6;
	v1 =	vld.idx.msk [tilespmem:v1+s7+$0x0], $0xffff  }
0x468: {  	v3 =	vld.idx.msk [tilespmem:v3+s7+$0x0], $0xffff;
	[tilespmem:s24+$0x0] =	vst v4  }
0x469: {  	v2 =	vld.idx.msk [tilespmem:v2+s7+$0x0], $0xffff;
	s25 =	sadd.s32 s11, s22  }
0x46a: {  	s26 =	sadd.s32 s13, s25  }
0x46b: {  	s4 =	sadd.s32 s14, s25;
	[tilespmem:s26+$0x0] =	vst v0  }
0x46c: {  	s28 =	sadd.s32 s15, s25;
	[tilespmem:s4+$0x0] =	vst v1  }
0x46d: {  	s29 =	sor.u32 s10, s9;
	s2 =	sadd.s32 s12, s25;
	[tilespmem:s28+$0x0] =	vst v3  }
0x46e: {  	s30 =	sor.u32 $0x438, s29;
	[tilespmem:s2+$0x0] =	vst v2  }
0x46f: {  	v0 =	vld [tilespmem:s30+$0x8000];
	_ =	sdelay $0x7  }
0x470: {  	v1 =	vld.idx.msk [tilespmem:v0+s7+$0x0], $0xffff  }
0x471: {  	v59 =	vadd.s32 $0x1000, v0;
	_ =	sdelay $0x3  }
0x472: {  	[tilespmem:s30+$0x10000] =	vst v1  }
0x473: {  	v1 =	vld.idx.msk [tilespmem:v59+s7+$0x0], $0xffff  }
0x474: {  	v60 =	vadd.s32 $0x2000, v0;
	_ =	sdelay $0x2  }
0x475: {  	s31 =	sadd.s32 s8, s18  }
0x476: {  	[tilespmem:s31+$0x1438] =	vst v1  }
0x477: {  	v1 =	vld.idx.msk [tilespmem:v60+s7+$0x0], $0xffff  }
0x478: {  	v61 =	vadd.s32 $0x3000, v0;
	_ =	sdelay $0x3  }
0x479: {  	[tilespmem:s31+$0x2438] =	vst v1  }
0x47a: {  	v1 =	vld.idx.msk [tilespmem:v61+s7+$0x0], $0xffff  }
0x47b: {  	v62 =	vadd.s32 $0x4000, v0;
	_ =	sdelay $0x3  }
0x47c: {  	[tilespmem:s31+$0x3438] =	vst v1  }
0x47d: {  	v1 =	vld.idx.msk [tilespmem:v62+s7+$0x0], $0xffff  }
0x47e: {  	v63 =	vadd.s32 $0x5000, v0;
	_ =	sdelay $0x3  }
0x47f: {  	[tilespmem:s31+$0x4438] =	vst v1  }
0x480: {  	v1 =	vld.idx.msk [tilespmem:v63+s7+$0x0], $0xffff  }
0x481: {  	v0 =	vadd.s32 $0x6000, v0;
	_ =	sdelay $0x3  }
0x482: {  	s0 =	sadd.s32 $0x1, s0;
	[tilespmem:s31+$0x5438] =	vst v1  }
0x483: {  	p0 =	sne.s32 s0, $0x10;
	v0 =	vld.idx.msk [tilespmem:v0+s7+$0x0], $0xffff  }
.Ltmp15:
0x484: {  	_ = 	snop;
	(pc) =	sbr.rel @p0 .LBB2_30-.Ltmp15, $2  }
0x485: {  	_ =	sdelay $0x2  }
0x486: {  	[tilespmem:s31+$0x6438] =	vst v0  }
0x487: {  	s0 =	sld [smem:$0x7FC]  }
0x488: {  	s31 =	simm.s32 $0x1000  }
0x489: {  	s2 =	simm.s32 $0x100000;
	s3 =	simm.s32 $0x10000;
	s29 =	simm.s32 $0x3  }
0x48a: {  	[hbm4b:s0+s31] =	stream.strided.scatter [tilespmem:s3], [sflag:$0x4], $0x7000, s2, s31, $0x38;
	[tilespmem:$0x17000] =	vst v63  }
0x48b: {  	_ =	swait.ge [sflag:s29], $0x7000  }
0x48c: {  	[sflag:s29] =	ssyncset.done $0x0  }
0x48d: {  	[sflag:s29] =	ssyncadd.s32 $0xFFFF9000  }
0x48e: {  	_ =	swait.ge [sflag:s1], $0x7000  }
0x48f: {  	s30 =	sld [smem:$0x7FD];
	_ =	sdelay $0x1  }
0x490: {  	s20 =	sadd.s32 $0x1, s20  }
0x491: {  	p0 =	sne.s32 s20, s30  }
.Ltmp16:
0x492: {  	_ = 	snop;
	(pc) =	sbr.rel @p0 .LBB2_1-.Ltmp16, $3  }
0x493: {  	_ =	sdelay $0x1  }
0x494: {  	[sflag:s1] =	ssyncset.done $0x0  }
0x495: {  	[sflag:s1] =	ssyncadd.s32 $0xFFFF9000  }
0x496: {  	_ =	sfence.sel $0x180000  }
0x497: {  	[bflag:$0x0] =	sbarrier.arrive $0xFFFF  }
0x498: {  	_ =	strace $0x90000047  }
0x499: {  	s0 =	stileid.u32;
	[bflag:$0x2] =	sbarrier.arrive $0xFFFF  }
0x49a: {  	p0 =	sne.s32 s0, $0x0;
	s0 =	rddreg [dreg:$0x9]  }
0x49b: {  	s0 =	sadd.s32 @!p0 $0x100000, s0  }
0x49c: {  	[sflag:s0] =	ssyncadd.tile.s32 @!p0 $0x1;
	_ =	shalt  }
.Lfunc_end2:
_tile_overlayer_lowered:
.L_overlay_start_2:
0x49d: {  	(tag) =	ssettag $0x2  }
0x49e: {  	s0 =	rddreg [dreg:$0x0];
	s2 =	stileid.u32  }
0x49f: {  	s1 =	rddreg [dreg:$0x1];
	p0 =	sne.s32 s2, $0x0  }
0x4a0: {  	s3 =	rddreg [dreg:$0x2];
	[bflag:$0x3] =	sbarrier.arrive $0xFFFF;
	s2 =	simm.s32 @!p0 $0x1C05  }
0x4a1: {  	[timem:s3], [sflag:s2] =	dma.local @!p0 [hbm:s0], s1  }
0x4a2: {  	s0 =	simm.s32 @!p0 $0x5  }
0x4a3: {  	_ =	swait.ge @!p0 [sflag:s0], s1  }
0x4a4: {  	s1 =	ssub.s32 @!p0 $0x0, s1;
	[sflag:s0] =	ssyncset.done @!p0 $0x0  }
0x4a5: {  	[sflag:s0] =	ssyncadd.s32 @!p0 s1  }
0x4a6: {  	[bflag:$0x3] =	sbarrier.arrive $0xFFFF  }
0x4a7: {  	_ =	shalt  }

</sc_bundles>
